<compile_context>
chip_gen: v7x
topology: tpu7x:2x2x1
jax: 0.10.2.dev20260603
libtpu: 0.0.44.dev20260713+nightly
codegen_flags: <defaults>
</compile_context>

<pallas_src>
import functools

import jax
import jax.numpy as jnp
from jax import lax
from jax.experimental import pallas as pl
from jax.experimental.pallas import tpu as pltpu

N_BINS = 15
ROWS = 500000
NCLS = 100
BLK = 20000


def _conf_corr_body(logits_ref, labels_ref, conf_ref, corr_ref):
    x = logits_ref[...].reshape(NCLS, BLK)
    m = jnp.max(x, axis=0, keepdims=True)
    e = jnp.exp(x - m)
    s = jnp.sum(e, axis=0, keepdims=True)
    conf = 1.0 / s
    conf = jnp.where(conf == 1.0, jnp.float32(0.999999), conf)
    lab = labels_ref[...].reshape(1, BLK)
    riota = lax.broadcasted_iota(jnp.int32, (NCLS, BLK), 0)
    hit = ((riota == lab) & (x == m)).astype(jnp.float32)
    corr = jnp.max(hit, axis=0, keepdims=True)
    conf_ref[...] = conf.reshape(1, 1, BLK)
    corr_ref[...] = corr.reshape(1, 1, BLK)


def _conf_corr(logits, labels):
    grid = ROWS // BLK
    lt = logits.reshape(grid, BLK, NCLS).transpose(0, 2, 1)
    conf, corr = pl.pallas_call(
        _conf_corr_body,
        grid=(grid,),
        in_specs=[
            pl.BlockSpec((1, NCLS, BLK), lambda i: (i, 0, 0)),
            pl.BlockSpec((1, 1, BLK), lambda i: (i, 0, 0)),
        ],
        out_specs=[
            pl.BlockSpec((1, 1, BLK), lambda i: (i, 0, 0)),
            pl.BlockSpec((1, 1, BLK), lambda i: (i, 0, 0)),
        ],
        out_shape=[
            jax.ShapeDtypeStruct((grid, 1, BLK), jnp.float32),
            jax.ShapeDtypeStruct((grid, 1, BLK), jnp.float32),
        ],
    )(lt, labels.reshape(grid, 1, BLK))
    return conf, corr


from jax.experimental.pallas import tpu_sc as plsc

SC_LO = 0x3B800000
NW = 32
LANES = 16
N_PAD = 500224
CHUNK = N_PAD // NW
ITERS = CHUNK // LANES

def _wid():
    return lax.axis_index("s") * 2 + lax.axis_index("c")


def _zero_hist(hist_ref, nbins):
    z = jnp.zeros((LANES,), jnp.int32)

    def body(i, c):
        hist_ref[pl.ds(i * LANES, LANES)] = z
        return c

    lax.fori_loop(0, nbins // LANES, body, 0, unroll=8)


def _bits_of(data_ref, i):
    v = data_ref[pl.ds(i * LANES, LANES)]
    return lax.bitcast_convert_type(v, jnp.int32)


def _sc_hist1_body(conf_hbm, out_hbm, data_v, hist_v):
    w = _wid()
    pltpu.sync_copy(conf_hbm.at[pl.ds(w * CHUNK, CHUNK)], data_v)
    _zero_hist(hist_v, 1024)
    ones = jnp.ones((LANES,), jnp.int32)

    def body(i, c):
        b = _bits_of(data_v, i)
        x = (b - SC_LO) >> 16
        valid = (x >= 0) & (x < 1024)
        xc = jnp.where(valid, x, 0)
        plsc.addupdate_scatter(hist_v, [xc], ones, mask=valid)
        return c

    lax.fori_loop(0, ITERS, body, 0, unroll=4)
    pltpu.sync_copy(hist_v, out_hbm.at[pl.ds(w * 1024, 1024)])


def _sc_hist2_body(conf_hbm, map1_hbm, out_hbm, data_v, map1_v, hist_v):
    w = _wid()
    pltpu.sync_copy(conf_hbm.at[pl.ds(w * CHUNK, CHUNK)], data_v)
    pltpu.sync_copy(map1_hbm, map1_v)
    _zero_hist(hist_v, 32768)
    ones = jnp.ones((LANES,), jnp.int32)

    def body(i, c):
        b = _bits_of(data_v, i)
        x = (b - SC_LO) >> 16
        v1 = (x >= 0) & (x < 1024)
        cand = plsc.load_gather(map1_v, [jnp.where(v1, x, 0)])
        valid = v1 & (cand >= 0)
        idx = cand * 1024 + ((b >> 6) & 1023)
        plsc.addupdate_scatter(hist_v, [jnp.where(valid, idx, 0)], ones,
                               mask=valid)
        return c

    lax.fori_loop(0, ITERS, body, 0, unroll=4)
    pltpu.sync_copy(hist_v, out_hbm.at[pl.ds(w * 32768, 32768)])


def _sc_hist3_body(conf_hbm, map1_hbm, map2_hbm, out_hbm, data_v, map1_v,
                   map2_v, hist_v):
    w = _wid()
    pltpu.sync_copy(conf_hbm.at[pl.ds(w * CHUNK, CHUNK)], data_v)
    pltpu.sync_copy(map1_hbm, map1_v)
    pltpu.sync_copy(map2_hbm, map2_v)
    _zero_hist(hist_v, 2048)
    ones = jnp.ones((LANES,), jnp.int32)

    def body(i, c):
        b = _bits_of(data_v, i)
        x = (b - SC_LO) >> 16
        v1 = (x >= 0) & (x < 1024)
        cand = plsc.load_gather(map1_v, [jnp.where(v1, x, 0)])
        v2 = v1 & (cand >= 0)
        m2 = cand * 1024 + ((b >> 6) & 1023)
        cand2 = plsc.load_gather(map2_v, [jnp.where(v2, m2, 0)])
        valid = v2 & (cand2 >= 0)
        idx = cand2 * 64 + (b & 63)
        plsc.addupdate_scatter(hist_v, [jnp.where(valid, idx, 0)], ones,
                               mask=valid)
        return c

    lax.fori_loop(0, ITERS, body, 0, unroll=4)
    pltpu.sync_copy(hist_v, out_hbm.at[pl.ds(w * 2048, 2048)])


@functools.lru_cache(maxsize=1)
def _sc_kernels():
    mesh = plsc.VectorSubcoreMesh(core_axis_name="c", subcore_axis_name="s",
                                  num_cores=2, num_subcores=16)
    params = pltpu.CompilerParams(needs_layout_passes=False)
    h1 = pl.kernel(
        _sc_hist1_body,
        out_type=jax.ShapeDtypeStruct((NW * 1024,), jnp.int32),
        mesh=mesh,
        compiler_params=params,
        scratch_types=[pltpu.VMEM((CHUNK,), jnp.float32),
                       pltpu.VMEM((1024,), jnp.int32)],
    )
    h2 = pl.kernel(
        _sc_hist2_body,
        out_type=jax.ShapeDtypeStruct((NW * 32768,), jnp.int32),
        mesh=mesh,
        compiler_params=params,
        scratch_types=[pltpu.VMEM((CHUNK,), jnp.float32),
                       pltpu.VMEM((1024,), jnp.int32),
                       pltpu.VMEM((32768,), jnp.int32)],
    )
    h3 = pl.kernel(
        _sc_hist3_body,
        out_type=jax.ShapeDtypeStruct((NW * 2048,), jnp.int32),
        mesh=mesh,
        compiler_params=params,
        scratch_types=[pltpu.VMEM((CHUNK,), jnp.float32),
                       pltpu.VMEM((1024,), jnp.int32),
                       pltpu.VMEM((32768,), jnp.int32),
                       pltpu.VMEM((2048,), jnp.int32)],
    )
    return h1, h2, h3


def _bin_edges(conf_flat):
    npt = ROWS
    qpos = jnp.linspace(0.0, float(npt), N_BINS + 1)
    k = jnp.clip(jnp.floor(qpos).astype(jnp.int32), 0, npt - 2)
    ranks = jnp.concatenate([k, k + 1])

    conf_pad = jnp.concatenate(
        [conf_flat, jnp.full((N_PAD - ROWS,), 2.0, jnp.float32)])

    sc1, sc2, sc3 = _sc_kernels()
    h1 = sc1(conf_pad).reshape(NW, 1024).sum(0)
    cum1 = jnp.cumsum(h1)
    bucket = jnp.sum((cum1[None, :] <= ranks[:, None]).astype(jnp.int32),
                     axis=1)
    base1 = jnp.where(bucket > 0, cum1[jnp.maximum(bucket - 1, 0)], 0)
    r2 = ranks - base1
    uniq1 = jnp.unique(bucket, size=32, fill_value=1024)
    map1 = jnp.full((1025,), -1, jnp.int32).at[uniq1].set(
        jnp.arange(32, dtype=jnp.int32))
    cand = map1[bucket]

    h2 = sc2(conf_pad, map1[:1024]).reshape(NW, 32768).sum(0)
    cum2 = jnp.cumsum(h2.reshape(32, 1024), axis=1)
    cum2r = cum2[cand]
    sub = jnp.sum((cum2r <= r2[:, None]).astype(jnp.int32), axis=1)
    base2 = jnp.where(
        sub > 0,
        jnp.take_along_axis(cum2r, jnp.maximum(sub - 1, 0)[:, None],
                            axis=1)[:, 0], 0)
    r3 = r2 - base2
    key2 = cand * 1024 + sub
    uniq2 = jnp.unique(key2, size=32, fill_value=32768)
    map2 = jnp.full((32769,), -1, jnp.int32).at[uniq2].set(
        jnp.arange(32, dtype=jnp.int32))
    cand2 = map2[key2]

    h3 = sc3(conf_pad, map1[:1024], map2[:32768]).reshape(
        NW, 2048).sum(0)
    cum3 = jnp.cumsum(h3.reshape(32, 64), axis=1)
    cum3r = cum3[cand2]
    low = jnp.sum((cum3r <= r3[:, None]).astype(jnp.int32), axis=1)

    bits = SC_LO + (bucket << 16) + (sub << 6) + low
    vals = lax.bitcast_convert_type(bits.astype(jnp.int32), jnp.float32)

    fpk, fpk1 = vals[:16], vals[16:]
    delta = qpos - k.astype(jnp.float32)
    f = fpk + delta * (fpk1 - fpk)
    f = jnp.where(qpos > jnp.float32(npt - 1), vals[31], f)
    return f


def _ece_body(conf_ref, corr_ref, edges_ref, out_ref, acc_ref):
    i = pl.program_id(0)

    @pl.when(i == 0)
    def _init():
        acc_ref[...] = jnp.zeros_like(acc_ref)

    conf = conf_ref[...].reshape(1, BLK)
    corr = corr_ref[...].reshape(1, BLK)
    edges = edges_ref[...]
    gt = (conf > edges).astype(jnp.float32)
    dims = (((1,), (1,)), ((), ()))
    one = jnp.ones_like(conf)
    acc_ref[:, 0:1] += lax.dot_general(gt, one, dims,
                                       preferred_element_type=jnp.float32)
    acc_ref[:, 1:2] += lax.dot_general(gt, conf, dims,
                                       preferred_element_type=jnp.float32)
    acc_ref[:, 2:3] += lax.dot_general(gt, corr, dims,
                                       preferred_element_type=jnp.float32)

    @pl.when(i == pl.num_programs(0) - 1)
    def _fin():
        sv = acc_ref[...]
        binned = sv[0:15, :] - sv[1:16, :]
        cntf = binned[:, 0:1]
        conf_s = binned[:, 1:2]
        corr_s = binned[:, 2:3]
        prop = cntf / jnp.float32(ROWS)
        safe = jnp.maximum(cntf, 1.0)
        accb = jnp.clip(corr_s / safe, 0.01, 0.99)
        avg = conf_s / safe
        contrib = jnp.where(prop > 0.0, jnp.abs(avg - accb) * prop, 0.0)
        out_ref[...] = jnp.sum(contrib, axis=(0, 1), keepdims=True)


def _ece_from_bins(conf3, corr3, edges):
    grid = ROWS // BLK
    out = pl.pallas_call(
        _ece_body,
        grid=(grid,),
        in_specs=[
            pl.BlockSpec((1, 1, BLK), lambda i: (i, 0, 0)),
            pl.BlockSpec((1, 1, BLK), lambda i: (i, 0, 0)),
            pl.BlockSpec((16, 1), lambda i: (0, 0)),
        ],
        out_specs=pl.BlockSpec((1, 1), lambda i: (0, 0)),
        out_shape=jax.ShapeDtypeStruct((1, 1), jnp.float32),
        scratch_shapes=[pltpu.VMEM((16, 3), jnp.float32)],
    )(conf3, corr3, edges.reshape(16, 1))
    return out.reshape(1)


def kernel(logits, labels):
    conf3, corr3 = _conf_corr(logits, labels)
    edges = _bin_edges(conf3.reshape(ROWS))
    return _ece_from_bins(conf3, corr3, edges)

# --- scband reference (transcript-rebuilt; emitter-appended) ---
"""Pipeline reference for scband-adaptive-eceloss-85289460564452 (READ-ONLY COPY).

The authoritative reference and input builder live on the scoring server;
editing this copy changes nothing except your own understanding.
"""

import jax, jax.numpy as jnp
import numpy as np

N_BINS = 15
N = 500000
C = 100


def setup_inputs(seed: int = 0) -> dict:
    key = jax.random.key(seed)
    k1, k2 = jax.random.split(key)
    logits = jax.random.normal(k1, (N, C), dtype=jnp.float32)
    labels = jax.random.randint(k2, (N,), 0, C, dtype=jnp.int32)
    return {"logits": logits, "labels": labels}


def reference(logits, labels):
    # LOGIT=True path: softmax then max-confidence / argmax prediction
    softmaxes = jax.nn.softmax(logits, axis=1)
    confidences = jnp.max(softmaxes, axis=1)
    predictions = jnp.argmax(softmaxes, axis=1)
    correctness = (predictions == labels).astype(jnp.float32)
    # confidences[confidences == 1] = 0.999999
    confidences = jnp.where(confidences == 1.0, 0.999999, confidences)
    # histedges_equalN: equal-mass bin edges via interpolation over sorted confidences
    npt = confidences.shape[0]
    sorted_conf = jnp.sort(confidences)
    quantile_pos = jnp.linspace(0.0, float(npt), N_BINS + 1)
    bin_boundaries = jnp.interp(quantile_pos, jnp.arange(npt, dtype=jnp.float32), sorted_conf)
    bin_lowers = bin_boundaries[:-1]
    bin_uppers = bin_boundaries[1:]
    ece = jnp.zeros((1,), dtype=jnp.float32)
    for i in range(N_BINS):
        in_bin = (confidences > bin_lowers[i]) & (confidences <= bin_uppers[i])
        in_bin_f = in_bin.astype(jnp.float32)
        prop_in_bin = jnp.mean(in_bin_f)
        cnt = jnp.sum(in_bin_f)
        safe_cnt = jnp.maximum(cnt, 1.0)
        accuracy_in_bin = jnp.sum(correctness * in_bin_f) / safe_cnt
        accuracy_in_bin = jnp.clip(accuracy_in_bin, 0.01, 0.99)
        avg_confidence_in_bin = jnp.sum(confidences * in_bin_f) / safe_cnt
        contrib = jnp.where(prop_in_bin > 0.0,
                            jnp.abs(avg_confidence_in_bin - accuracy_in_bin) * prop_in_bin,
                            0.0)
        ece = ece + contrib
    return ece

if __name__ == "__main__":
    import jax
    _d = setup_inputs()
    print(jax.jit(kernel)(*tuple(_d.values())))

</pallas_src>

<mosaic_0001>
#map = affine_map<(d0, d1) -> (0)>
module attributes {stable_mosaic.version = 14 : i64} {
  func.func @_sc_hist2_body(%arg0: i32, %arg1: i32, %arg2: memref<500224xf32, #tpu.memory_space<hbm>>, %arg3: memref<1024xi32, #tpu.memory_space<hbm>>, %arg4: memref<1048576xi32, #tpu.memory_space<hbm>>, %arg5: memref<15632xf32, #tpu.memory_space<vmem>>, %arg6: memref<1024xi32, #tpu.memory_space<vmem>>, %arg7: memref<32768xi32, #tpu.memory_space<vmem>>) attributes {dimension_semantics = [#tpu.dimension_semantics<core_parallel>, #tpu.dimension_semantics<subcore_parallel>], iteration_bounds = array<i64: 2, 16>, scalar_prefetch = 0 : i64, scratch_operands = 3 : i64, tpu.core_type = #tpu.core_type<sc_vector_subcore>, window_params = [{transform_indices = #map}, {transform_indices = #map}, {transform_indices = #map}]} {
    %mul3A = arith.constant 2 : i32
    %mul3A_0 = arith.muli %arg1, %mul3A : i32
    %add3A = arith.addi %mul3A_0, %arg0 : i32
    %mul3A_1 = arith.constant 15632 : i32
    %mul3A_2 = arith.muli %add3A, %mul3A_1 : i32
    "tpu.region"() ({
      %run_scoped3A = tpu.sem_alloc : memref<!tpu.dma_semaphore, #tpu.memory_space<semaphore_mem>>
      %dma_start3A = tpu.memref_slice %arg2[%mul3A_2] : memref<500224xf32, #tpu.memory_space<hbm>> -> memref<15632xf32, #tpu.memory_space<hbm>>
      %dma_start3A_50 = tpu.memref_slice %arg2[%mul3A_2] : memref<500224xf32, #tpu.memory_space<hbm>> -> memref<15632xf32, #tpu.memory_space<hbm>>
      tpu.enqueue_dma source(%dma_start3A_50 : memref<15632xf32, #tpu.memory_space<hbm>>) target(%arg5 : memref<15632xf32, #tpu.memory_space<vmem>>) target_semaphore(%run_scoped3A : memref<!tpu.dma_semaphore, #tpu.memory_space<semaphore_mem>>)
      %dma_wait3A = tpu.memref_slice %arg2[%mul3A_2] : memref<500224xf32, #tpu.memory_space<hbm>> -> memref<15632xf32, #tpu.memory_space<hbm>>
      %dma_wait3A_51 = tpu.memref_slice %arg2[%mul3A_2] : memref<500224xf32, #tpu.memory_space<hbm>> -> memref<15632xf32, #tpu.memory_space<hbm>>
      tpu.wait_dma2 semaphore(%run_scoped3A : memref<!tpu.dma_semaphore, #tpu.memory_space<semaphore_mem>>) src(%dma_wait3A_51 : memref<15632xf32, #tpu.memory_space<hbm>>) dst(%arg5 : memref<15632xf32, #tpu.memory_space<vmem>>)
      tpu.yield
    }) : () -> ()
    "tpu.region"() ({
      %run_scoped3A = tpu.sem_alloc : memref<!tpu.dma_semaphore, #tpu.memory_space<semaphore_mem>>
      tpu.enqueue_dma source(%arg3 : memref<1024xi32, #tpu.memory_space<hbm>>) target(%arg6 : memref<1024xi32, #tpu.memory_space<vmem>>) target_semaphore(%run_scoped3A : memref<!tpu.dma_semaphore, #tpu.memory_space<semaphore_mem>>)
      tpu.wait_dma2 semaphore(%run_scoped3A : memref<!tpu.dma_semaphore, #tpu.memory_space<semaphore_mem>>) src(%arg3 : memref<1024xi32, #tpu.memory_space<hbm>>) dst(%arg6 : memref<1024xi32, #tpu.memory_space<vmem>>)
      tpu.yield
    }) : () -> ()
    %broadcast_in_dim3A = arith.constant 0 : i32
    %broadcast_in_dim3A_3 = vector.broadcast %broadcast_in_dim3A : i32 to vector<16xi32>
    %scan3A = arith.constant 0 : i32
    %scan3A_4 = arith.constant 0 : i32
    %scan3A_5 = arith.constant 2048 : i32
    %scan3A_6 = arith.addi %scan3A_4, %scan3A_5 : i32
    %scan3A_7 = arith.constant 8 : i32
    scf.for %scan3A_50 = %scan3A_4 to %scan3A_6 step %scan3A_7  : i32 {
      %mul3A_51 = arith.constant 16 : i32
      %mul3A_52 = arith.muli %scan3A_50, %mul3A_51 : i32
      %swap3A = arith.index_cast %mul3A_52 : i32 to index
      %swap3A_53 = tpu.vector_load %arg7[%swap3A] {strides = array<i32>} : memref<32768xi32, #tpu.memory_space<vmem>>, vector<16xi32>,
      tpu.vector_store %arg7[%swap3A], %broadcast_in_dim3A_3 {strides = array<i32>} : memref<32768xi32, #tpu.memory_space<vmem>>, vector<16xi32>,
      %scan3A_54 = arith.constant 1 : i32
      %scan3A_55 = arith.addi %scan3A_50, %scan3A_54 : i32
      %mul3A_56 = arith.constant 16 : i32
      %mul3A_57 = arith.muli %scan3A_55, %mul3A_56 : i32
      %swap3A_58 = arith.index_cast %mul3A_57 : i32 to index
      %swap3A_59 = tpu.vector_load %arg7[%swap3A_58] {strides = array<i32>} : memref<32768xi32, #tpu.memory_space<vmem>>, vector<16xi32>,
      tpu.vector_store %arg7[%swap3A_58], %broadcast_in_dim3A_3 {strides = array<i32>} : memref<32768xi32, #tpu.memory_space<vmem>>, vector<16xi32>,
      %scan3A_60 = arith.constant 2 : i32
      %scan3A_61 = arith.addi %scan3A_50, %scan3A_60 : i32
      %mul3A_62 = arith.constant 16 : i32
      %mul3A_63 = arith.muli %scan3A_61, %mul3A_62 : i32
      %swap3A_64 = arith.index_cast %mul3A_63 : i32 to index
      %swap3A_65 = tpu.vector_load %arg7[%swap3A_64] {strides = array<i32>} : memref<32768xi32, #tpu.memory_space<vmem>>, vector<16xi32>,
      tpu.vector_store %arg7[%swap3A_64], %broadcast_in_dim3A_3 {strides = array<i32>} : memref<32768xi32, #tpu.memory_space<vmem>>, vector<16xi32>,
      %scan3A_66 = arith.constant 3 : i32
      %scan3A_67 = arith.addi %scan3A_50, %scan3A_66 : i32
      %mul3A_68 = arith.constant 16 : i32
      %mul3A_69 = arith.muli %scan3A_67, %mul3A_68 : i32
      %swap3A_70 = arith.index_cast %mul3A_69 : i32 to index
      %swap3A_71 = tpu.vector_load %arg7[%swap3A_70] {strides = array<i32>} : memref<32768xi32, #tpu.memory_space<vmem>>, vector<16xi32>,
      tpu.vector_store %arg7[%swap3A_70], %broadcast_in_dim3A_3 {strides = array<i32>} : memref<32768xi32, #tpu.memory_space<vmem>>, vector<16xi32>,
      %scan3A_72 = arith.constant 4 : i32
      %scan3A_73 = arith.addi %scan3A_50, %scan3A_72 : i32
      %mul3A_74 = arith.constant 16 : i32
      %mul3A_75 = arith.muli %scan3A_73, %mul3A_74 : i32
      %swap3A_76 = arith.index_cast %mul3A_75 : i32 to index
      %swap3A_77 = tpu.vector_load %arg7[%swap3A_76] {strides = array<i32>} : memref<32768xi32, #tpu.memory_space<vmem>>, vector<16xi32>,
      tpu.vector_store %arg7[%swap3A_76], %broadcast_in_dim3A_3 {strides = array<i32>} : memref<32768xi32, #tpu.memory_space<vmem>>, vector<16xi32>,
      %scan3A_78 = arith.constant 5 : i32
      %scan3A_79 = arith.addi %scan3A_50, %scan3A_78 : i32
      %mul3A_80 = arith.constant 16 : i32
      %mul3A_81 = arith.muli %scan3A_79, %mul3A_80 : i32
      %swap3A_82 = arith.index_cast %mul3A_81 : i32 to index
      %swap3A_83 = tpu.vector_load %arg7[%swap3A_82] {strides = array<i32>} : memref<32768xi32, #tpu.memory_space<vmem>>, vector<16xi32>,
      tpu.vector_store %arg7[%swap3A_82], %broadcast_in_dim3A_3 {strides = array<i32>} : memref<32768xi32, #tpu.memory_space<vmem>>, vector<16xi32>,
      %scan3A_84 = arith.constant 6 : i32
      %scan3A_85 = arith.addi %scan3A_50, %scan3A_84 : i32
      %mul3A_86 = arith.constant 16 : i32
      %mul3A_87 = arith.muli %scan3A_85, %mul3A_86 : i32
      %swap3A_88 = arith.index_cast %mul3A_87 : i32 to index
      %swap3A_89 = tpu.vector_load %arg7[%swap3A_88] {strides = array<i32>} : memref<32768xi32, #tpu.memory_space<vmem>>, vector<16xi32>,
      tpu.vector_store %arg7[%swap3A_88], %broadcast_in_dim3A_3 {strides = array<i32>} : memref<32768xi32, #tpu.memory_space<vmem>>, vector<16xi32>,
      %scan3A_90 = arith.constant 7 : i32
      %scan3A_91 = arith.addi %scan3A_50, %scan3A_90 : i32
      %mul3A_92 = arith.constant 16 : i32
      %mul3A_93 = arith.muli %scan3A_91, %mul3A_92 : i32
      %swap3A_94 = arith.index_cast %mul3A_93 : i32 to index
      %swap3A_95 = tpu.vector_load %arg7[%swap3A_94] {strides = array<i32>} : memref<32768xi32, #tpu.memory_space<vmem>>, vector<16xi32>,
      tpu.vector_store %arg7[%swap3A_94], %broadcast_in_dim3A_3 {strides = array<i32>} : memref<32768xi32, #tpu.memory_space<vmem>>, vector<16xi32>,
    }
    %scan3A_8 = arith.constant 2048 : i32
    %broadcast_in_dim3A_9 = arith.constant 1 : i32
    %broadcast_in_dim3A_10 = vector.broadcast %broadcast_in_dim3A_9 : i32 to vector<16xi32>
    %scan3A_11 = arith.constant 0 : i32
    %scan3A_12 = arith.constant 0 : i32
    %scan3A_13 = arith.constant 976 : i32
    %scan3A_14 = arith.addi %scan3A_12, %scan3A_13 : i32
    %scan3A_15 = arith.constant 4 : i32
    scf.for %scan3A_50 = %scan3A_12 to %scan3A_14 step %scan3A_15  : i32 {
      %mul3A_51 = arith.constant 16 : i32
      %mul3A_52 = arith.muli %scan3A_50, %mul3A_51 : i32
      %get3A_53 = arith.index_cast %mul3A_52 : i32 to index
      %get3A_54 = tpu.vector_load %arg5[%get3A_53] {strides = array<i32>} : memref<15632xf32, #tpu.memory_space<vmem>>, vector<16xf32>,
      %bitcast_convert_type3A_55 = tpu.bitcast %get3A_54 : vector<16xf32> -> vector<16xi32>
      %sub3A_56 = arith.constant 998244352 : i32
      %sub3A_57 = vector.broadcast %sub3A_56 : i32 to vector<16xi32>
      %sub3A_58 = arith.subi %bitcast_convert_type3A_55, %sub3A_57 : vector<16xi32>
      %shift_right_arithmetic3A_59 = arith.constant 16 : i32
      %shift_right_arithmetic3A_60 = vector.broadcast %shift_right_arithmetic3A_59 : i32 to vector<16xi32>
      %shift_right_arithmetic3A_61 = arith.shrsi %sub3A_58, %shift_right_arithmetic3A_60 : vector<16xi32>
      %ge3A_62 = arith.constant 0 : i32
      %ge3A_63 = vector.broadcast %ge3A_62 : i32 to vector<16xi32>
      %ge3A_64 = arith.cmpi sge, %shift_right_arithmetic3A_61, %ge3A_63 : vector<16xi32>
      %lt3A_65 = arith.constant 1024 : i32
      %lt3A_66 = vector.broadcast %lt3A_65 : i32 to vector<16xi32>
      %lt3A_67 = arith.cmpi slt, %shift_right_arithmetic3A_61, %lt3A_66 : vector<16xi32>
      %and3A_68 = arith.andi %ge3A_64, %lt3A_67 : vector<16xi1>
      %jit3A_69 = arith.constant 0 : i32
      %broadcast_in_dim3A_70 = vector.broadcast %jit3A_69 : i32 to vector<16xi32>
      %select_n3A_71 = arith.select %and3A_68, %shift_right_arithmetic3A_61, %broadcast_in_dim3A_70 : vector<16xi1>, vector<16xi32>
      %gather3A_72 = tpu.vector_load_idx %arg6[%select_n3A_71] : memref<1024xi32, #tpu.memory_space<vmem>>[vector<16xi32>], vector<16xi32>,
      %ge3A_73 = arith.constant 0 : i32
      %ge3A_74 = vector.broadcast %ge3A_73 : i32 to vector<16xi32>
      %ge3A_75 = arith.cmpi sge, %gather3A_72, %ge3A_74 : vector<16xi32>
      %and3A_76 = arith.andi %and3A_68, %ge3A_75 : vector<16xi1>
      %mul3A_77 = arith.constant 1024 : i32
      %mul3A_78 = vector.broadcast %mul3A_77 : i32 to vector<16xi32>
      %mul3A_79 = arith.muli %gather3A_72, %mul3A_78 : vector<16xi32>
      %shift_right_arithmetic3A_80 = arith.constant 6 : i32
      %shift_right_arithmetic3A_81 = vector.broadcast %shift_right_arithmetic3A_80 : i32 to vector<16xi32>
      %shift_right_arithmetic3A_82 = arith.shrsi %bitcast_convert_type3A_55, %shift_right_arithmetic3A_81 : vector<16xi32>
      %and3A_83 = arith.constant 1023 : i32
      %and3A_84 = vector.broadcast %and3A_83 : i32 to vector<16xi32>
      %and3A_85 = arith.andi %shift_right_arithmetic3A_82, %and3A_84 : vector<16xi32>
      %add3A_86 = arith.addi %mul3A_79, %and3A_85 : vector<16xi32>
      %jit3A_87 = arith.constant 0 : i32
      %broadcast_in_dim3A_88 = vector.broadcast %jit3A_87 : i32 to vector<16xi32>
      %select_n3A_89 = arith.select %and3A_76, %add3A_86, %broadcast_in_dim3A_88 : vector<16xi1>, vector<16xi32>
      tpu.vector_store_idx %arg7[%select_n3A_89], %broadcast_in_dim3A_10 masked %and3A_76 {add = true} : memref<32768xi32, #tpu.memory_space<vmem>>[vector<16xi32>], vector<16xi32>, vector<16xi1>
      %scan3A_90 = arith.constant 1 : i32
      %scan3A_91 = arith.addi %scan3A_50, %scan3A_90 : i32
      %mul3A_92 = arith.constant 16 : i32
      %mul3A_93 = arith.muli %scan3A_91, %mul3A_92 : i32
      %get3A_94 = arith.index_cast %mul3A_93 : i32 to index
      %get3A_95 = tpu.vector_load %arg5[%get3A_94] {strides = array<i32>} : memref<15632xf32, #tpu.memory_space<vmem>>, vector<16xf32>,
      %bitcast_convert_type3A_96 = tpu.bitcast %get3A_95 : vector<16xf32> -> vector<16xi32>
      %sub3A_97 = arith.constant 998244352 : i32
      %sub3A_98 = vector.broadcast %sub3A_97 : i32 to vector<16xi32>
      %sub3A_99 = arith.subi %bitcast_convert_type3A_96, %sub3A_98 : vector<16xi32>
      %shift_right_arithmetic3A_100 = arith.constant 16 : i32
      %shift_right_arithmetic3A_101 = vector.broadcast %shift_right_arithmetic3A_100 : i32 to vector<16xi32>
      %shift_right_arithmetic3A_102 = arith.shrsi %sub3A_99, %shift_right_arithmetic3A_101 : vector<16xi32>
      %ge3A_103 = arith.constant 0 : i32
      %ge3A_104 = vector.broadcast %ge3A_103 : i32 to vector<16xi32>
      %ge3A_105 = arith.cmpi sge, %shift_right_arithmetic3A_102, %ge3A_104 : vector<16xi32>
      %lt3A_106 = arith.constant 1024 : i32
      %lt3A_107 = vector.broadcast %lt3A_106 : i32 to vector<16xi32>
      %lt3A_108 = arith.cmpi slt, %shift_right_arithmetic3A_102, %lt3A_107 : vector<16xi32>
      %and3A_109 = arith.andi %ge3A_105, %lt3A_108 : vector<16xi1>
      %jit3A_110 = arith.constant 0 : i32
      %broadcast_in_dim3A_111 = vector.broadcast %jit3A_110 : i32 to vector<16xi32>
      %select_n3A_112 = arith.select %and3A_109, %shift_right_arithmetic3A_102, %broadcast_in_dim3A_111 : vector<16xi1>, vector<16xi32>
      %gather3A_113 = tpu.vector_load_idx %arg6[%select_n3A_112] : memref<1024xi32, #tpu.memory_space<vmem>>[vector<16xi32>], vector<16xi32>,
      %ge3A_114 = arith.constant 0 : i32
      %ge3A_115 = vector.broadcast %ge3A_114 : i32 to vector<16xi32>
      %ge3A_116 = arith.cmpi sge, %gather3A_113, %ge3A_115 : vector<16xi32>
      %and3A_117 = arith.andi %and3A_109, %ge3A_116 : vector<16xi1>
      %mul3A_118 = arith.constant 1024 : i32
      %mul3A_119 = vector.broadcast %mul3A_118 : i32 to vector<16xi32>
      %mul3A_120 = arith.muli %gather3A_113, %mul3A_119 : vector<16xi32>
      %shift_right_arithmetic3A_121 = arith.constant 6 : i32
      %shift_right_arithmetic3A_122 = vector.broadcast %shift_right_arithmetic3A_121 : i32 to vector<16xi32>
      %shift_right_arithmetic3A_123 = arith.shrsi %bitcast_convert_type3A_96, %shift_right_arithmetic3A_122 : vector<16xi32>
      %and3A_124 = arith.constant 1023 : i32
      %and3A_125 = vector.broadcast %and3A_124 : i32 to vector<16xi32>
      %and3A_126 = arith.andi %shift_right_arithmetic3A_123, %and3A_125 : vector<16xi32>
      %add3A_127 = arith.addi %mul3A_120, %and3A_126 : vector<16xi32>
      %jit3A_128 = arith.constant 0 : i32
      %broadcast_in_dim3A_129 = vector.broadcast %jit3A_128 : i32 to vector<16xi32>
      %select_n3A_130 = arith.select %and3A_117, %add3A_127, %broadcast_in_dim3A_129 : vector<16xi1>, vector<16xi32>
      tpu.vector_store_idx %arg7[%select_n3A_130], %broadcast_in_dim3A_10 masked %and3A_117 {add = true} : memref<32768xi32, #tpu.memory_space<vmem>>[vector<16xi32>], vector<16xi32>, vector<16xi1>
      %scan3A_131 = arith.constant 2 : i32
      %scan3A_132 = arith.addi %scan3A_50, %scan3A_131 : i32
      %mul3A_133 = arith.constant 16 : i32
      %mul3A_134 = arith.muli %scan3A_132, %mul3A_133 : i32
      %get3A_135 = arith.index_cast %mul3A_134 : i32 to index
      %get3A_136 = tpu.vector_load %arg5[%get3A_135] {strides = array<i32>} : memref<15632xf32, #tpu.memory_space<vmem>>, vector<16xf32>,
      %bitcast_convert_type3A_137 = tpu.bitcast %get3A_136 : vector<16xf32> -> vector<16xi32>
      %sub3A_138 = arith.constant 998244352 : i32
      %sub3A_139 = vector.broadcast %sub3A_138 : i32 to vector<16xi32>
      %sub3A_140 = arith.subi %bitcast_convert_type3A_137, %sub3A_139 : vector<16xi32>
      %shift_right_arithmetic3A_141 = arith.constant 16 : i32
      %shift_right_arithmetic3A_142 = vector.broadcast %shift_right_arithmetic3A_141 : i32 to vector<16xi32>
      %shift_right_arithmetic3A_143 = arith.shrsi %sub3A_140, %shift_right_arithmetic3A_142 : vector<16xi32>
      %ge3A_144 = arith.constant 0 : i32
      %ge3A_145 = vector.broadcast %ge3A_144 : i32 to vector<16xi32>
      %ge3A_146 = arith.cmpi sge, %shift_right_arithmetic3A_143, %ge3A_145 : vector<16xi32>
      %lt3A_147 = arith.constant 1024 : i32
      %lt3A_148 = vector.broadcast %lt3A_147 : i32 to vector<16xi32>
      %lt3A_149 = arith.cmpi slt, %shift_right_arithmetic3A_143, %lt3A_148 : vector<16xi32>
      %and3A_150 = arith.andi %ge3A_146, %lt3A_149 : vector<16xi1>
      %jit3A_151 = arith.constant 0 : i32
      %broadcast_in_dim3A_152 = vector.broadcast %jit3A_151 : i32 to vector<16xi32>
      %select_n3A_153 = arith.select %and3A_150, %shift_right_arithmetic3A_143, %broadcast_in_dim3A_152 : vector<16xi1>, vector<16xi32>
      %gather3A_154 = tpu.vector_load_idx %arg6[%select_n3A_153] : memref<1024xi32, #tpu.memory_space<vmem>>[vector<16xi32>], vector<16xi32>,
      %ge3A_155 = arith.constant 0 : i32
      %ge3A_156 = vector.broadcast %ge3A_155 : i32 to vector<16xi32>
      %ge3A_157 = arith.cmpi sge, %gather3A_154, %ge3A_156 : vector<16xi32>
      %and3A_158 = arith.andi %and3A_150, %ge3A_157 : vector<16xi1>
      %mul3A_159 = arith.constant 1024 : i32
      %mul3A_160 = vector.broadcast %mul3A_159 : i32 to vector<16xi32>
      %mul3A_161 = arith.muli %gather3A_154, %mul3A_160 : vector<16xi32>
      %shift_right_arithmetic3A_162 = arith.constant 6 : i32
      %shift_right_arithmetic3A_163 = vector.broadcast %shift_right_arithmetic3A_162 : i32 to vector<16xi32>
      %shift_right_arithmetic3A_164 = arith.shrsi %bitcast_convert_type3A_137, %shift_right_arithmetic3A_163 : vector<16xi32>
      %and3A_165 = arith.constant 1023 : i32
      %and3A_166 = vector.broadcast %and3A_165 : i32 to vector<16xi32>
      %and3A_167 = arith.andi %shift_right_arithmetic3A_164, %and3A_166 : vector<16xi32>
      %add3A_168 = arith.addi %mul3A_161, %and3A_167 : vector<16xi32>
      %jit3A_169 = arith.constant 0 : i32
      %broadcast_in_dim3A_170 = vector.broadcast %jit3A_169 : i32 to vector<16xi32>
      %select_n3A_171 = arith.select %and3A_158, %add3A_168, %broadcast_in_dim3A_170 : vector<16xi1>, vector<16xi32>
      tpu.vector_store_idx %arg7[%select_n3A_171], %broadcast_in_dim3A_10 masked %and3A_158 {add = true} : memref<32768xi32, #tpu.memory_space<vmem>>[vector<16xi32>], vector<16xi32>, vector<16xi1>
      %scan3A_172 = arith.constant 3 : i32
      %scan3A_173 = arith.addi %scan3A_50, %scan3A_172 : i32
      %mul3A_174 = arith.constant 16 : i32
      %mul3A_175 = arith.muli %scan3A_173, %mul3A_174 : i32
      %get3A_176 = arith.index_cast %mul3A_175 : i32 to index
      %get3A_177 = tpu.vector_load %arg5[%get3A_176] {strides = array<i32>} : memref<15632xf32, #tpu.memory_space<vmem>>, vector<16xf32>,
      %bitcast_convert_type3A_178 = tpu.bitcast %get3A_177 : vector<16xf32> -> vector<16xi32>
      %sub3A_179 = arith.constant 998244352 : i32
      %sub3A_180 = vector.broadcast %sub3A_179 : i32 to vector<16xi32>
      %sub3A_181 = arith.subi %bitcast_convert_type3A_178, %sub3A_180 : vector<16xi32>
      %shift_right_arithmetic3A_182 = arith.constant 16 : i32
      %shift_right_arithmetic3A_183 = vector.broadcast %shift_right_arithmetic3A_182 : i32 to vector<16xi32>
      %shift_right_arithmetic3A_184 = arith.shrsi %sub3A_181, %shift_right_arithmetic3A_183 : vector<16xi32>
      %ge3A_185 = arith.constant 0 : i32
      %ge3A_186 = vector.broadcast %ge3A_185 : i32 to vector<16xi32>
      %ge3A_187 = arith.cmpi sge, %shift_right_arithmetic3A_184, %ge3A_186 : vector<16xi32>
      %lt3A_188 = arith.constant 1024 : i32
      %lt3A_189 = vector.broadcast %lt3A_188 : i32 to vector<16xi32>
      %lt3A_190 = arith.cmpi slt, %shift_right_arithmetic3A_184, %lt3A_189 : vector<16xi32>
      %and3A_191 = arith.andi %ge3A_187, %lt3A_190 : vector<16xi1>
      %jit3A_192 = arith.constant 0 : i32
      %broadcast_in_dim3A_193 = vector.broadcast %jit3A_192 : i32 to vector<16xi32>
      %select_n3A_194 = arith.select %and3A_191, %shift_right_arithmetic3A_184, %broadcast_in_dim3A_193 : vector<16xi1>, vector<16xi32>
      %gather3A_195 = tpu.vector_load_idx %arg6[%select_n3A_194] : memref<1024xi32, #tpu.memory_space<vmem>>[vector<16xi32>], vector<16xi32>,
      %ge3A_196 = arith.constant 0 : i32
      %ge3A_197 = vector.broadcast %ge3A_196 : i32 to vector<16xi32>
      %ge3A_198 = arith.cmpi sge, %gather3A_195, %ge3A_197 : vector<16xi32>
      %and3A_199 = arith.andi %and3A_191, %ge3A_198 : vector<16xi1>
      %mul3A_200 = arith.constant 1024 : i32
      %mul3A_201 = vector.broadcast %mul3A_200 : i32 to vector<16xi32>
      %mul3A_202 = arith.muli %gather3A_195, %mul3A_201 : vector<16xi32>
      %shift_right_arithmetic3A_203 = arith.constant 6 : i32
      %shift_right_arithmetic3A_204 = vector.broadcast %shift_right_arithmetic3A_203 : i32 to vector<16xi32>
      %shift_right_arithmetic3A_205 = arith.shrsi %bitcast_convert_type3A_178, %shift_right_arithmetic3A_204 : vector<16xi32>
      %and3A_206 = arith.constant 1023 : i32
      %and3A_207 = vector.broadcast %and3A_206 : i32 to vector<16xi32>
      %and3A_208 = arith.andi %shift_right_arithmetic3A_205, %and3A_207 : vector<16xi32>
      %add3A_209 = arith.addi %mul3A_202, %and3A_208 : vector<16xi32>
      %jit3A_210 = arith.constant 0 : i32
      %broadcast_in_dim3A_211 = vector.broadcast %jit3A_210 : i32 to vector<16xi32>
      %select_n3A_212 = arith.select %and3A_199, %add3A_209, %broadcast_in_dim3A_211 : vector<16xi1>, vector<16xi32>
      tpu.vector_store_idx %arg7[%select_n3A_212], %broadcast_in_dim3A_10 masked %and3A_199 {add = true} : memref<32768xi32, #tpu.memory_space<vmem>>[vector<16xi32>], vector<16xi32>, vector<16xi1>
    }
    %scan3A_16 = arith.constant 976 : i32
    %scan3A_17 = arith.addi %scan3A_12, %scan3A_16 : i32
    %mul3A_18 = arith.constant 16 : i32
    %mul3A_19 = arith.muli %scan3A_17, %mul3A_18 : i32
    %get3A = arith.index_cast %mul3A_19 : i32 to index
    %get3A_20 = tpu.vector_load %arg5[%get3A] {strides = array<i32>} : memref<15632xf32, #tpu.memory_space<vmem>>, vector<16xf32>,
    %bitcast_convert_type3A = tpu.bitcast %get3A_20 : vector<16xf32> -> vector<16xi32>
    %sub3A = arith.constant 998244352 : i32
    %sub3A_21 = vector.broadcast %sub3A : i32 to vector<16xi32>
    %sub3A_22 = arith.subi %bitcast_convert_type3A, %sub3A_21 : vector<16xi32>
    %shift_right_arithmetic3A = arith.constant 16 : i32
    %shift_right_arithmetic3A_23 = vector.broadcast %shift_right_arithmetic3A : i32 to vector<16xi32>
    %shift_right_arithmetic3A_24 = arith.shrsi %sub3A_22, %shift_right_arithmetic3A_23 : vector<16xi32>
    %ge3A = arith.constant 0 : i32
    %ge3A_25 = vector.broadcast %ge3A : i32 to vector<16xi32>
    %ge3A_26 = arith.cmpi sge, %shift_right_arithmetic3A_24, %ge3A_25 : vector<16xi32>
    %lt3A = arith.constant 1024 : i32
    %lt3A_27 = vector.broadcast %lt3A : i32 to vector<16xi32>
    %lt3A_28 = arith.cmpi slt, %shift_right_arithmetic3A_24, %lt3A_27 : vector<16xi32>
    %and3A = arith.andi %ge3A_26, %lt3A_28 : vector<16xi1>
    %jit3A = arith.constant 0 : i32
    %broadcast_in_dim3A_29 = vector.broadcast %jit3A : i32 to vector<16xi32>
    %select_n3A = arith.select %and3A, %shift_right_arithmetic3A_24, %broadcast_in_dim3A_29 : vector<16xi1>, vector<16xi32>
    %gather3A = tpu.vector_load_idx %arg6[%select_n3A] : memref<1024xi32, #tpu.memory_space<vmem>>[vector<16xi32>], vector<16xi32>,
    %ge3A_30 = arith.constant 0 : i32
    %ge3A_31 = vector.broadcast %ge3A_30 : i32 to vector<16xi32>
    %ge3A_32 = arith.cmpi sge, %gather3A, %ge3A_31 : vector<16xi32>
    %and3A_33 = arith.andi %and3A, %ge3A_32 : vector<16xi1>
    %mul3A_34 = arith.constant 1024 : i32
    %mul3A_35 = vector.broadcast %mul3A_34 : i32 to vector<16xi32>
    %mul3A_36 = arith.muli %gather3A, %mul3A_35 : vector<16xi32>
    %shift_right_arithmetic3A_37 = arith.constant 6 : i32
    %shift_right_arithmetic3A_38 = vector.broadcast %shift_right_arithmetic3A_37 : i32 to vector<16xi32>
    %shift_right_arithmetic3A_39 = arith.shrsi %bitcast_convert_type3A, %shift_right_arithmetic3A_38 : vector<16xi32>
    %and3A_40 = arith.constant 1023 : i32
    %and3A_41 = vector.broadcast %and3A_40 : i32 to vector<16xi32>
    %and3A_42 = arith.andi %shift_right_arithmetic3A_39, %and3A_41 : vector<16xi32>
    %add3A_43 = arith.addi %mul3A_36, %and3A_42 : vector<16xi32>
    %jit3A_44 = arith.constant 0 : i32
    %broadcast_in_dim3A_45 = vector.broadcast %jit3A_44 : i32 to vector<16xi32>
    %select_n3A_46 = arith.select %and3A_33, %add3A_43, %broadcast_in_dim3A_45 : vector<16xi1>, vector<16xi32>
    tpu.vector_store_idx %arg7[%select_n3A_46], %broadcast_in_dim3A_10 masked %and3A_33 {add = true} : memref<32768xi32, #tpu.memory_space<vmem>>[vector<16xi32>], vector<16xi32>, vector<16xi1>
    %scan3A_47 = arith.constant 977 : i32
    %mul3A_48 = arith.constant 32768 : i32
    %mul3A_49 = arith.muli %add3A, %mul3A_48 : i32
    "tpu.region"() ({
      %run_scoped3A = tpu.sem_alloc : memref<!tpu.dma_semaphore, #tpu.memory_space<semaphore_mem>>
      %dma_start3A = tpu.memref_slice %arg4[%mul3A_49] : memref<1048576xi32, #tpu.memory_space<hbm>> -> memref<32768xi32, #tpu.memory_space<hbm>>
      %dma_start3A_50 = tpu.memref_slice %arg4[%mul3A_49] : memref<1048576xi32, #tpu.memory_space<hbm>> -> memref<32768xi32, #tpu.memory_space<hbm>>
      tpu.enqueue_dma source(%arg7 : memref<32768xi32, #tpu.memory_space<vmem>>) target(%dma_start3A_50 : memref<32768xi32, #tpu.memory_space<hbm>>) target_semaphore(%run_scoped3A : memref<!tpu.dma_semaphore, #tpu.memory_space<semaphore_mem>>)
      %dma_wait3A = tpu.memref_slice %arg4[%mul3A_49] : memref<1048576xi32, #tpu.memory_space<hbm>> -> memref<32768xi32, #tpu.memory_space<hbm>>
      %dma_wait3A_51 = tpu.memref_slice %arg4[%mul3A_49] : memref<1048576xi32, #tpu.memory_space<hbm>> -> memref<32768xi32, #tpu.memory_space<hbm>>
      tpu.wait_dma2 semaphore(%run_scoped3A : memref<!tpu.dma_semaphore, #tpu.memory_space<semaphore_mem>>) src(%arg7 : memref<32768xi32, #tpu.memory_space<vmem>>) dst(%dma_wait3A_51 : memref<32768xi32, #tpu.memory_space<hbm>>)
      tpu.yield
    }) : () -> ()
    return
  }
}

#map = affine_map<(d0, d1) -> (0)>
module attributes {stable_mosaic.version = 14 : i64} {
  func.func @_sc_hist1_body(%arg0: i32, %arg1: i32, %arg2: memref<500224xf32, #tpu.memory_space<hbm>>, %arg3: memref<32768xi32, #tpu.memory_space<hbm>>, %arg4: memref<15632xf32, #tpu.memory_space<vmem>>, %arg5: memref<1024xi32, #tpu.memory_space<vmem>>) attributes {dimension_semantics = [#tpu.dimension_semantics<core_parallel>, #tpu.dimension_semantics<subcore_parallel>], iteration_bounds = array<i64: 2, 16>, scalar_prefetch = 0 : i64, scratch_operands = 2 : i64, tpu.core_type = #tpu.core_type<sc_vector_subcore>, window_params = [{transform_indices = #map}, {transform_indices = #map}]} {
    %mul3A = arith.constant 2 : i32
    %mul3A_0 = arith.muli %arg1, %mul3A : i32
    %add3A = arith.addi %mul3A_0, %arg0 : i32
    %mul3A_1 = arith.constant 15632 : i32
    %mul3A_2 = arith.muli %add3A, %mul3A_1 : i32
    "tpu.region"() ({
      %run_scoped3A = tpu.sem_alloc : memref<!tpu.dma_semaphore, #tpu.memory_space<semaphore_mem>>
      %dma_start3A = tpu.memref_slice %arg2[%mul3A_2] : memref<500224xf32, #tpu.memory_space<hbm>> -> memref<15632xf32, #tpu.memory_space<hbm>>
      %dma_start3A_33 = tpu.memref_slice %arg2[%mul3A_2] : memref<500224xf32, #tpu.memory_space<hbm>> -> memref<15632xf32, #tpu.memory_space<hbm>>
      tpu.enqueue_dma source(%dma_start3A_33 : memref<15632xf32, #tpu.memory_space<hbm>>) target(%arg4 : memref<15632xf32, #tpu.memory_space<vmem>>) target_semaphore(%run_scoped3A : memref<!tpu.dma_semaphore, #tpu.memory_space<semaphore_mem>>)
      %dma_wait3A = tpu.memref_slice %arg2[%mul3A_2] : memref<500224xf32, #tpu.memory_space<hbm>> -> memref<15632xf32, #tpu.memory_space<hbm>>
      %dma_wait3A_34 = tpu.memref_slice %arg2[%mul3A_2] : memref<500224xf32, #tpu.memory_space<hbm>> -> memref<15632xf32, #tpu.memory_space<hbm>>
      tpu.wait_dma2 semaphore(%run_scoped3A : memref<!tpu.dma_semaphore, #tpu.memory_space<semaphore_mem>>) src(%dma_wait3A_34 : memref<15632xf32, #tpu.memory_space<hbm>>) dst(%arg4 : memref<15632xf32, #tpu.memory_space<vmem>>)
      tpu.yield
    }) : () -> ()
    %broadcast_in_dim3A = arith.constant 0 : i32
    %broadcast_in_dim3A_3 = vector.broadcast %broadcast_in_dim3A : i32 to vector<16xi32>
    %scan3A = arith.constant 0 : i32
    %scan3A_4 = arith.constant 0 : i32
    %scan3A_5 = arith.constant 64 : i32
    %scan3A_6 = arith.addi %scan3A_4, %scan3A_5 : i32
    %scan3A_7 = arith.constant 8 : i32
    scf.for %scan3A_33 = %scan3A_4 to %scan3A_6 step %scan3A_7  : i32 {
      %mul3A_34 = arith.constant 16 : i32
      %mul3A_35 = arith.muli %scan3A_33, %mul3A_34 : i32
      %swap3A = arith.index_cast %mul3A_35 : i32 to index
      %swap3A_36 = tpu.vector_load %arg5[%swap3A] {strides = array<i32>} : memref<1024xi32, #tpu.memory_space<vmem>>, vector<16xi32>,
      tpu.vector_store %arg5[%swap3A], %broadcast_in_dim3A_3 {strides = array<i32>} : memref<1024xi32, #tpu.memory_space<vmem>>, vector<16xi32>,
      %scan3A_37 = arith.constant 1 : i32
      %scan3A_38 = arith.addi %scan3A_33, %scan3A_37 : i32
      %mul3A_39 = arith.constant 16 : i32
      %mul3A_40 = arith.muli %scan3A_38, %mul3A_39 : i32
      %swap3A_41 = arith.index_cast %mul3A_40 : i32 to index
      %swap3A_42 = tpu.vector_load %arg5[%swap3A_41] {strides = array<i32>} : memref<1024xi32, #tpu.memory_space<vmem>>, vector<16xi32>,
      tpu.vector_store %arg5[%swap3A_41], %broadcast_in_dim3A_3 {strides = array<i32>} : memref<1024xi32, #tpu.memory_space<vmem>>, vector<16xi32>,
      %scan3A_43 = arith.constant 2 : i32
      %scan3A_44 = arith.addi %scan3A_33, %scan3A_43 : i32
      %mul3A_45 = arith.constant 16 : i32
      %mul3A_46 = arith.muli %scan3A_44, %mul3A_45 : i32
      %swap3A_47 = arith.index_cast %mul3A_46 : i32 to index
      %swap3A_48 = tpu.vector_load %arg5[%swap3A_47] {strides = array<i32>} : memref<1024xi32, #tpu.memory_space<vmem>>, vector<16xi32>,
      tpu.vector_store %arg5[%swap3A_47], %broadcast_in_dim3A_3 {strides = array<i32>} : memref<1024xi32, #tpu.memory_space<vmem>>, vector<16xi32>,
      %scan3A_49 = arith.constant 3 : i32
      %scan3A_50 = arith.addi %scan3A_33, %scan3A_49 : i32
      %mul3A_51 = arith.constant 16 : i32
      %mul3A_52 = arith.muli %scan3A_50, %mul3A_51 : i32
      %swap3A_53 = arith.index_cast %mul3A_52 : i32 to index
      %swap3A_54 = tpu.vector_load %arg5[%swap3A_53] {strides = array<i32>} : memref<1024xi32, #tpu.memory_space<vmem>>, vector<16xi32>,
      tpu.vector_store %arg5[%swap3A_53], %broadcast_in_dim3A_3 {strides = array<i32>} : memref<1024xi32, #tpu.memory_space<vmem>>, vector<16xi32>,
      %scan3A_55 = arith.constant 4 : i32
      %scan3A_56 = arith.addi %scan3A_33, %scan3A_55 : i32
      %mul3A_57 = arith.constant 16 : i32
      %mul3A_58 = arith.muli %scan3A_56, %mul3A_57 : i32
      %swap3A_59 = arith.index_cast %mul3A_58 : i32 to index
      %swap3A_60 = tpu.vector_load %arg5[%swap3A_59] {strides = array<i32>} : memref<1024xi32, #tpu.memory_space<vmem>>, vector<16xi32>,
      tpu.vector_store %arg5[%swap3A_59], %broadcast_in_dim3A_3 {strides = array<i32>} : memref<1024xi32, #tpu.memory_space<vmem>>, vector<16xi32>,
      %scan3A_61 = arith.constant 5 : i32
      %scan3A_62 = arith.addi %scan3A_33, %scan3A_61 : i32
      %mul3A_63 = arith.constant 16 : i32
      %mul3A_64 = arith.muli %scan3A_62, %mul3A_63 : i32
      %swap3A_65 = arith.index_cast %mul3A_64 : i32 to index
      %swap3A_66 = tpu.vector_load %arg5[%swap3A_65] {strides = array<i32>} : memref<1024xi32, #tpu.memory_space<vmem>>, vector<16xi32>,
      tpu.vector_store %arg5[%swap3A_65], %broadcast_in_dim3A_3 {strides = array<i32>} : memref<1024xi32, #tpu.memory_space<vmem>>, vector<16xi32>,
      %scan3A_67 = arith.constant 6 : i32
      %scan3A_68 = arith.addi %scan3A_33, %scan3A_67 : i32
      %mul3A_69 = arith.constant 16 : i32
      %mul3A_70 = arith.muli %scan3A_68, %mul3A_69 : i32
      %swap3A_71 = arith.index_cast %mul3A_70 : i32 to index
      %swap3A_72 = tpu.vector_load %arg5[%swap3A_71] {strides = array<i32>} : memref<1024xi32, #tpu.memory_space<vmem>>, vector<16xi32>,
      tpu.vector_store %arg5[%swap3A_71], %broadcast_in_dim3A_3 {strides = array<i32>} : memref<1024xi32, #tpu.memory_space<vmem>>, vector<16xi32>,
      %scan3A_73 = arith.constant 7 : i32
      %scan3A_74 = arith.addi %scan3A_33, %scan3A_73 : i32
      %mul3A_75 = arith.constant 16 : i32
      %mul3A_76 = arith.muli %scan3A_74, %mul3A_75 : i32
      %swap3A_77 = arith.index_cast %mul3A_76 : i32 to index
      %swap3A_78 = tpu.vector_load %arg5[%swap3A_77] {strides = array<i32>} : memref<1024xi32, #tpu.memory_space<vmem>>, vector<16xi32>,
      tpu.vector_store %arg5[%swap3A_77], %broadcast_in_dim3A_3 {strides = array<i32>} : memref<1024xi32, #tpu.memory_space<vmem>>, vector<16xi32>,
    }
    %scan3A_8 = arith.constant 64 : i32
    %broadcast_in_dim3A_9 = arith.constant 1 : i32
    %broadcast_in_dim3A_10 = vector.broadcast %broadcast_in_dim3A_9 : i32 to vector<16xi32>
    %scan3A_11 = arith.constant 0 : i32
    %scan3A_12 = arith.constant 0 : i32
    %scan3A_13 = arith.constant 976 : i32
    %scan3A_14 = arith.addi %scan3A_12, %scan3A_13 : i32
    %scan3A_15 = arith.constant 4 : i32
    scf.for %scan3A_33 = %scan3A_12 to %scan3A_14 step %scan3A_15  : i32 {
      %mul3A_34 = arith.constant 16 : i32
      %mul3A_35 = arith.muli %scan3A_33, %mul3A_34 : i32
      %get3A_36 = arith.index_cast %mul3A_35 : i32 to index
      %get3A_37 = tpu.vector_load %arg4[%get3A_36] {strides = array<i32>} : memref<15632xf32, #tpu.memory_space<vmem>>, vector<16xf32>,
      %bitcast_convert_type3A_38 = tpu.bitcast %get3A_37 : vector<16xf32> -> vector<16xi32>
      %sub3A_39 = arith.constant 998244352 : i32
      %sub3A_40 = vector.broadcast %sub3A_39 : i32 to vector<16xi32>
      %sub3A_41 = arith.subi %bitcast_convert_type3A_38, %sub3A_40 : vector<16xi32>
      %shift_right_arithmetic3A_42 = arith.constant 16 : i32
      %shift_right_arithmetic3A_43 = vector.broadcast %shift_right_arithmetic3A_42 : i32 to vector<16xi32>
      %shift_right_arithmetic3A_44 = arith.shrsi %sub3A_41, %shift_right_arithmetic3A_43 : vector<16xi32>
      %ge3A_45 = arith.constant 0 : i32
      %ge3A_46 = vector.broadcast %ge3A_45 : i32 to vector<16xi32>
      %ge3A_47 = arith.cmpi sge, %shift_right_arithmetic3A_44, %ge3A_46 : vector<16xi32>
      %lt3A_48 = arith.constant 1024 : i32
      %lt3A_49 = vector.broadcast %lt3A_48 : i32 to vector<16xi32>
      %lt3A_50 = arith.cmpi slt, %shift_right_arithmetic3A_44, %lt3A_49 : vector<16xi32>
      %and3A_51 = arith.andi %ge3A_47, %lt3A_50 : vector<16xi1>
      %jit3A_52 = arith.constant 0 : i32
      %broadcast_in_dim3A_53 = vector.broadcast %jit3A_52 : i32 to vector<16xi32>
      %select_n3A_54 = arith.select %and3A_51, %shift_right_arithmetic3A_44, %broadcast_in_dim3A_53 : vector<16xi1>, vector<16xi32>
      tpu.vector_store_idx %arg5[%select_n3A_54], %broadcast_in_dim3A_10 masked %and3A_51 {add = true} : memref<1024xi32, #tpu.memory_space<vmem>>[vector<16xi32>], vector<16xi32>, vector<16xi1>
      %scan3A_55 = arith.constant 1 : i32
      %scan3A_56 = arith.addi %scan3A_33, %scan3A_55 : i32
      %mul3A_57 = arith.constant 16 : i32
      %mul3A_58 = arith.muli %scan3A_56, %mul3A_57 : i32
      %get3A_59 = arith.index_cast %mul3A_58 : i32 to index
      %get3A_60 = tpu.vector_load %arg4[%get3A_59] {strides = array<i32>} : memref<15632xf32, #tpu.memory_space<vmem>>, vector<16xf32>,
      %bitcast_convert_type3A_61 = tpu.bitcast %get3A_60 : vector<16xf32> -> vector<16xi32>
      %sub3A_62 = arith.constant 998244352 : i32
      %sub3A_63 = vector.broadcast %sub3A_62 : i32 to vector<16xi32>
      %sub3A_64 = arith.subi %bitcast_convert_type3A_61, %sub3A_63 : vector<16xi32>
      %shift_right_arithmetic3A_65 = arith.constant 16 : i32
      %shift_right_arithmetic3A_66 = vector.broadcast %shift_right_arithmetic3A_65 : i32 to vector<16xi32>
      %shift_right_arithmetic3A_67 = arith.shrsi %sub3A_64, %shift_right_arithmetic3A_66 : vector<16xi32>
      %ge3A_68 = arith.constant 0 : i32
      %ge3A_69 = vector.broadcast %ge3A_68 : i32 to vector<16xi32>
      %ge3A_70 = arith.cmpi sge, %shift_right_arithmetic3A_67, %ge3A_69 : vector<16xi32>
      %lt3A_71 = arith.constant 1024 : i32
      %lt3A_72 = vector.broadcast %lt3A_71 : i32 to vector<16xi32>
      %lt3A_73 = arith.cmpi slt, %shift_right_arithmetic3A_67, %lt3A_72 : vector<16xi32>
      %and3A_74 = arith.andi %ge3A_70, %lt3A_73 : vector<16xi1>
      %jit3A_75 = arith.constant 0 : i32
      %broadcast_in_dim3A_76 = vector.broadcast %jit3A_75 : i32 to vector<16xi32>
      %select_n3A_77 = arith.select %and3A_74, %shift_right_arithmetic3A_67, %broadcast_in_dim3A_76 : vector<16xi1>, vector<16xi32>
      tpu.vector_store_idx %arg5[%select_n3A_77], %broadcast_in_dim3A_10 masked %and3A_74 {add = true} : memref<1024xi32, #tpu.memory_space<vmem>>[vector<16xi32>], vector<16xi32>, vector<16xi1>
      %scan3A_78 = arith.constant 2 : i32
      %scan3A_79 = arith.addi %scan3A_33, %scan3A_78 : i32
      %mul3A_80 = arith.constant 16 : i32
      %mul3A_81 = arith.muli %scan3A_79, %mul3A_80 : i32
      %get3A_82 = arith.index_cast %mul3A_81 : i32 to index
      %get3A_83 = tpu.vector_load %arg4[%get3A_82] {strides = array<i32>} : memref<15632xf32, #tpu.memory_space<vmem>>, vector<16xf32>,
      %bitcast_convert_type3A_84 = tpu.bitcast %get3A_83 : vector<16xf32> -> vector<16xi32>
      %sub3A_85 = arith.constant 998244352 : i32
      %sub3A_86 = vector.broadcast %sub3A_85 : i32 to vector<16xi32>
      %sub3A_87 = arith.subi %bitcast_convert_type3A_84, %sub3A_86 : vector<16xi32>
      %shift_right_arithmetic3A_88 = arith.constant 16 : i32
      %shift_right_arithmetic3A_89 = vector.broadcast %shift_right_arithmetic3A_88 : i32 to vector<16xi32>
      %shift_right_arithmetic3A_90 = arith.shrsi %sub3A_87, %shift_right_arithmetic3A_89 : vector<16xi32>
      %ge3A_91 = arith.constant 0 : i32
      %ge3A_92 = vector.broadcast %ge3A_91 : i32 to vector<16xi32>
      %ge3A_93 = arith.cmpi sge, %shift_right_arithmetic3A_90, %ge3A_92 : vector<16xi32>
      %lt3A_94 = arith.constant 1024 : i32
      %lt3A_95 = vector.broadcast %lt3A_94 : i32 to vector<16xi32>
      %lt3A_96 = arith.cmpi slt, %shift_right_arithmetic3A_90, %lt3A_95 : vector<16xi32>
      %and3A_97 = arith.andi %ge3A_93, %lt3A_96 : vector<16xi1>
      %jit3A_98 = arith.constant 0 : i32
      %broadcast_in_dim3A_99 = vector.broadcast %jit3A_98 : i32 to vector<16xi32>
      %select_n3A_100 = arith.select %and3A_97, %shift_right_arithmetic3A_90, %broadcast_in_dim3A_99 : vector<16xi1>, vector<16xi32>
      tpu.vector_store_idx %arg5[%select_n3A_100], %broadcast_in_dim3A_10 masked %and3A_97 {add = true} : memref<1024xi32, #tpu.memory_space<vmem>>[vector<16xi32>], vector<16xi32>, vector<16xi1>
      %scan3A_101 = arith.constant 3 : i32
      %scan3A_102 = arith.addi %scan3A_33, %scan3A_101 : i32
      %mul3A_103 = arith.constant 16 : i32
      %mul3A_104 = arith.muli %scan3A_102, %mul3A_103 : i32
      %get3A_105 = arith.index_cast %mul3A_104 : i32 to index
      %get3A_106 = tpu.vector_load %arg4[%get3A_105] {strides = array<i32>} : memref<15632xf32, #tpu.memory_space<vmem>>, vector<16xf32>,
      %bitcast_convert_type3A_107 = tpu.bitcast %get3A_106 : vector<16xf32> -> vector<16xi32>
      %sub3A_108 = arith.constant 998244352 : i32
      %sub3A_109 = vector.broadcast %sub3A_108 : i32 to vector<16xi32>
      %sub3A_110 = arith.subi %bitcast_convert_type3A_107, %sub3A_109 : vector<16xi32>
      %shift_right_arithmetic3A_111 = arith.constant 16 : i32
      %shift_right_arithmetic3A_112 = vector.broadcast %shift_right_arithmetic3A_111 : i32 to vector<16xi32>
      %shift_right_arithmetic3A_113 = arith.shrsi %sub3A_110, %shift_right_arithmetic3A_112 : vector<16xi32>
      %ge3A_114 = arith.constant 0 : i32
      %ge3A_115 = vector.broadcast %ge3A_114 : i32 to vector<16xi32>
      %ge3A_116 = arith.cmpi sge, %shift_right_arithmetic3A_113, %ge3A_115 : vector<16xi32>
      %lt3A_117 = arith.constant 1024 : i32
      %lt3A_118 = vector.broadcast %lt3A_117 : i32 to vector<16xi32>
      %lt3A_119 = arith.cmpi slt, %shift_right_arithmetic3A_113, %lt3A_118 : vector<16xi32>
      %and3A_120 = arith.andi %ge3A_116, %lt3A_119 : vector<16xi1>
      %jit3A_121 = arith.constant 0 : i32
      %broadcast_in_dim3A_122 = vector.broadcast %jit3A_121 : i32 to vector<16xi32>
      %select_n3A_123 = arith.select %and3A_120, %shift_right_arithmetic3A_113, %broadcast_in_dim3A_122 : vector<16xi1>, vector<16xi32>
      tpu.vector_store_idx %arg5[%select_n3A_123], %broadcast_in_dim3A_10 masked %and3A_120 {add = true} : memref<1024xi32, #tpu.memory_space<vmem>>[vector<16xi32>], vector<16xi32>, vector<16xi1>
    }
    %scan3A_16 = arith.constant 976 : i32
    %scan3A_17 = arith.addi %scan3A_12, %scan3A_16 : i32
    %mul3A_18 = arith.constant 16 : i32
    %mul3A_19 = arith.muli %scan3A_17, %mul3A_18 : i32
    %get3A = arith.index_cast %mul3A_19 : i32 to index
    %get3A_20 = tpu.vector_load %arg4[%get3A] {strides = array<i32>} : memref<15632xf32, #tpu.memory_space<vmem>>, vector<16xf32>,
    %bitcast_convert_type3A = tpu.bitcast %get3A_20 : vector<16xf32> -> vector<16xi32>
    %sub3A = arith.constant 998244352 : i32
    %sub3A_21 = vector.broadcast %sub3A : i32 to vector<16xi32>
    %sub3A_22 = arith.subi %bitcast_convert_type3A, %sub3A_21 : vector<16xi32>
    %shift_right_arithmetic3A = arith.constant 16 : i32
    %shift_right_arithmetic3A_23 = vector.broadcast %shift_right_arithmetic3A : i32 to vector<16xi32>
    %shift_right_arithmetic3A_24 = arith.shrsi %sub3A_22, %shift_right_arithmetic3A_23 : vector<16xi32>
    %ge3A = arith.constant 0 : i32
    %ge3A_25 = vector.broadcast %ge3A : i32 to vector<16xi32>
    %ge3A_26 = arith.cmpi sge, %shift_right_arithmetic3A_24, %ge3A_25 : vector<16xi32>
    %lt3A = arith.constant 1024 : i32
    %lt3A_27 = vector.broadcast %lt3A : i32 to vector<16xi32>
    %lt3A_28 = arith.cmpi slt, %shift_right_arithmetic3A_24, %lt3A_27 : vector<16xi32>
    %and3A = arith.andi %ge3A_26, %lt3A_28 : vector<16xi1>
    %jit3A = arith.constant 0 : i32
    %broadcast_in_dim3A_29 = vector.broadcast %jit3A : i32 to vector<16xi32>
    %select_n3A = arith.select %and3A, %shift_right_arithmetic3A_24, %broadcast_in_dim3A_29 : vector<16xi1>, vector<16xi32>
    tpu.vector_store_idx %arg5[%select_n3A], %broadcast_in_dim3A_10 masked %and3A {add = true} : memref<1024xi32, #tpu.memory_space<vmem>>[vector<16xi32>], vector<16xi32>, vector<16xi1>
    %scan3A_30 = arith.constant 977 : i32
    %mul3A_31 = arith.constant 1024 : i32
    %mul3A_32 = arith.muli %add3A, %mul3A_31 : i32
    "tpu.region"() ({
      %run_scoped3A = tpu.sem_alloc : memref<!tpu.dma_semaphore, #tpu.memory_space<semaphore_mem>>
      %dma_start3A = tpu.memref_slice %arg3[%mul3A_32] : memref<32768xi32, #tpu.memory_space<hbm>> -> memref<1024xi32, #tpu.memory_space<hbm>>
      %dma_start3A_33 = tpu.memref_slice %arg3[%mul3A_32] : memref<32768xi32, #tpu.memory_space<hbm>> -> memref<1024xi32, #tpu.memory_space<hbm>>
      tpu.enqueue_dma source(%arg5 : memref<1024xi32, #tpu.memory_space<vmem>>) target(%dma_start3A_33 : memref<1024xi32, #tpu.memory_space<hbm>>) target_semaphore(%run_scoped3A : memref<!tpu.dma_semaphore, #tpu.memory_space<semaphore_mem>>)
      %dma_wait3A = tpu.memref_slice %arg3[%mul3A_32] : memref<32768xi32, #tpu.memory_space<hbm>> -> memref<1024xi32, #tpu.memory_space<hbm>>
      %dma_wait3A_34 = tpu.memref_slice %arg3[%mul3A_32] : memref<32768xi32, #tpu.memory_space<hbm>> -> memref<1024xi32, #tpu.memory_space<hbm>>
      tpu.wait_dma2 semaphore(%run_scoped3A : memref<!tpu.dma_semaphore, #tpu.memory_space<semaphore_mem>>) src(%arg5 : memref<1024xi32, #tpu.memory_space<vmem>>) dst(%dma_wait3A_34 : memref<1024xi32, #tpu.memory_space<hbm>>)
      tpu.yield
    }) : () -> ()
    return
  }
}

#map = affine_map<(d0, d1) -> (0)>
module attributes {stable_mosaic.version = 14 : i64} {
  func.func @_sc_hist3_body(%arg0: i32, %arg1: i32, %arg2: memref<500224xf32, #tpu.memory_space<hbm>>, %arg3: memref<1024xi32, #tpu.memory_space<hbm>>, %arg4: memref<32768xi32, #tpu.memory_space<hbm>>, %arg5: memref<65536xi32, #tpu.memory_space<hbm>>, %arg6: memref<15632xf32, #tpu.memory_space<vmem>>, %arg7: memref<1024xi32, #tpu.memory_space<vmem>>, %arg8: memref<32768xi32, #tpu.memory_space<vmem>>, %arg9: memref<2048xi32, #tpu.memory_space<vmem>>) attributes {dimension_semantics = [#tpu.dimension_semantics<core_parallel>, #tpu.dimension_semantics<subcore_parallel>], iteration_bounds = array<i64: 2, 16>, scalar_prefetch = 0 : i64, scratch_operands = 4 : i64, tpu.core_type = #tpu.core_type<sc_vector_subcore>, window_params = [{transform_indices = #map}, {transform_indices = #map}, {transform_indices = #map}, {transform_indices = #map}]} {
    %mul3A = arith.constant 2 : i32
    %mul3A_0 = arith.muli %arg1, %mul3A : i32
    %add3A = arith.addi %mul3A_0, %arg0 : i32
    %mul3A_1 = arith.constant 15632 : i32
    %mul3A_2 = arith.muli %add3A, %mul3A_1 : i32
    "tpu.region"() ({
      %run_scoped3A = tpu.sem_alloc : memref<!tpu.dma_semaphore, #tpu.memory_space<semaphore_mem>>
      %dma_start3A = tpu.memref_slice %arg2[%mul3A_2] : memref<500224xf32, #tpu.memory_space<hbm>> -> memref<15632xf32, #tpu.memory_space<hbm>>
      %dma_start3A_65 = tpu.memref_slice %arg2[%mul3A_2] : memref<500224xf32, #tpu.memory_space<hbm>> -> memref<15632xf32, #tpu.memory_space<hbm>>
      tpu.enqueue_dma source(%dma_start3A_65 : memref<15632xf32, #tpu.memory_space<hbm>>) target(%arg6 : memref<15632xf32, #tpu.memory_space<vmem>>) target_semaphore(%run_scoped3A : memref<!tpu.dma_semaphore, #tpu.memory_space<semaphore_mem>>)
      %dma_wait3A = tpu.memref_slice %arg2[%mul3A_2] : memref<500224xf32, #tpu.memory_space<hbm>> -> memref<15632xf32, #tpu.memory_space<hbm>>
      %dma_wait3A_66 = tpu.memref_slice %arg2[%mul3A_2] : memref<500224xf32, #tpu.memory_space<hbm>> -> memref<15632xf32, #tpu.memory_space<hbm>>
      tpu.wait_dma2 semaphore(%run_scoped3A : memref<!tpu.dma_semaphore, #tpu.memory_space<semaphore_mem>>) src(%dma_wait3A_66 : memref<15632xf32, #tpu.memory_space<hbm>>) dst(%arg6 : memref<15632xf32, #tpu.memory_space<vmem>>)
      tpu.yield
    }) : () -> ()
    "tpu.region"() ({
      %run_scoped3A = tpu.sem_alloc : memref<!tpu.dma_semaphore, #tpu.memory_space<semaphore_mem>>
      tpu.enqueue_dma source(%arg3 : memref<1024xi32, #tpu.memory_space<hbm>>) target(%arg7 : memref<1024xi32, #tpu.memory_space<vmem>>) target_semaphore(%run_scoped3A : memref<!tpu.dma_semaphore, #tpu.memory_space<semaphore_mem>>)
      tpu.wait_dma2 semaphore(%run_scoped3A : memref<!tpu.dma_semaphore, #tpu.memory_space<semaphore_mem>>) src(%arg3 : memref<1024xi32, #tpu.memory_space<hbm>>) dst(%arg7 : memref<1024xi32, #tpu.memory_space<vmem>>)
      tpu.yield
    }) : () -> ()
    "tpu.region"() ({
      %run_scoped3A = tpu.sem_alloc : memref<!tpu.dma_semaphore, #tpu.memory_space<semaphore_mem>>
      tpu.enqueue_dma source(%arg4 : memref<32768xi32, #tpu.memory_space<hbm>>) target(%arg8 : memref<32768xi32, #tpu.memory_space<vmem>>) target_semaphore(%run_scoped3A : memref<!tpu.dma_semaphore, #tpu.memory_space<semaphore_mem>>)
      tpu.wait_dma2 semaphore(%run_scoped3A : memref<!tpu.dma_semaphore, #tpu.memory_space<semaphore_mem>>) src(%arg4 : memref<32768xi32, #tpu.memory_space<hbm>>) dst(%arg8 : memref<32768xi32, #tpu.memory_space<vmem>>)
      tpu.yield
    }) : () -> ()
    %broadcast_in_dim3A = arith.constant 0 : i32
    %broadcast_in_dim3A_3 = vector.broadcast %broadcast_in_dim3A : i32 to vector<16xi32>
    %scan3A = arith.constant 0 : i32
    %scan3A_4 = arith.constant 0 : i32
    %scan3A_5 = arith.constant 128 : i32
    %scan3A_6 = arith.addi %scan3A_4, %scan3A_5 : i32
    %scan3A_7 = arith.constant 8 : i32
    scf.for %scan3A_65 = %scan3A_4 to %scan3A_6 step %scan3A_7  : i32 {
      %mul3A_66 = arith.constant 16 : i32
      %mul3A_67 = arith.muli %scan3A_65, %mul3A_66 : i32
      %swap3A = arith.index_cast %mul3A_67 : i32 to index
      %swap3A_68 = tpu.vector_load %arg9[%swap3A] {strides = array<i32>} : memref<2048xi32, #tpu.memory_space<vmem>>, vector<16xi32>,
      tpu.vector_store %arg9[%swap3A], %broadcast_in_dim3A_3 {strides = array<i32>} : memref<2048xi32, #tpu.memory_space<vmem>>, vector<16xi32>,
      %scan3A_69 = arith.constant 1 : i32
      %scan3A_70 = arith.addi %scan3A_65, %scan3A_69 : i32
      %mul3A_71 = arith.constant 16 : i32
      %mul3A_72 = arith.muli %scan3A_70, %mul3A_71 : i32
      %swap3A_73 = arith.index_cast %mul3A_72 : i32 to index
      %swap3A_74 = tpu.vector_load %arg9[%swap3A_73] {strides = array<i32>} : memref<2048xi32, #tpu.memory_space<vmem>>, vector<16xi32>,
      tpu.vector_store %arg9[%swap3A_73], %broadcast_in_dim3A_3 {strides = array<i32>} : memref<2048xi32, #tpu.memory_space<vmem>>, vector<16xi32>,
      %scan3A_75 = arith.constant 2 : i32
      %scan3A_76 = arith.addi %scan3A_65, %scan3A_75 : i32
      %mul3A_77 = arith.constant 16 : i32
      %mul3A_78 = arith.muli %scan3A_76, %mul3A_77 : i32
      %swap3A_79 = arith.index_cast %mul3A_78 : i32 to index
      %swap3A_80 = tpu.vector_load %arg9[%swap3A_79] {strides = array<i32>} : memref<2048xi32, #tpu.memory_space<vmem>>, vector<16xi32>,
      tpu.vector_store %arg9[%swap3A_79], %broadcast_in_dim3A_3 {strides = array<i32>} : memref<2048xi32, #tpu.memory_space<vmem>>, vector<16xi32>,
      %scan3A_81 = arith.constant 3 : i32
      %scan3A_82 = arith.addi %scan3A_65, %scan3A_81 : i32
      %mul3A_83 = arith.constant 16 : i32
      %mul3A_84 = arith.muli %scan3A_82, %mul3A_83 : i32
      %swap3A_85 = arith.index_cast %mul3A_84 : i32 to index
      %swap3A_86 = tpu.vector_load %arg9[%swap3A_85] {strides = array<i32>} : memref<2048xi32, #tpu.memory_space<vmem>>, vector<16xi32>,
      tpu.vector_store %arg9[%swap3A_85], %broadcast_in_dim3A_3 {strides = array<i32>} : memref<2048xi32, #tpu.memory_space<vmem>>, vector<16xi32>,
      %scan3A_87 = arith.constant 4 : i32
      %scan3A_88 = arith.addi %scan3A_65, %scan3A_87 : i32
      %mul3A_89 = arith.constant 16 : i32
      %mul3A_90 = arith.muli %scan3A_88, %mul3A_89 : i32
      %swap3A_91 = arith.index_cast %mul3A_90 : i32 to index
      %swap3A_92 = tpu.vector_load %arg9[%swap3A_91] {strides = array<i32>} : memref<2048xi32, #tpu.memory_space<vmem>>, vector<16xi32>,
      tpu.vector_store %arg9[%swap3A_91], %broadcast_in_dim3A_3 {strides = array<i32>} : memref<2048xi32, #tpu.memory_space<vmem>>, vector<16xi32>,
      %scan3A_93 = arith.constant 5 : i32
      %scan3A_94 = arith.addi %scan3A_65, %scan3A_93 : i32
      %mul3A_95 = arith.constant 16 : i32
      %mul3A_96 = arith.muli %scan3A_94, %mul3A_95 : i32
      %swap3A_97 = arith.index_cast %mul3A_96 : i32 to index
      %swap3A_98 = tpu.vector_load %arg9[%swap3A_97] {strides = array<i32>} : memref<2048xi32, #tpu.memory_space<vmem>>, vector<16xi32>,
      tpu.vector_store %arg9[%swap3A_97], %broadcast_in_dim3A_3 {strides = array<i32>} : memref<2048xi32, #tpu.memory_space<vmem>>, vector<16xi32>,
      %scan3A_99 = arith.constant 6 : i32
      %scan3A_100 = arith.addi %scan3A_65, %scan3A_99 : i32
      %mul3A_101 = arith.constant 16 : i32
      %mul3A_102 = arith.muli %scan3A_100, %mul3A_101 : i32
      %swap3A_103 = arith.index_cast %mul3A_102 : i32 to index
      %swap3A_104 = tpu.vector_load %arg9[%swap3A_103] {strides = array<i32>} : memref<2048xi32, #tpu.memory_space<vmem>>, vector<16xi32>,
      tpu.vector_store %arg9[%swap3A_103], %broadcast_in_dim3A_3 {strides = array<i32>} : memref<2048xi32, #tpu.memory_space<vmem>>, vector<16xi32>,
      %scan3A_105 = arith.constant 7 : i32
      %scan3A_106 = arith.addi %scan3A_65, %scan3A_105 : i32
      %mul3A_107 = arith.constant 16 : i32
      %mul3A_108 = arith.muli %scan3A_106, %mul3A_107 : i32
      %swap3A_109 = arith.index_cast %mul3A_108 : i32 to index
      %swap3A_110 = tpu.vector_load %arg9[%swap3A_109] {strides = array<i32>} : memref<2048xi32, #tpu.memory_space<vmem>>, vector<16xi32>,
      tpu.vector_store %arg9[%swap3A_109], %broadcast_in_dim3A_3 {strides = array<i32>} : memref<2048xi32, #tpu.memory_space<vmem>>, vector<16xi32>,
    }
    %scan3A_8 = arith.constant 128 : i32
    %broadcast_in_dim3A_9 = arith.constant 1 : i32
    %broadcast_in_dim3A_10 = vector.broadcast %broadcast_in_dim3A_9 : i32 to vector<16xi32>
    %scan3A_11 = arith.constant 0 : i32
    %scan3A_12 = arith.constant 0 : i32
    %scan3A_13 = arith.constant 976 : i32
    %scan3A_14 = arith.addi %scan3A_12, %scan3A_13 : i32
    %scan3A_15 = arith.constant 4 : i32
    scf.for %scan3A_65 = %scan3A_12 to %scan3A_14 step %scan3A_15  : i32 {
      %mul3A_66 = arith.constant 16 : i32
      %mul3A_67 = arith.muli %scan3A_65, %mul3A_66 : i32
      %get3A_68 = arith.index_cast %mul3A_67 : i32 to index
      %get3A_69 = tpu.vector_load %arg6[%get3A_68] {strides = array<i32>} : memref<15632xf32, #tpu.memory_space<vmem>>, vector<16xf32>,
      %bitcast_convert_type3A_70 = tpu.bitcast %get3A_69 : vector<16xf32> -> vector<16xi32>
      %sub3A_71 = arith.constant 998244352 : i32
      %sub3A_72 = vector.broadcast %sub3A_71 : i32 to vector<16xi32>
      %sub3A_73 = arith.subi %bitcast_convert_type3A_70, %sub3A_72 : vector<16xi32>
      %shift_right_arithmetic3A_74 = arith.constant 16 : i32
      %shift_right_arithmetic3A_75 = vector.broadcast %shift_right_arithmetic3A_74 : i32 to vector<16xi32>
      %shift_right_arithmetic3A_76 = arith.shrsi %sub3A_73, %shift_right_arithmetic3A_75 : vector<16xi32>
      %ge3A_77 = arith.constant 0 : i32
      %ge3A_78 = vector.broadcast %ge3A_77 : i32 to vector<16xi32>
      %ge3A_79 = arith.cmpi sge, %shift_right_arithmetic3A_76, %ge3A_78 : vector<16xi32>
      %lt3A_80 = arith.constant 1024 : i32
      %lt3A_81 = vector.broadcast %lt3A_80 : i32 to vector<16xi32>
      %lt3A_82 = arith.cmpi slt, %shift_right_arithmetic3A_76, %lt3A_81 : vector<16xi32>
      %and3A_83 = arith.andi %ge3A_79, %lt3A_82 : vector<16xi1>
      %jit3A_84 = arith.constant 0 : i32
      %broadcast_in_dim3A_85 = vector.broadcast %jit3A_84 : i32 to vector<16xi32>
      %select_n3A_86 = arith.select %and3A_83, %shift_right_arithmetic3A_76, %broadcast_in_dim3A_85 : vector<16xi1>, vector<16xi32>
      %gather3A_87 = tpu.vector_load_idx %arg7[%select_n3A_86] : memref<1024xi32, #tpu.memory_space<vmem>>[vector<16xi32>], vector<16xi32>,
      %ge3A_88 = arith.constant 0 : i32
      %ge3A_89 = vector.broadcast %ge3A_88 : i32 to vector<16xi32>
      %ge3A_90 = arith.cmpi sge, %gather3A_87, %ge3A_89 : vector<16xi32>
      %and3A_91 = arith.andi %and3A_83, %ge3A_90 : vector<16xi1>
      %mul3A_92 = arith.constant 1024 : i32
      %mul3A_93 = vector.broadcast %mul3A_92 : i32 to vector<16xi32>
      %mul3A_94 = arith.muli %gather3A_87, %mul3A_93 : vector<16xi32>
      %shift_right_arithmetic3A_95 = arith.constant 6 : i32
      %shift_right_arithmetic3A_96 = vector.broadcast %shift_right_arithmetic3A_95 : i32 to vector<16xi32>
      %shift_right_arithmetic3A_97 = arith.shrsi %bitcast_convert_type3A_70, %shift_right_arithmetic3A_96 : vector<16xi32>
      %and3A_98 = arith.constant 1023 : i32
      %and3A_99 = vector.broadcast %and3A_98 : i32 to vector<16xi32>
      %and3A_100 = arith.andi %shift_right_arithmetic3A_97, %and3A_99 : vector<16xi32>
      %add3A_101 = arith.addi %mul3A_94, %and3A_100 : vector<16xi32>
      %jit3A_102 = arith.constant 0 : i32
      %broadcast_in_dim3A_103 = vector.broadcast %jit3A_102 : i32 to vector<16xi32>
      %select_n3A_104 = arith.select %and3A_91, %add3A_101, %broadcast_in_dim3A_103 : vector<16xi1>, vector<16xi32>
      %gather3A_105 = tpu.vector_load_idx %arg8[%select_n3A_104] : memref<32768xi32, #tpu.memory_space<vmem>>[vector<16xi32>], vector<16xi32>,
      %ge3A_106 = arith.constant 0 : i32
      %ge3A_107 = vector.broadcast %ge3A_106 : i32 to vector<16xi32>
      %ge3A_108 = arith.cmpi sge, %gather3A_105, %ge3A_107 : vector<16xi32>
      %and3A_109 = arith.andi %and3A_91, %ge3A_108 : vector<16xi1>
      %mul3A_110 = arith.constant 64 : i32
      %mul3A_111 = vector.broadcast %mul3A_110 : i32 to vector<16xi32>
      %mul3A_112 = arith.muli %gather3A_105, %mul3A_111 : vector<16xi32>
      %and3A_113 = arith.constant 63 : i32
      %and3A_114 = vector.broadcast %and3A_113 : i32 to vector<16xi32>
      %and3A_115 = arith.andi %bitcast_convert_type3A_70, %and3A_114 : vector<16xi32>
      %add3A_116 = arith.addi %mul3A_112, %and3A_115 : vector<16xi32>
      %jit3A_117 = arith.constant 0 : i32
      %broadcast_in_dim3A_118 = vector.broadcast %jit3A_117 : i32 to vector<16xi32>
      %select_n3A_119 = arith.select %and3A_109, %add3A_116, %broadcast_in_dim3A_118 : vector<16xi1>, vector<16xi32>
      tpu.vector_store_idx %arg9[%select_n3A_119], %broadcast_in_dim3A_10 masked %and3A_109 {add = true} : memref<2048xi32, #tpu.memory_space<vmem>>[vector<16xi32>], vector<16xi32>, vector<16xi1>
      %scan3A_120 = arith.constant 1 : i32
      %scan3A_121 = arith.addi %scan3A_65, %scan3A_120 : i32
      %mul3A_122 = arith.constant 16 : i32
      %mul3A_123 = arith.muli %scan3A_121, %mul3A_122 : i32
      %get3A_124 = arith.index_cast %mul3A_123 : i32 to index
      %get3A_125 = tpu.vector_load %arg6[%get3A_124] {strides = array<i32>} : memref<15632xf32, #tpu.memory_space<vmem>>, vector<16xf32>,
      %bitcast_convert_type3A_126 = tpu.bitcast %get3A_125 : vector<16xf32> -> vector<16xi32>
      %sub3A_127 = arith.constant 998244352 : i32
      %sub3A_128 = vector.broadcast %sub3A_127 : i32 to vector<16xi32>
      %sub3A_129 = arith.subi %bitcast_convert_type3A_126, %sub3A_128 : vector<16xi32>
      %shift_right_arithmetic3A_130 = arith.constant 16 : i32
      %shift_right_arithmetic3A_131 = vector.broadcast %shift_right_arithmetic3A_130 : i32 to vector<16xi32>
      %shift_right_arithmetic3A_132 = arith.shrsi %sub3A_129, %shift_right_arithmetic3A_131 : vector<16xi32>
      %ge3A_133 = arith.constant 0 : i32
      %ge3A_134 = vector.broadcast %ge3A_133 : i32 to vector<16xi32>
      %ge3A_135 = arith.cmpi sge, %shift_right_arithmetic3A_132, %ge3A_134 : vector<16xi32>
      %lt3A_136 = arith.constant 1024 : i32
      %lt3A_137 = vector.broadcast %lt3A_136 : i32 to vector<16xi32>
      %lt3A_138 = arith.cmpi slt, %shift_right_arithmetic3A_132, %lt3A_137 : vector<16xi32>
      %and3A_139 = arith.andi %ge3A_135, %lt3A_138 : vector<16xi1>
      %jit3A_140 = arith.constant 0 : i32
      %broadcast_in_dim3A_141 = vector.broadcast %jit3A_140 : i32 to vector<16xi32>
      %select_n3A_142 = arith.select %and3A_139, %shift_right_arithmetic3A_132, %broadcast_in_dim3A_141 : vector<16xi1>, vector<16xi32>
      %gather3A_143 = tpu.vector_load_idx %arg7[%select_n3A_142] : memref<1024xi32, #tpu.memory_space<vmem>>[vector<16xi32>], vector<16xi32>,
      %ge3A_144 = arith.constant 0 : i32
      %ge3A_145 = vector.broadcast %ge3A_144 : i32 to vector<16xi32>
      %ge3A_146 = arith.cmpi sge, %gather3A_143, %ge3A_145 : vector<16xi32>
      %and3A_147 = arith.andi %and3A_139, %ge3A_146 : vector<16xi1>
      %mul3A_148 = arith.constant 1024 : i32
      %mul3A_149 = vector.broadcast %mul3A_148 : i32 to vector<16xi32>
      %mul3A_150 = arith.muli %gather3A_143, %mul3A_149 : vector<16xi32>
      %shift_right_arithmetic3A_151 = arith.constant 6 : i32
      %shift_right_arithmetic3A_152 = vector.broadcast %shift_right_arithmetic3A_151 : i32 to vector<16xi32>
      %shift_right_arithmetic3A_153 = arith.shrsi %bitcast_convert_type3A_126, %shift_right_arithmetic3A_152 : vector<16xi32>
      %and3A_154 = arith.constant 1023 : i32
      %and3A_155 = vector.broadcast %and3A_154 : i32 to vector<16xi32>
      %and3A_156 = arith.andi %shift_right_arithmetic3A_153, %and3A_155 : vector<16xi32>
      %add3A_157 = arith.addi %mul3A_150, %and3A_156 : vector<16xi32>
      %jit3A_158 = arith.constant 0 : i32
      %broadcast_in_dim3A_159 = vector.broadcast %jit3A_158 : i32 to vector<16xi32>
      %select_n3A_160 = arith.select %and3A_147, %add3A_157, %broadcast_in_dim3A_159 : vector<16xi1>, vector<16xi32>
      %gather3A_161 = tpu.vector_load_idx %arg8[%select_n3A_160] : memref<32768xi32, #tpu.memory_space<vmem>>[vector<16xi32>], vector<16xi32>,
      %ge3A_162 = arith.constant 0 : i32
      %ge3A_163 = vector.broadcast %ge3A_162 : i32 to vector<16xi32>
      %ge3A_164 = arith.cmpi sge, %gather3A_161, %ge3A_163 : vector<16xi32>
      %and3A_165 = arith.andi %and3A_147, %ge3A_164 : vector<16xi1>
      %mul3A_166 = arith.constant 64 : i32
      %mul3A_167 = vector.broadcast %mul3A_166 : i32 to vector<16xi32>
      %mul3A_168 = arith.muli %gather3A_161, %mul3A_167 : vector<16xi32>
      %and3A_169 = arith.constant 63 : i32
      %and3A_170 = vector.broadcast %and3A_169 : i32 to vector<16xi32>
      %and3A_171 = arith.andi %bitcast_convert_type3A_126, %and3A_170 : vector<16xi32>
      %add3A_172 = arith.addi %mul3A_168, %and3A_171 : vector<16xi32>
      %jit3A_173 = arith.constant 0 : i32
      %broadcast_in_dim3A_174 = vector.broadcast %jit3A_173 : i32 to vector<16xi32>
      %select_n3A_175 = arith.select %and3A_165, %add3A_172, %broadcast_in_dim3A_174 : vector<16xi1>, vector<16xi32>
      tpu.vector_store_idx %arg9[%select_n3A_175], %broadcast_in_dim3A_10 masked %and3A_165 {add = true} : memref<2048xi32, #tpu.memory_space<vmem>>[vector<16xi32>], vector<16xi32>, vector<16xi1>
      %scan3A_176 = arith.constant 2 : i32
      %scan3A_177 = arith.addi %scan3A_65, %scan3A_176 : i32
      %mul3A_178 = arith.constant 16 : i32
      %mul3A_179 = arith.muli %scan3A_177, %mul3A_178 : i32
      %get3A_180 = arith.index_cast %mul3A_179 : i32 to index
      %get3A_181 = tpu.vector_load %arg6[%get3A_180] {strides = array<i32>} : memref<15632xf32, #tpu.memory_space<vmem>>, vector<16xf32>,
      %bitcast_convert_type3A_182 = tpu.bitcast %get3A_181 : vector<16xf32> -> vector<16xi32>
      %sub3A_183 = arith.constant 998244352 : i32
      %sub3A_184 = vector.broadcast %sub3A_183 : i32 to vector<16xi32>
      %sub3A_185 = arith.subi %bitcast_convert_type3A_182, %sub3A_184 : vector<16xi32>
      %shift_right_arithmetic3A_186 = arith.constant 16 : i32
      %shift_right_arithmetic3A_187 = vector.broadcast %shift_right_arithmetic3A_186 : i32 to vector<16xi32>
      %shift_right_arithmetic3A_188 = arith.shrsi %sub3A_185, %shift_right_arithmetic3A_187 : vector<16xi32>
      %ge3A_189 = arith.constant 0 : i32
      %ge3A_190 = vector.broadcast %ge3A_189 : i32 to vector<16xi32>
      %ge3A_191 = arith.cmpi sge, %shift_right_arithmetic3A_188, %ge3A_190 : vector<16xi32>
      %lt3A_192 = arith.constant 1024 : i32
      %lt3A_193 = vector.broadcast %lt3A_192 : i32 to vector<16xi32>
      %lt3A_194 = arith.cmpi slt, %shift_right_arithmetic3A_188, %lt3A_193 : vector<16xi32>
      %and3A_195 = arith.andi %ge3A_191, %lt3A_194 : vector<16xi1>
      %jit3A_196 = arith.constant 0 : i32
      %broadcast_in_dim3A_197 = vector.broadcast %jit3A_196 : i32 to vector<16xi32>
      %select_n3A_198 = arith.select %and3A_195, %shift_right_arithmetic3A_188, %broadcast_in_dim3A_197 : vector<16xi1>, vector<16xi32>
      %gather3A_199 = tpu.vector_load_idx %arg7[%select_n3A_198] : memref<1024xi32, #tpu.memory_space<vmem>>[vector<16xi32>], vector<16xi32>,
      %ge3A_200 = arith.constant 0 : i32
      %ge3A_201 = vector.broadcast %ge3A_200 : i32 to vector<16xi32>
      %ge3A_202 = arith.cmpi sge, %gather3A_199, %ge3A_201 : vector<16xi32>
      %and3A_203 = arith.andi %and3A_195, %ge3A_202 : vector<16xi1>
      %mul3A_204 = arith.constant 1024 : i32
      %mul3A_205 = vector.broadcast %mul3A_204 : i32 to vector<16xi32>
      %mul3A_206 = arith.muli %gather3A_199, %mul3A_205 : vector<16xi32>
      %shift_right_arithmetic3A_207 = arith.constant 6 : i32
      %shift_right_arithmetic3A_208 = vector.broadcast %shift_right_arithmetic3A_207 : i32 to vector<16xi32>
      %shift_right_arithmetic3A_209 = arith.shrsi %bitcast_convert_type3A_182, %shift_right_arithmetic3A_208 : vector<16xi32>
      %and3A_210 = arith.constant 1023 : i32
      %and3A_211 = vector.broadcast %and3A_210 : i32 to vector<16xi32>
      %and3A_212 = arith.andi %shift_right_arithmetic3A_209, %and3A_211 : vector<16xi32>
      %add3A_213 = arith.addi %mul3A_206, %and3A_212 : vector<16xi32>
      %jit3A_214 = arith.constant 0 : i32
      %broadcast_in_dim3A_215 = vector.broadcast %jit3A_214 : i32 to vector<16xi32>
      %select_n3A_216 = arith.select %and3A_203, %add3A_213, %broadcast_in_dim3A_215 : vector<16xi1>, vector<16xi32>
      %gather3A_217 = tpu.vector_load_idx %arg8[%select_n3A_216] : memref<32768xi32, #tpu.memory_space<vmem>>[vector<16xi32>], vector<16xi32>,
      %ge3A_218 = arith.constant 0 : i32
      %ge3A_219 = vector.broadcast %ge3A_218 : i32 to vector<16xi32>
      %ge3A_220 = arith.cmpi sge, %gather3A_217, %ge3A_219 : vector<16xi32>
      %and3A_221 = arith.andi %and3A_203, %ge3A_220 : vector<16xi1>
      %mul3A_222 = arith.constant 64 : i32
      %mul3A_223 = vector.broadcast %mul3A_222 : i32 to vector<16xi32>
      %mul3A_224 = arith.muli %gather3A_217, %mul3A_223 : vector<16xi32>
      %and3A_225 = arith.constant 63 : i32
      %and3A_226 = vector.broadcast %and3A_225 : i32 to vector<16xi32>
      %and3A_227 = arith.andi %bitcast_convert_type3A_182, %and3A_226 : vector<16xi32>
      %add3A_228 = arith.addi %mul3A_224, %and3A_227 : vector<16xi32>
      %jit3A_229 = arith.constant 0 : i32
      %broadcast_in_dim3A_230 = vector.broadcast %jit3A_229 : i32 to vector<16xi32>
      %select_n3A_231 = arith.select %and3A_221, %add3A_228, %broadcast_in_dim3A_230 : vector<16xi1>, vector<16xi32>
      tpu.vector_store_idx %arg9[%select_n3A_231], %broadcast_in_dim3A_10 masked %and3A_221 {add = true} : memref<2048xi32, #tpu.memory_space<vmem>>[vector<16xi32>], vector<16xi32>, vector<16xi1>
      %scan3A_232 = arith.constant 3 : i32
      %scan3A_233 = arith.addi %scan3A_65, %scan3A_232 : i32
      %mul3A_234 = arith.constant 16 : i32
      %mul3A_235 = arith.muli %scan3A_233, %mul3A_234 : i32
      %get3A_236 = arith.index_cast %mul3A_235 : i32 to index
      %get3A_237 = tpu.vector_load %arg6[%get3A_236] {strides = array<i32>} : memref<15632xf32, #tpu.memory_space<vmem>>, vector<16xf32>,
      %bitcast_convert_type3A_238 = tpu.bitcast %get3A_237 : vector<16xf32> -> vector<16xi32>
      %sub3A_239 = arith.constant 998244352 : i32
      %sub3A_240 = vector.broadcast %sub3A_239 : i32 to vector<16xi32>
      %sub3A_241 = arith.subi %bitcast_convert_type3A_238, %sub3A_240 : vector<16xi32>
      %shift_right_arithmetic3A_242 = arith.constant 16 : i32
      %shift_right_arithmetic3A_243 = vector.broadcast %shift_right_arithmetic3A_242 : i32 to vector<16xi32>
      %shift_right_arithmetic3A_244 = arith.shrsi %sub3A_241, %shift_right_arithmetic3A_243 : vector<16xi32>
      %ge3A_245 = arith.constant 0 : i32
      %ge3A_246 = vector.broadcast %ge3A_245 : i32 to vector<16xi32>
      %ge3A_247 = arith.cmpi sge, %shift_right_arithmetic3A_244, %ge3A_246 : vector<16xi32>
      %lt3A_248 = arith.constant 1024 : i32
      %lt3A_249 = vector.broadcast %lt3A_248 : i32 to vector<16xi32>
      %lt3A_250 = arith.cmpi slt, %shift_right_arithmetic3A_244, %lt3A_249 : vector<16xi32>
      %and3A_251 = arith.andi %ge3A_247, %lt3A_250 : vector<16xi1>
      %jit3A_252 = arith.constant 0 : i32
      %broadcast_in_dim3A_253 = vector.broadcast %jit3A_252 : i32 to vector<16xi32>
      %select_n3A_254 = arith.select %and3A_251, %shift_right_arithmetic3A_244, %broadcast_in_dim3A_253 : vector<16xi1>, vector<16xi32>
      %gather3A_255 = tpu.vector_load_idx %arg7[%select_n3A_254] : memref<1024xi32, #tpu.memory_space<vmem>>[vector<16xi32>], vector<16xi32>,
      %ge3A_256 = arith.constant 0 : i32
      %ge3A_257 = vector.broadcast %ge3A_256 : i32 to vector<16xi32>
      %ge3A_258 = arith.cmpi sge, %gather3A_255, %ge3A_257 : vector<16xi32>
      %and3A_259 = arith.andi %and3A_251, %ge3A_258 : vector<16xi1>
      %mul3A_260 = arith.constant 1024 : i32
      %mul3A_261 = vector.broadcast %mul3A_260 : i32 to vector<16xi32>
      %mul3A_262 = arith.muli %gather3A_255, %mul3A_261 : vector<16xi32>
      %shift_right_arithmetic3A_263 = arith.constant 6 : i32
      %shift_right_arithmetic3A_264 = vector.broadcast %shift_right_arithmetic3A_263 : i32 to vector<16xi32>
      %shift_right_arithmetic3A_265 = arith.shrsi %bitcast_convert_type3A_238, %shift_right_arithmetic3A_264 : vector<16xi32>
      %and3A_266 = arith.constant 1023 : i32
      %and3A_267 = vector.broadcast %and3A_266 : i32 to vector<16xi32>
      %and3A_268 = arith.andi %shift_right_arithmetic3A_265, %and3A_267 : vector<16xi32>
      %add3A_269 = arith.addi %mul3A_262, %and3A_268 : vector<16xi32>
      %jit3A_270 = arith.constant 0 : i32
      %broadcast_in_dim3A_271 = vector.broadcast %jit3A_270 : i32 to vector<16xi32>
      %select_n3A_272 = arith.select %and3A_259, %add3A_269, %broadcast_in_dim3A_271 : vector<16xi1>, vector<16xi32>
      %gather3A_273 = tpu.vector_load_idx %arg8[%select_n3A_272] : memref<32768xi32, #tpu.memory_space<vmem>>[vector<16xi32>], vector<16xi32>,
      %ge3A_274 = arith.constant 0 : i32
      %ge3A_275 = vector.broadcast %ge3A_274 : i32 to vector<16xi32>
      %ge3A_276 = arith.cmpi sge, %gather3A_273, %ge3A_275 : vector<16xi32>
      %and3A_277 = arith.andi %and3A_259, %ge3A_276 : vector<16xi1>
      %mul3A_278 = arith.constant 64 : i32
      %mul3A_279 = vector.broadcast %mul3A_278 : i32 to vector<16xi32>
      %mul3A_280 = arith.muli %gather3A_273, %mul3A_279 : vector<16xi32>
      %and3A_281 = arith.constant 63 : i32
      %and3A_282 = vector.broadcast %and3A_281 : i32 to vector<16xi32>
      %and3A_283 = arith.andi %bitcast_convert_type3A_238, %and3A_282 : vector<16xi32>
      %add3A_284 = arith.addi %mul3A_280, %and3A_283 : vector<16xi32>
      %jit3A_285 = arith.constant 0 : i32
      %broadcast_in_dim3A_286 = vector.broadcast %jit3A_285 : i32 to vector<16xi32>
      %select_n3A_287 = arith.select %and3A_277, %add3A_284, %broadcast_in_dim3A_286 : vector<16xi1>, vector<16xi32>
      tpu.vector_store_idx %arg9[%select_n3A_287], %broadcast_in_dim3A_10 masked %and3A_277 {add = true} : memref<2048xi32, #tpu.memory_space<vmem>>[vector<16xi32>], vector<16xi32>, vector<16xi1>
    }
    %scan3A_16 = arith.constant 976 : i32
    %scan3A_17 = arith.addi %scan3A_12, %scan3A_16 : i32
    %mul3A_18 = arith.constant 16 : i32
    %mul3A_19 = arith.muli %scan3A_17, %mul3A_18 : i32
    %get3A = arith.index_cast %mul3A_19 : i32 to index
    %get3A_20 = tpu.vector_load %arg6[%get3A] {strides = array<i32>} : memref<15632xf32, #tpu.memory_space<vmem>>, vector<16xf32>,
    %bitcast_convert_type3A = tpu.bitcast %get3A_20 : vector<16xf32> -> vector<16xi32>
    %sub3A = arith.constant 998244352 : i32
    %sub3A_21 = vector.broadcast %sub3A : i32 to vector<16xi32>
    %sub3A_22 = arith.subi %bitcast_convert_type3A, %sub3A_21 : vector<16xi32>
    %shift_right_arithmetic3A = arith.constant 16 : i32
    %shift_right_arithmetic3A_23 = vector.broadcast %shift_right_arithmetic3A : i32 to vector<16xi32>
    %shift_right_arithmetic3A_24 = arith.shrsi %sub3A_22, %shift_right_arithmetic3A_23 : vector<16xi32>
    %ge3A = arith.constant 0 : i32
    %ge3A_25 = vector.broadcast %ge3A : i32 to vector<16xi32>
    %ge3A_26 = arith.cmpi sge, %shift_right_arithmetic3A_24, %ge3A_25 : vector<16xi32>
    %lt3A = arith.constant 1024 : i32
    %lt3A_27 = vector.broadcast %lt3A : i32 to vector<16xi32>
    %lt3A_28 = arith.cmpi slt, %shift_right_arithmetic3A_24, %lt3A_27 : vector<16xi32>
    %and3A = arith.andi %ge3A_26, %lt3A_28 : vector<16xi1>
    %jit3A = arith.constant 0 : i32
    %broadcast_in_dim3A_29 = vector.broadcast %jit3A : i32 to vector<16xi32>
    %select_n3A = arith.select %and3A, %shift_right_arithmetic3A_24, %broadcast_in_dim3A_29 : vector<16xi1>, vector<16xi32>
    %gather3A = tpu.vector_load_idx %arg7[%select_n3A] : memref<1024xi32, #tpu.memory_space<vmem>>[vector<16xi32>], vector<16xi32>,
    %ge3A_30 = arith.constant 0 : i32
    %ge3A_31 = vector.broadcast %ge3A_30 : i32 to vector<16xi32>
    %ge3A_32 = arith.cmpi sge, %gather3A, %ge3A_31 : vector<16xi32>
    %and3A_33 = arith.andi %and3A, %ge3A_32 : vector<16xi1>
    %mul3A_34 = arith.constant 1024 : i32
    %mul3A_35 = vector.broadcast %mul3A_34 : i32 to vector<16xi32>
    %mul3A_36 = arith.muli %gather3A, %mul3A_35 : vector<16xi32>
    %shift_right_arithmetic3A_37 = arith.constant 6 : i32
    %shift_right_arithmetic3A_38 = vector.broadcast %shift_right_arithmetic3A_37 : i32 to vector<16xi32>
    %shift_right_arithmetic3A_39 = arith.shrsi %bitcast_convert_type3A, %shift_right_arithmetic3A_38 : vector<16xi32>
    %and3A_40 = arith.constant 1023 : i32
    %and3A_41 = vector.broadcast %and3A_40 : i32 to vector<16xi32>
    %and3A_42 = arith.andi %shift_right_arithmetic3A_39, %and3A_41 : vector<16xi32>
    %add3A_43 = arith.addi %mul3A_36, %and3A_42 : vector<16xi32>
    %jit3A_44 = arith.constant 0 : i32
    %broadcast_in_dim3A_45 = vector.broadcast %jit3A_44 : i32 to vector<16xi32>
    %select_n3A_46 = arith.select %and3A_33, %add3A_43, %broadcast_in_dim3A_45 : vector<16xi1>, vector<16xi32>
    %gather3A_47 = tpu.vector_load_idx %arg8[%select_n3A_46] : memref<32768xi32, #tpu.memory_space<vmem>>[vector<16xi32>], vector<16xi32>,
    %ge3A_48 = arith.constant 0 : i32
    %ge3A_49 = vector.broadcast %ge3A_48 : i32 to vector<16xi32>
    %ge3A_50 = arith.cmpi sge, %gather3A_47, %ge3A_49 : vector<16xi32>
    %and3A_51 = arith.andi %and3A_33, %ge3A_50 : vector<16xi1>
    %mul3A_52 = arith.constant 64 : i32
    %mul3A_53 = vector.broadcast %mul3A_52 : i32 to vector<16xi32>
    %mul3A_54 = arith.muli %gather3A_47, %mul3A_53 : vector<16xi32>
    %and3A_55 = arith.constant 63 : i32
    %and3A_56 = vector.broadcast %and3A_55 : i32 to vector<16xi32>
    %and3A_57 = arith.andi %bitcast_convert_type3A, %and3A_56 : vector<16xi32>
    %add3A_58 = arith.addi %mul3A_54, %and3A_57 : vector<16xi32>
    %jit3A_59 = arith.constant 0 : i32
    %broadcast_in_dim3A_60 = vector.broadcast %jit3A_59 : i32 to vector<16xi32>
    %select_n3A_61 = arith.select %and3A_51, %add3A_58, %broadcast_in_dim3A_60 : vector<16xi1>, vector<16xi32>
    tpu.vector_store_idx %arg9[%select_n3A_61], %broadcast_in_dim3A_10 masked %and3A_51 {add = true} : memref<2048xi32, #tpu.memory_space<vmem>>[vector<16xi32>], vector<16xi32>, vector<16xi1>
    %scan3A_62 = arith.constant 977 : i32
    %mul3A_63 = arith.constant 2048 : i32
    %mul3A_64 = arith.muli %add3A, %mul3A_63 : i32
    "tpu.region"() ({
      %run_scoped3A = tpu.sem_alloc : memref<!tpu.dma_semaphore, #tpu.memory_space<semaphore_mem>>
      %dma_start3A = tpu.memref_slice %arg5[%mul3A_64] : memref<65536xi32, #tpu.memory_space<hbm>> -> memref<2048xi32, #tpu.memory_space<hbm>>
      %dma_start3A_65 = tpu.memref_slice %arg5[%mul3A_64] : memref<65536xi32, #tpu.memory_space<hbm>> -> memref<2048xi32, #tpu.memory_space<hbm>>
      tpu.enqueue_dma source(%arg9 : memref<2048xi32, #tpu.memory_space<vmem>>) target(%dma_start3A_65 : memref<2048xi32, #tpu.memory_space<hbm>>) target_semaphore(%run_scoped3A : memref<!tpu.dma_semaphore, #tpu.memory_space<semaphore_mem>>)
      %dma_wait3A = tpu.memref_slice %arg5[%mul3A_64] : memref<65536xi32, #tpu.memory_space<hbm>> -> memref<2048xi32, #tpu.memory_space<hbm>>
      %dma_wait3A_66 = tpu.memref_slice %arg5[%mul3A_64] : memref<65536xi32, #tpu.memory_space<hbm>> -> memref<2048xi32, #tpu.memory_space<hbm>>
      tpu.wait_dma2 semaphore(%run_scoped3A : memref<!tpu.dma_semaphore, #tpu.memory_space<semaphore_mem>>) src(%arg9 : memref<2048xi32, #tpu.memory_space<vmem>>) dst(%dma_wait3A_66 : memref<2048xi32, #tpu.memory_space<hbm>>)
      tpu.yield
    }) : () -> ()
    return
  }
}

module attributes {stable_mosaic.version = 14 : i64} {
  func.func @_conf_corr_body(%arg0: i32, %arg1: memref<1x100x20000xf32, #tpu.memory_space<vmem>>, %arg2: memref<1x1x20000xi32, #tpu.memory_space<vmem>>, %arg3: memref<1x1x20000xf32, #tpu.memory_space<vmem>>, %arg4: memref<1x1x20000xf32, #tpu.memory_space<vmem>>) attributes {dimension_semantics = [#tpu.dimension_semantics<arbitrary>], iteration_bounds = array<i64: 25>, scalar_prefetch = 0 : i64, scratch_operands = 0 : i64, tpu.core_type = #tpu.core_type<tc>, window_params = [{transform_indices = @transform_0, window_bounds = array<i64: 1, 100, 20000>}, {transform_indices = @transform_1, window_bounds = array<i64: 1, 1, 20000>}, {transform_indices = @transform_2, window_bounds = array<i64: 1, 1, 20000>}, {transform_indices = @transform_3, window_bounds = array<i64: 1, 1, 20000>}]} {
    %get3A = arith.constant 0 : index
    %get3A_0 = arith.constant 0 : index
    %get3A_1 = arith.constant 0 : index
    %get3A_2 = vector.load %arg1[%get3A, %get3A_0, %get3A_1] : memref<1x100x20000xf32, #tpu.memory_space<vmem>>, vector<1x100x20000xf32>
    %reshape3A = vector.shape_cast %get3A_2 : vector<1x100x20000xf32> to vector<100x20000xf32>
    %reduce_max3A = arith.constant dense<0xFF800000> : vector<20000xf32>
    %reduce_max3A_3 = vector.multi_reduction <maximumf>, %reshape3A, %reduce_max3A [0] : vector<100x20000xf32> to vector<20000xf32>
    %broadcast_in_dim3A = vector.shape_cast %reduce_max3A_3 : vector<20000xf32> to vector<1x20000xf32>
    %sub3A = vector.broadcast %broadcast_in_dim3A : vector<1x20000xf32> to vector<100x20000xf32>
    %sub3A_4 = arith.subf %reshape3A, %sub3A : vector<100x20000xf32>
    %exp3A = math.exp %sub3A_4 : vector<100x20000xf32>
    %reduce_sum3A = arith.constant dense<0.000000e+00> : vector<20000xf32>
    %reduce_sum3A_5 = vector.multi_reduction <add>, %exp3A, %reduce_sum3A [0] : vector<100x20000xf32> to vector<20000xf32>
    %broadcast_in_dim3A_6 = vector.shape_cast %reduce_sum3A_5 : vector<20000xf32> to vector<1x20000xf32>
    %div3A = arith.constant 1.000000e+00 : f32
    %div3A_7 = vector.broadcast %div3A : f32 to vector<1x20000xf32>
    %div3A_8 = arith.divf %div3A_7, %broadcast_in_dim3A_6 : vector<1x20000xf32>
    %eq3A = arith.constant 1.000000e+00 : f32
    %eq3A_9 = vector.broadcast %eq3A : f32 to vector<1x20000xf32>
    %eq3A_10 = arith.cmpf oeq, %div3A_8, %eq3A_9 : vector<1x20000xf32>
    %jit3A = arith.constant 0.999998986 : f32
    %broadcast_in_dim3A_11 = vector.broadcast %jit3A : f32 to vector<1x20000xf32>
    %select_n3A = arith.select %eq3A_10, %broadcast_in_dim3A_11, %div3A_8 : vector<1x20000xi1>, vector<1x20000xf32>
    %get3A_12 = arith.constant 0 : index
    %get3A_13 = arith.constant 0 : index
    %get3A_14 = arith.constant 0 : index
    %get3A_15 = vector.load %arg2[%get3A_12, %get3A_13, %get3A_14] : memref<1x1x20000xi32, #tpu.memory_space<vmem>>, vector<1x1x20000xi32>
    %reshape3A_16 = vector.shape_cast %get3A_15 : vector<1x1x20000xi32> to vector<1x20000xi32>
    %iota3A = tpu.iota {dimensions = array<i32: 0>} : vector<100x20000xi32>
    %eq3A_17 = vector.broadcast %reshape3A_16 : vector<1x20000xi32> to vector<100x20000xi32>
    %eq3A_18 = arith.cmpi eq, %iota3A, %eq3A_17 : vector<100x20000xi32>
    %eq3A_19 = vector.broadcast %broadcast_in_dim3A : vector<1x20000xf32> to vector<100x20000xf32>
    %eq3A_20 = arith.cmpf oeq, %reshape3A, %eq3A_19 : vector<100x20000xf32>
    %and3A = arith.andi %eq3A_18, %eq3A_20 : vector<100x20000xi1>
    %convert_element_type3A = arith.extui %and3A : vector<100x20000xi1> to vector<100x20000xi32>
    %convert_element_type3A_21 = arith.sitofp %convert_element_type3A : vector<100x20000xi32> to vector<100x20000xf32>
    %reduce_max3A_22 = arith.constant dense<0xFF800000> : vector<20000xf32>
    %reduce_max3A_23 = vector.multi_reduction <maximumf>, %convert_element_type3A_21, %reduce_max3A_22 [0] : vector<100x20000xf32> to vector<20000xf32>
    %broadcast_in_dim3A_24 = vector.shape_cast %reduce_max3A_23 : vector<20000xf32> to vector<1x20000xf32>
    %reshape3A_25 = vector.shape_cast %select_n3A : vector<1x20000xf32> to vector<1x1x20000xf32>
    %swap3A = arith.constant 0 : index
    %swap3A_26 = arith.constant 0 : index
    %swap3A_27 = arith.constant 0 : index
    %swap3A_28 = vector.load %arg3[%swap3A, %swap3A_26, %swap3A_27] : memref<1x1x20000xf32, #tpu.memory_space<vmem>>, vector<1x1x20000xf32>
    tpu.vector_store %arg3[%swap3A, %swap3A_26, %swap3A_27], %reshape3A_25 {strides = array<i32>} : memref<1x1x20000xf32, #tpu.memory_space<vmem>>, vector<1x1x20000xf32>,
    %reshape3A_29 = vector.shape_cast %broadcast_in_dim3A_24 : vector<1x20000xf32> to vector<1x1x20000xf32>
    %swap3A_30 = arith.constant 0 : index
    %swap3A_31 = arith.constant 0 : index
    %swap3A_32 = arith.constant 0 : index
    %swap3A_33 = vector.load %arg4[%swap3A_30, %swap3A_31, %swap3A_32] : memref<1x1x20000xf32, #tpu.memory_space<vmem>>, vector<1x1x20000xf32>
    tpu.vector_store %arg4[%swap3A_30, %swap3A_31, %swap3A_32], %reshape3A_29 {strides = array<i32>} : memref<1x1x20000xf32, #tpu.memory_space<vmem>>, vector<1x1x20000xf32>,
    return
  }
  func.func @transform_0(%arg0: i32) -> (i32, i32, i32) {
    %c0_i32 = arith.constant 0 : i32
    %c0_i32_0 = arith.constant 0 : i32
    %c0_i32_1 = arith.constant 0 : i32
    return %arg0, %c0_i32, %c0_i32_0 : i32, i32, i32
  }
  func.func @transform_1(%arg0: i32) -> (i32, i32, i32) {
    %c0_i32 = arith.constant 0 : i32
    %c0_i32_0 = arith.constant 0 : i32
    %c0_i32_1 = arith.constant 0 : i32
    return %arg0, %c0_i32, %c0_i32_0 : i32, i32, i32
  }
  func.func @transform_2(%arg0: i32) -> (i32, i32, i32) {
    %c0_i32 = arith.constant 0 : i32
    %c0_i32_0 = arith.constant 0 : i32
    %c0_i32_1 = arith.constant 0 : i32
    return %arg0, %c0_i32, %c0_i32_0 : i32, i32, i32
  }
  func.func @transform_3(%arg0: i32) -> (i32, i32, i32) {
    %c0_i32 = arith.constant 0 : i32
    %c0_i32_0 = arith.constant 0 : i32
    %c0_i32_1 = arith.constant 0 : i32
    return %arg0, %c0_i32, %c0_i32_0 : i32, i32, i32
  }
}

module attributes {stable_mosaic.version = 14 : i64} {
  func.func @_ece_body(%arg0: i32, %arg1: memref<1x1x20000xf32, #tpu.memory_space<vmem>>, %arg2: memref<1x1x20000xf32, #tpu.memory_space<vmem>>, %arg3: memref<16x1xf32, #tpu.memory_space<vmem>>, %arg4: memref<1x1xf32, #tpu.memory_space<vmem>>, %arg5: memref<16x3xf32, #tpu.memory_space<vmem>>) attributes {dimension_semantics = [#tpu.dimension_semantics<arbitrary>], iteration_bounds = array<i64: 25>, scalar_prefetch = 0 : i64, scratch_operands = 1 : i64, tpu.core_type = #tpu.core_type<tc>, window_params = [{transform_indices = @transform_0, window_bounds = array<i64: 1, 1, 20000>}, {transform_indices = @transform_1, window_bounds = array<i64: 1, 1, 20000>}, {pipeline_mode = #tpu.pipeline_mode<synchronous>, transform_indices = @transform_2, window_bounds = array<i64: 16, 1>}, {pipeline_mode = #tpu.pipeline_mode<synchronous>, transform_indices = @transform_3, window_bounds = array<i64: 1, 1>}]} {
    %eq3A = arith.constant 0 : i32
    %eq3A_0 = arith.cmpi eq, %arg0, %eq3A : i32
    %convert_element_type3A = arith.extui %eq3A_0 : i1 to i32
    %cond3A = arith.constant 0 : i32
    %cond3A_1 = arith.cmpi ne, %convert_element_type3A, %cond3A : i32
    scf.if %cond3A_1 {
      %broadcast_in_dim3A_47 = arith.constant 0.000000e+00 : f32
      %broadcast_in_dim3A_48 = vector.broadcast %broadcast_in_dim3A_47 : f32 to vector<16x3xf32>
      %swap3A_49 = arith.constant 0 : index
      %swap3A_50 = arith.constant 0 : index
      %swap3A_51 = vector.load %arg5[%swap3A_49, %swap3A_50] : memref<16x3xf32, #tpu.memory_space<vmem>>, vector<16x3xf32>
      tpu.vector_store %arg5[%swap3A_49, %swap3A_50], %broadcast_in_dim3A_48 {strides = array<i32>} : memref<16x3xf32, #tpu.memory_space<vmem>>, vector<16x3xf32>,
    } else {
    }
    %get3A = arith.constant 0 : index
    %get3A_2 = arith.constant 0 : index
    %get3A_3 = arith.constant 0 : index
    %get3A_4 = vector.load %arg1[%get3A, %get3A_2, %get3A_3] : memref<1x1x20000xf32, #tpu.memory_space<vmem>>, vector<1x1x20000xf32>
    %reshape3A = vector.shape_cast %get3A_4 : vector<1x1x20000xf32> to vector<1x20000xf32>
    %get3A_5 = arith.constant 0 : index
    %get3A_6 = arith.constant 0 : index
    %get3A_7 = arith.constant 0 : index
    %get3A_8 = vector.load %arg2[%get3A_5, %get3A_6, %get3A_7] : memref<1x1x20000xf32, #tpu.memory_space<vmem>>, vector<1x1x20000xf32>
    %reshape3A_9 = vector.shape_cast %get3A_8 : vector<1x1x20000xf32> to vector<1x20000xf32>
    %get3A_10 = arith.constant 0 : index
    %get3A_11 = arith.constant 0 : index
    %get3A_12 = vector.load %arg3[%get3A_10, %get3A_11] : memref<16x1xf32, #tpu.memory_space<vmem>>, vector<16x1xf32>
    %gt3A = vector.broadcast %reshape3A : vector<1x20000xf32> to vector<16x20000xf32>
    %gt3A_13 = vector.broadcast %get3A_12 : vector<16x1xf32> to vector<16x20000xf32>
    %gt3A_14 = arith.cmpf ogt, %gt3A, %gt3A_13 : vector<16x20000xf32>
    %convert_element_type3A_15 = arith.extui %gt3A_14 : vector<16x20000xi1> to vector<16x20000xi32>
    %convert_element_type3A_16 = arith.sitofp %convert_element_type3A_15 : vector<16x20000xi32> to vector<16x20000xf32>
    %broadcast_in_dim3A = arith.constant 1.000000e+00 : f32
    %broadcast_in_dim3A_17 = vector.broadcast %broadcast_in_dim3A : f32 to vector<1x20000xf32>
    %get3A_18 = arith.constant 0 : index
    %get3A_19 = arith.constant 0 : index
    %get3A_20 = vector.load %arg5[%get3A_18, %get3A_19] : memref<16x3xf32, #tpu.memory_space<vmem>>, vector<16x1xf32>
    %dot_general3A = arith.constant dense<0.000000e+00> : vector<16x1xf32>
    %dot_general3A_21 = tpu.matmul %convert_element_type3A_16, %broadcast_in_dim3A_17, %dot_general3A {dimension_numbers = #tpu.dot_dimension_numbers<[1], [1], [0], [0], [0, 0, 1, 0], [], []>, transpose_lhs_hint = false} : vector<16x20000xf32>, vector<1x20000xf32>, vector<16x1xf32> -> vector<16x1xf32>
    %add3A = arith.addf %get3A_20, %dot_general3A_21 : vector<16x1xf32>
    %swap3A = arith.constant 0 : index
    %swap3A_22 = arith.constant 0 : index
    %swap3A_23 = vector.load %arg5[%swap3A, %swap3A_22] : memref<16x3xf32, #tpu.memory_space<vmem>>, vector<16x1xf32>
    tpu.vector_store %arg5[%swap3A, %swap3A_22], %add3A {strides = array<i32>} : memref<16x3xf32, #tpu.memory_space<vmem>>, vector<16x1xf32>,
    %get3A_24 = arith.constant 0 : index
    %get3A_25 = arith.constant 1 : index
    %get3A_26 = vector.load %arg5[%get3A_24, %get3A_25] : memref<16x3xf32, #tpu.memory_space<vmem>>, vector<16x1xf32>
    %dot_general3A_27 = arith.constant dense<0.000000e+00> : vector<16x1xf32>
    %dot_general3A_28 = tpu.matmul %convert_element_type3A_16, %reshape3A, %dot_general3A_27 {dimension_numbers = #tpu.dot_dimension_numbers<[1], [1], [0], [0], [0, 0, 1, 0], [], []>, transpose_lhs_hint = false} : vector<16x20000xf32>, vector<1x20000xf32>, vector<16x1xf32> -> vector<16x1xf32>
    %add3A_29 = arith.addf %get3A_26, %dot_general3A_28 : vector<16x1xf32>
    %swap3A_30 = arith.constant 0 : index
    %swap3A_31 = arith.constant 1 : index
    %swap3A_32 = vector.load %arg5[%swap3A_30, %swap3A_31] : memref<16x3xf32, #tpu.memory_space<vmem>>, vector<16x1xf32>
    tpu.vector_store %arg5[%swap3A_30, %swap3A_31], %add3A_29 {strides = array<i32>} : memref<16x3xf32, #tpu.memory_space<vmem>>, vector<16x1xf32>,
    %get3A_33 = arith.constant 0 : index
    %get3A_34 = arith.constant 2 : index
    %get3A_35 = vector.load %arg5[%get3A_33, %get3A_34] : memref<16x3xf32, #tpu.memory_space<vmem>>, vector<16x1xf32>
    %dot_general3A_36 = arith.constant dense<0.000000e+00> : vector<16x1xf32>
    %dot_general3A_37 = tpu.matmul %convert_element_type3A_16, %reshape3A_9, %dot_general3A_36 {dimension_numbers = #tpu.dot_dimension_numbers<[1], [1], [0], [0], [0, 0, 1, 0], [], []>, transpose_lhs_hint = false} : vector<16x20000xf32>, vector<1x20000xf32>, vector<16x1xf32> -> vector<16x1xf32>
    %add3A_38 = arith.addf %get3A_35, %dot_general3A_37 : vector<16x1xf32>
    %swap3A_39 = arith.constant 0 : index
    %swap3A_40 = arith.constant 2 : index
    %swap3A_41 = vector.load %arg5[%swap3A_39, %swap3A_40] : memref<16x3xf32, #tpu.memory_space<vmem>>, vector<16x1xf32>
    tpu.vector_store %arg5[%swap3A_39, %swap3A_40], %add3A_38 {strides = array<i32>} : memref<16x3xf32, #tpu.memory_space<vmem>>, vector<16x1xf32>,
    %eq3A_42 = arith.constant 24 : i32
    %eq3A_43 = arith.cmpi eq, %arg0, %eq3A_42 : i32
    %convert_element_type3A_44 = arith.extui %eq3A_43 : i1 to i32
    %cond3A_45 = arith.constant 0 : i32
    %cond3A_46 = arith.cmpi ne, %convert_element_type3A_44, %cond3A_45 : i32
    scf.if %cond3A_46 {
      %get3A_47 = arith.constant 0 : index
      %get3A_48 = arith.constant 0 : index
      %get3A_49 = vector.load %arg5[%get3A_47, %get3A_48] : memref<16x3xf32, #tpu.memory_space<vmem>>, vector<16x3xf32>
      %slice3A = vector.extract_strided_slice %get3A_49 {offsets = [0, 0], sizes = [15, 3], strides = [1, 1]} : vector<16x3xf32> to vector<15x3xf32>
      %slice3A_50 = vector.extract_strided_slice %get3A_49 {offsets = [1, 0], sizes = [15, 3], strides = [1, 1]} : vector<16x3xf32> to vector<15x3xf32>
      %sub3A = arith.subf %slice3A, %slice3A_50 : vector<15x3xf32>
      %slice3A_51 = vector.extract_strided_slice %sub3A {offsets = [0, 0], sizes = [15, 1], strides = [1, 1]} : vector<15x3xf32> to vector<15x1xf32>
      %slice3A_52 = vector.extract_strided_slice %sub3A {offsets = [0, 1], sizes = [15, 1], strides = [1, 1]} : vector<15x3xf32> to vector<15x1xf32>
      %slice3A_53 = vector.extract_strided_slice %sub3A {offsets = [0, 2], sizes = [15, 1], strides = [1, 1]} : vector<15x3xf32> to vector<15x1xf32>
      %div3A = arith.constant 5.000000e+05 : f32
      %div3A_54 = vector.broadcast %div3A : f32 to vector<15x1xf32>
      %div3A_55 = arith.divf %slice3A_51, %div3A_54 : vector<15x1xf32>
      %max3A = arith.constant 1.000000e+00 : f32
      %max3A_56 = vector.broadcast %max3A : f32 to vector<15x1xf32>
      %max3A_57 = arith.maximumf %slice3A_51, %max3A_56 : vector<15x1xf32>
      %div3A_58 = arith.divf %slice3A_53, %max3A_57 : vector<15x1xf32>
      %jit3A = arith.constant 0.00999999977 : f32
      %jit3A_59 = arith.constant 9.900000e-01 : f32
      %max3A_60 = vector.broadcast %jit3A : f32 to vector<15x1xf32>
      %max3A_61 = arith.maximumf %max3A_60, %div3A_58 : vector<15x1xf32>
      %min3A = vector.broadcast %jit3A_59 : f32 to vector<15x1xf32>
      %min3A_62 = arith.minimumf %min3A, %max3A_61 : vector<15x1xf32>
      %div3A_63 = arith.divf %slice3A_52, %max3A_57 : vector<15x1xf32>
      %gt3A_64 = arith.constant 0.000000e+00 : f32
      %gt3A_65 = vector.broadcast %gt3A_64 : f32 to vector<15x1xf32>
      %gt3A_66 = arith.cmpf ogt, %div3A_55, %gt3A_65 : vector<15x1xf32>
      %sub3A_67 = arith.subf %div3A_63, %min3A_62 : vector<15x1xf32>
      %abs3A = math.absf %sub3A_67 : vector<15x1xf32>
      %mul3A = arith.mulf %abs3A, %div3A_55 : vector<15x1xf32>
      %jit3A_68 = arith.constant 0.000000e+00 : f32
      %broadcast_in_dim3A_69 = vector.broadcast %jit3A_68 : f32 to vector<15x1xf32>
      %select_n3A = arith.select %gt3A_66, %mul3A, %broadcast_in_dim3A_69 : vector<15x1xi1>, vector<15x1xf32>
      %reduce_sum3A = vector.shape_cast %select_n3A : vector<15x1xf32> to vector<1x15x1xf32>
      %reduce_sum3A_70 = arith.constant dense<0.000000e+00> : vector<1xf32>
      %reduce_sum3A_71 = vector.multi_reduction <add>, %reduce_sum3A, %reduce_sum3A_70 [1, 2] : vector<1x15x1xf32> to vector<1xf32>
      %reduce_sum3A_72 = vector.shape_cast %reduce_sum3A_71 : vector<1xf32> to vector<1x1x1xf32>
      %reduce_sum3A_73 = vector.extract %reduce_sum3A_72[0, 0, 0] : f32 from vector<1x1x1xf32>
      %broadcast_in_dim3A_74 = vector.broadcast %reduce_sum3A_73 : f32 to vector<1x1xf32>
      %swap3A_75 = arith.constant 0 : index
      %swap3A_76 = arith.constant 0 : index
      %swap3A_77 = vector.load %arg4[%swap3A_75, %swap3A_76] : memref<1x1xf32, #tpu.memory_space<vmem>>, vector<1x1xf32>
      tpu.vector_store %arg4[%swap3A_75, %swap3A_76], %broadcast_in_dim3A_74 {strides = array<i32>} : memref<1x1xf32, #tpu.memory_space<vmem>>, vector<1x1xf32>,
    } else {
    }
    return
  }
  func.func @transform_0(%arg0: i32) -> (i32, i32, i32) {
    %c0_i32 = arith.constant 0 : i32
    %c0_i32_0 = arith.constant 0 : i32
    %c0_i32_1 = arith.constant 0 : i32
    return %arg0, %c0_i32, %c0_i32_0 : i32, i32, i32
  }
  func.func @transform_1(%arg0: i32) -> (i32, i32, i32) {
    %c0_i32 = arith.constant 0 : i32
    %c0_i32_0 = arith.constant 0 : i32
    %c0_i32_1 = arith.constant 0 : i32
    return %arg0, %c0_i32, %c0_i32_0 : i32, i32, i32
  }
  func.func @transform_2(%arg0: i32) -> (i32, i32) {
    %c0_i32 = arith.constant 0 : i32
    %c0_i32_0 = arith.constant 0 : i32
    %c0_i32_1 = arith.constant 0 : i32
    return %c0_i32, %c0_i32_0 : i32, i32
  }
  func.func @transform_3(%arg0: i32) -> (i32, i32) {
    %c0_i32 = arith.constant 0 : i32
    %c0_i32_0 = arith.constant 0 : i32
    %c0_i32_1 = arith.constant 0 : i32
    return %c0_i32, %c0_i32_0 : i32, i32
  }
}

</mosaic_0001>

<sc_bundles>
// kernel: kernel.10.cloned.1.call-start
scs
__scs_entry_jumppad:
0x0: {  	(pc) =	sbr.rel $0x88, $3  }
0x1: {  	(tag) =	ssettag $0x0;
	lr =	simm.s32 $0x1  }
0x2: {  	[smem:$0x3F9F] =	sst lr;
	_ =	strace $0xD0000000  }
0x3: {  	_ = 	snop  }
0x4: {  	_ = 	snop  }
0x5: {  	_ = 	snop  }
0x6: {  	_ = 	snop  }
0x7: {  	_ = 	snop  }
__scs_overlays_trampoline_lowered:
0x8: {  	[smem:$0x3FAE] =	sst s0  }
0x9: {  	[smem:$0x3FAF] =	sst s1  }
0xa: {  	[smem:$0x3FB0] =	sst s2  }
0xb: {  	[smem:$0x3FB1] =	sst s3  }
0xc: {  	[smem:$0x3FB2] =	sst s4  }
0xd: {  	[smem:$0x3FB3] =	sst s5  }
0xe: {  	[smem:$0x3FB4] =	sst s6  }
0xf: {  	[smem:$0x3FB5] =	sst s7  }
0x10: {  	[smem:$0x3FB6] =	sst s8  }
0x11: {  	[smem:$0x3FB7] =	sst s9;
	s0 =	simm.s32 @!p0 $0x0  }
0x12: {  	s1 =	sld [smem:$0x3F9D];
	s0 =	simm.s32 @p0 $0x1  }
0x13: {  	[smem:$0x3FB8] =	sst s0;
	s0 =	simm.s32 @!p1 $0x0  }
0x14: {  	s2 =	sld [smem:$0x3F9C];
	s0 =	simm.s32 @p1 $0x1  }
0x15: {  	[smem:$0x3FB9] =	sst s0;
	s0 =	simm.s32 @!p2 $0x0  }
0x16: {  	s3 =	sld [smem:$0x3FDB];
	s0 =	simm.s32 @p2 $0x1  }
0x17: {  	s4 =	simm.s32 $0x1BF5;
	[smem:$0x3FBB] =	sst s0  }
0x18: {  	s0 =	sld [smem:$0x3F9E];
	_ =	swait.ge [sflag:s4], $0x0  }
0x19: {  	s7 =	sld [smem:$0x3F9F]  }
0x1a: {  	s8 =	sadd.s32 $0xFFFFE003, lr  }
0x1b: {  	s9 =	sadd.s32 $0xFFFFFEF7, lr;
	s5 =	simm.s32 $0xFFFFFFFF;
	p2 =	slt.u32 s8, $0xFFFFF086  }
0x1c: {  	p1 =	slt.u32 s9, $0xF7A;
	s5 =	simm.s32 @!p2 $0x0  }
0x1d: {  	s5 =	simm.s32 @p1 $0x1;
	p0 =	seq.s32 s7, s2  }
0x1e: {  	s7 =	smul.u32 @!p0 $0xF7A, s2;
	p2 =	seq.s32 @!p0 s5, $0x0  }
0x1f: {  	s9 =	smul.u32 $0xF7A, s1;
	s8 =	simm.s32 @!p0 $0x1BF5;
	p2 =	por !p2, p0  }
0x20: {  	[sflag:s8] =	ssyncset.s32 @!p0 $0xFFFFF086;
	s6 =	sadd.s32 @!p0 s3, s7;
	s7 =	simm.s32 @!p0 $0x108  }
0x21: {  	s3 =	sadd.s32 s3, s9;
	s6 =	sadd.s32 @!p0 $0x88, s6;
	s7 =	simm.s32 @p2 $0x1082  }
0x22: {  	[simem:s7], [sflag:s8] =	dma.local @!p0 [hbm:s6], $0xF7A  }
0x23: {  	s9 =	sor.u32 $0xD0000000, s2;
	s6 =	simm.s32 $0x108;
	_ =	swait.ge @!p0 [sflag:s8], $0x0  }
0x24: {  	s3 =	sadd.s32 $0x88, s3;
	s6 =	simm.s32 @!p1 $0x1082;
	[sflag:s4] =	ssyncset.s32 $0xFFFFF086  }
0x25: {  	[simem:s6], [sflag:s4] =	dma.local [hbm:s3], $0xF7A  }
0x26: {  	[smem:$0x3F9F] =	sst s1;
	(tag) =	ssettag s2;
	_ =	strace s9  }
0x27: {  	s1 =	sld [smem:$0x3FAF]  }
0x28: {  	s2 =	sld [smem:$0x3FB0]  }
0x29: {  	s4 =	sld [smem:$0x3FB2]  }
0x2a: {  	p0 =	seq.s32 s5, $0x0;
	s5 =	sld [smem:$0x3FB3]  }
0x2b: {  	s6 =	sld [smem:$0x3FB4]  }
0x2c: {  	s7 =	sld [smem:$0x3FB5]  }
0x2d: {  	s3 =	simm.s32 $0x108;
	s8 =	sld [smem:$0x3FB6]  }
0x2e: {  	s3 =	simm.s32 @!p0 $0x1082;
	s9 =	sld [smem:$0x3FB7]  }
0x2f: {  	lr =	sadd.s32 s0, s3;
	s0 =	sld [smem:$0x3FAE]  }
0x30: {  	s3 =	sld [smem:$0x3FB1]  }
0x31: {  	[smem:$0x3FBA] =	sst s10  }
0x32: {  	s10 =	sld [smem:$0x3FB8];
	_ =	sdelay $0x3  }
0x33: {  	p0 =	seq.s32 s10, $0x1;
	s10 =	sld [smem:$0x3FBA];
	_ =	sdelay $0x3  }
0x34: {  	[smem:$0x3FBA] =	sst s10  }
0x35: {  	s10 =	sld [smem:$0x3FB9];
	_ =	sdelay $0x3  }
0x36: {  	p1 =	seq.s32 s10, $0x1;
	s10 =	sld [smem:$0x3FBA];
	_ =	sdelay $0x3  }
0x37: {  	[smem:$0x3FBA] =	sst s10  }
0x38: {  	s10 =	sld [smem:$0x3FBB]  }
0x39: {  	_ = 	snop;
	(pc) =	sbr.ind lr, $3  }
0x3a: {  	_ = 	snop  }
0x3b: {  	_ = 	snop  }
0x3c: {  	p2 =	seq.s32 s10, $0x1;
	s10 =	sld [smem:$0x3FBA]  }
0x3d: {  	_ =	shalt  }
0x3e: {  	_ =	shalt  }
0x3f: {  	_ =	shalt  }
0x40: {  	_ =	shalt  }
0x41: {  	_ =	shalt  }
0x42: {  	_ =	shalt  }
0x43: {  	_ =	shalt  }
0x44: {  	_ =	shalt  }
0x45: {  	_ =	shalt  }
0x46: {  	_ =	shalt  }
0x47: {  	_ =	shalt  }
0x48: {  	_ =	shalt  }
0x49: {  	_ =	shalt  }
0x4a: {  	_ =	shalt  }
0x4b: {  	_ =	shalt  }
0x4c: {  	_ =	shalt  }
0x4d: {  	_ =	shalt  }
0x4e: {  	_ =	shalt  }
0x4f: {  	_ =	shalt  }
0x50: {  	_ =	shalt  }
0x51: {  	_ =	shalt  }
0x52: {  	_ =	shalt  }
0x53: {  	_ =	shalt  }
0x54: {  	_ =	shalt  }
0x55: {  	_ =	shalt  }
0x56: {  	_ =	shalt  }
0x57: {  	_ =	shalt  }
0x58: {  	_ =	shalt  }
0x59: {  	_ =	shalt  }
0x5a: {  	_ =	shalt  }
0x5b: {  	_ =	shalt  }
0x5c: {  	_ =	shalt  }
0x5d: {  	_ =	shalt  }
0x5e: {  	_ =	shalt  }
0x5f: {  	_ =	shalt  }
0x60: {  	_ =	shalt  }
0x61: {  	_ =	shalt  }
0x62: {  	_ =	shalt  }
0x63: {  	_ =	shalt  }
0x64: {  	_ =	shalt  }
0x65: {  	_ =	shalt  }
0x66: {  	_ =	shalt  }
0x67: {  	_ =	shalt  }
0x68: {  	_ =	shalt  }
0x69: {  	_ =	shalt  }
0x6a: {  	_ =	shalt  }
0x6b: {  	_ =	shalt  }
0x6c: {  	_ =	shalt  }
0x6d: {  	_ =	shalt  }
0x6e: {  	_ =	shalt  }
0x6f: {  	_ =	shalt  }
0x70: {  	_ =	shalt  }
0x71: {  	_ =	shalt  }
0x72: {  	_ =	shalt  }
0x73: {  	_ =	shalt  }
0x74: {  	_ =	shalt  }
0x75: {  	_ =	shalt  }
0x76: {  	_ =	shalt  }
0x77: {  	_ =	shalt  }
0x78: {  	_ =	shalt  }
0x79: {  	_ =	shalt  }
0x7a: {  	_ =	shalt  }
0x7b: {  	_ =	shalt  }
0x7c: {  	_ =	shalt  }
0x7d: {  	_ =	shalt  }
0x7e: {  	_ =	shalt  }
0x7f: {  	_ =	shalt  }
0x80: {  	_ =	shalt  }
0x81: {  	_ =	shalt  }
0x82: {  	_ =	shalt  }
0x83: {  	_ =	shalt  }
0x84: {  	_ =	shalt  }
0x85: {  	_ =	shalt  }
0x86: {  	_ =	shalt  }
0x87: {  	_ =	shalt  }
.Lfunc_end0:
.L_simem_size_0:
called_computation.4_lowered:
.L_overlay_start_0:
0x88: {  	s2 =	sld [smem:$0x3FD9]  }
0x89: {  	s3 =	sld [smem:$0x3FFE];
	_ =	sdelay $0x1  }
0x8a: {  	s1 =	srdreg.scid  }
0x8b: {  	s0 =	sand.u32 $0x1, s1  }
0x8c: {  	s16 =	sshll.u32 s0, $0xA;
	s2 =	sadd.s32 s3, s2  }
0x8d: {  	s2 =	sadd.s32 s2, s16  }
0x8e: {  	[smem:$0x3FC6] =	sst s2  }
0x8f: {  	_ = 	snop  }
0x90: {  	(tm) =	ssettm $0x1  }
0x91: {  	s17 =	sld [smem:$0x3FFB];
	_ =	sdelay $0x3  }
0x92: {  	_ =	strace s17  }
0x93: {  	s2 =	sld [smem:$0x3FFC];
	_ =	sdelay $0x3  }
0x94: {  	_ =	strace s2  }
0x95: {  	s2 =	sld [smem:$0x3FFD];
	_ =	sdelay $0x3  }
0x96: {  	_ =	strace s2  }
0x97: {  	_ =	strace $0x8FFFFFFF  }
0x98: {  	s18 =	sld [smem:$0x3FDB];
	_ =	sdelay $0x1  }
0x99: {  	s19 =	simm.s32 $_scs_section_size  }
0x9a: {  	s4 =	simm.s32 $_size__tile_overlayer_lowered;
	s5 =	simm.s32 $_tile_overlayer_lowered  }
0x9b: {  	s22 =	simm.s32 $0x1BFF;
	s21 =	sshll.u32 s5, $0x1;
	s2 =	sadd.s32 s19, s18  }
0x9c: {  	s6 =	simm.s32 $0x0;
	s20 =	sshll.u32 s4, $0x1;
	s4 =	sadd.s32 s21, s2  }
0x9d: {  	[timem:s6], [sflag:s22] =	dma.local [hbm:s4], s20  }
0x9e: {  	_ =	swait.ge [sflag:s22], s20  }
0x9f: {  	s3 =	ssub.s32 $0x0, s20;
	[sflag:s22] =	ssyncset.done $0x0  }
0xa0: {  	[sflag:s22] =	ssyncadd.s32 s3;
	_ =	sdelay $0x1  }
0xa1: {  	s23 =	simm.s32 $0x1B8B  }
0xa2: {  	_ =	swait.ge [sflag:s23], $0x1  }
0xa3: {  	[sflag:s23] =	ssyncset.done $0x0  }
0xa4: {  	s25 =	simm.s32 $0x1B8E;
	s24 =	sld [smem:$0x3FFE];
	[sflag:s23] =	ssyncadd.s32 $0xFFFFFFFF  }
0xa5: {  	s26 =	simm.s32 $execute0_lowered;
	[smem:$0x3FD2] =	sst s25  }
0xa6: {  	s4 =	sshll.u32 s26, $0x1;
	_ =	strace $0x80000052;
	[dreg:$0x1] =	wrdreg $0xFFFFFFFF  }
0xa7: {  	s28 =	simm.s32 $_size_execute0_lowered;
	s2 =	sadd.s32 s2, s4;
	[dreg:$0x0] =	wrdreg $0x0  }
0xa8: {  	s4 =	sshll.u32 s28, $0x1;
	[dreg:$0x2] =	wrdreg s2  }
0xa9: {  	[dreg:$0x3] =	wrdreg s4  }
0xaa: {  	[dreg:$0x4] =	wrdreg $0xC0  }
0xab: {  	_ =	task [dreg:s6], $0x5FFFF  }
0xac: {  	[dreg:$0x1] =	wrdreg $0xFFFFFFFF  }
0xad: {  	[dreg:$0x0] =	wrdreg $0x60  }
0xae: {  	[dreg:$0x2] =	wrdreg s24  }
0xaf: {  	[dreg:$0x3] =	wrdreg $0x9  }
0xb0: {  	_ =	task.clear_ibuf [dreg:s6], $0x4FFFF;
	_ =	strace $0x90000052  }
0xb1: {  	s29 =	simm.s32 $0x9;
	_ =	strace $0x80000054  }
0xb2: {  	_ =	swait.ge [sflag:s29], $0x1  }
0xb3: {  	[sflag:s29] =	ssyncadd.s32 $0xFFFFFFFF  }
0xb4: {  	_ =	strace $0x90000054  }
0xb5: {  	_ =	sfence  }
0xb6: {  	s30 =	sld [smem:$0x0];
	_ =	sdelay $0x2  }
0xb7: {  	s31 =	sshll.u32 s1, $0xD;
	s1 =	sshrl.u32 s1, $0x2  }
0xb8: {  	s3 =	sand.u32 $0x4000, s31;
	s1 =	sadd.s32 s1, s30  }
0xb9: {  	s0 =	sor.u32 s3, s0;
	s1 =	sshll.u32 s1, $0x11  }
0xba: {  	s0 =	sor.u32 s1, s0  }
0xbb: {  	s0 =	sadd.s32 $0x8F2B, s0  }
0xbc: {  	[sflag:s0] =	ssyncadd.remote.s32 $0x1  }
0xbd: {  	_ =	sfence.sel $0xFFFF  }
0xbe: {  	[dreg:$0x0] =	wrdreg $0xFFFFFFFF;
	(pc) =	sbr.abs _section_cstart, $3  }
0xbf: {  	[dreg:$0x1] =	wrdreg $0xFFFFFFFF  }
0xc0: {  	_ =	task.clear_ibuf [dreg:s6], $0x2FFFF;
	_ =	strace $0x9FFFFFFF  }
0xc1: {  	(tm) =	ssettm $0x7FFFFFFF  }
tec
execute0_lowered:
.L_overlay_start_1:
0x0: {  	(tag) =	ssettag $0x1  }
0x1: {  	s4 =	rddreg [dreg:$0x0]  }
0x2: {  	s0 =	rddreg [dreg:$0x1];
	s3 =	srdreg.scid  }
0x3: {  	s1 =	stileid.u32;
	s2 =	simm.s32 $0x0;
	s9 =	simm.s32 $0x4180  }
0x4: {  	s3 =	sand.u32 $0x1, s3;
	s5 =	sshll.u32 s1, $0x1;
	[smem:$0x7FF] =	sst s2  }
0x5: {  	s10 =	simm.s32 $0x0;
	s5 =	sor.u32 s3, s5;
	_ =	strace $0x80000053  }
0x6: {  	s6 =	ssub.s32 $0x2, s3;
	s7 =	smul.u32 $0x7A2, s5;
	s5 =	sshll.u32 s5, $0xC  }
0x7: {  	s3 =	sadd.s32 $0xFA00, s4;
	s8 =	sshrl.u32 s6, $0x1;
	s5 =	sadd.s32 s5, s4  }
0x8: {  	s6 =	ssub.s32 s6, s8;
	s8 =	simm.s32 $0x3D80;
	s4 =	sadd.s32 s4, s7  }
0x9: {  	v0 =	vimm.s32 $0x0;
	v1 =	vimm.s32 $0x1;
	s5 =	sadd.s32 $0xFC00, s5;
	s6 =	smax.u32 s6, $0x1;
	s7 =	simm.s32 $0x1  }
.LBB2_1:
0xa: {  	[tilespmem:s2], [sflag:$0x1] =	stream.linear.gather [hbm4b:s4+s2], $0x3D10, $0x38;
	[tilespmem:$0xC180] =	vst v63  }
0xb: {  	_ =	swait.ge [sflag:s7], $0x3D10  }
0xc: {  	[sflag:s7] =	ssyncset.done $0x0  }
0xd: {  	[sflag:s7] =	ssyncadd.s32 $0xFFFFC2F0  }
0xe: {  	[tilespmem:s8], [sflag:$0x1] =	stream.linear.gather [hbm4b:s3+s2], $0x400, $0x38;
	[tilespmem:$0xC180] =	vst v63  }
0xf: {  	_ =	swait.ge [sflag:s7], $0x400  }
0x10: {  	[sflag:s7] =	ssyncset.done $0x0  }
0x11: {  	s13 =	simm.s32 $0x41C0;
	[sflag:s7] =	ssyncadd.s32 $0xFFFFFC00  }
0x12: {  	[tilespmem:s13+$0xFFFFFFC0] =	vst v0  }
0x13: {  	[tilespmem:s13+$0x30] =	vst v0  }
0x14: {  	[tilespmem:s13+$0x20] =	vst v0  }
0x15: {  	[tilespmem:s13+$0x10] =	vst v0  }
0x16: {  	[tilespmem:s13+$0x0] =	vst v0  }
0x17: {  	[tilespmem:s13+$0xFFFFFFF0] =	vst v0  }
0x18: {  	s14 =	simm.s32 $0x0;
	s11 =	simm.s32 $0x20;
	[tilespmem:s13+$0xFFFFFFE0] =	vst v0  }
.LBB2_2:
0x19: {  	s14 =	sadd.s32 $0x8, s14;
	[tilespmem:s13+$0xFFFFFFD0] =	vst v0;
	s13 =	sadd.s32 $0x80, s13;
	s12 =	simm.s32 $0xFFFFFFFC  }
0x1a: {  	[tilespmem:s13+$0xFFFFFFC0] =	vst v0;
	p0 =	slt.u32 s14, $0x7F8  }
0x1b: {  	[tilespmem:s13+$0x30] =	vst v0  }
.Ltmp0:
0x1c: {  	[tilespmem:s13+$0x20] =	vst v0;
	(pc) =	sbr.rel @p0 .LBB2_2-.Ltmp0, $4  }
0x1d: {  	[tilespmem:s13+$0x10] =	vst v0  }
0x1e: {  	[tilespmem:s13+$0x0] =	vst v0  }
0x1f: {  	[tilespmem:s13+$0xFFFFFFF0] =	vst v0  }
0x20: {  	[tilespmem:s13+$0xFFFFFFE0] =	vst v0  }
0x21: {  	[tilespmem:s13+$0xFFFFFFD0] =	vst v0  }
.LBB2_4:
0x22: {  	v2 =	vld [tilespmem:s11+$0xFFFFFFE0];
	_ =	sdelay $0x4  }
0x23: {  	v3 =	vadd.s32 $0xC4800000, v2  }
0x24: {  	v3 =	vshra.s32 v3, $0x10  }
0x25: {  	vm0 =	vlt.u32 v3, $0x400  }
0x26: {  	v3 =	vnsel vm0, $0x0, v3;
	_ =	sdelay $0x4  }
0x27: {  	v3 =	vld.idx.msk [tilespmem:v3+s8+$0x0], $0xffff;
	_ =	sdelay $0x3  }
0x28: {  	v2 =	vshrl.u32 v2, $0x6  }
0x29: {  	v2 =	vand.u32 $0x3FF, v2;
	vm1 =	vgt.s32 v3, $0xFFFFFFFF;
	v3 =	vshll.u32 v3, $0xA  }
0x2a: {  	vm0 =	vmand vm1, vm0;
	v2 =	vor.u32 v2, v3  }
0x2b: {  	v2 =	vnsel vm0, $0x0, v2;
	_ =	sdelay $0x4  }
0x2c: {  	[tilespmem:v2+s9+$0x0] =	vst.idx.add.s32.msk vm0, v1  }
0x2d: {  	v2 =	vld [tilespmem:s11+$0xFFFFFFF0];
	_ =	sdelay $0x4  }
0x2e: {  	v3 =	vadd.s32 $0xC4800000, v2  }
0x2f: {  	v3 =	vshra.s32 v3, $0x10  }
0x30: {  	vm10 =	vlt.u32 v3, $0x400  }
0x31: {  	v3 =	vnsel vm10, $0x0, v3;
	_ =	sdelay $0x4  }
0x32: {  	v3 =	vld.idx.msk [tilespmem:v3+s8+$0x0], $0xffff;
	_ =	sdelay $0x3  }
0x33: {  	v2 =	vshrl.u32 v2, $0x6  }
0x34: {  	v2 =	vand.u32 $0x3FF, v2;
	vm11 =	vgt.s32 v3, $0xFFFFFFFF;
	v3 =	vshll.u32 v3, $0xA  }
0x35: {  	vm0 =	vmand vm11, vm10;
	v2 =	vor.u32 v2, v3  }
0x36: {  	v2 =	vnsel vm0, $0x0, v2;
	_ =	sdelay $0x4  }
0x37: {  	[tilespmem:v2+s9+$0x0] =	vst.idx.add.s32.msk vm0, v1  }
0x38: {  	v2 =	vld [tilespmem:s11+$0x0];
	_ =	sdelay $0x4  }
0x39: {  	v3 =	vadd.s32 $0xC4800000, v2  }
0x3a: {  	v3 =	vshra.s32 v3, $0x10  }
0x3b: {  	vm12 =	vlt.u32 v3, $0x400  }
0x3c: {  	v3 =	vnsel vm12, $0x0, v3;
	_ =	sdelay $0x4  }
0x3d: {  	v3 =	vld.idx.msk [tilespmem:v3+s8+$0x0], $0xffff;
	_ =	sdelay $0x3  }
0x3e: {  	v2 =	vshrl.u32 v2, $0x6  }
0x3f: {  	v2 =	vand.u32 $0x3FF, v2;
	vm13 =	vgt.s32 v3, $0xFFFFFFFF;
	v3 =	vshll.u32 v3, $0xA  }
0x40: {  	vm0 =	vmand vm13, vm12;
	v2 =	vor.u32 v2, v3  }
0x41: {  	v2 =	vnsel vm0, $0x0, v2;
	_ =	sdelay $0x4  }
0x42: {  	[tilespmem:v2+s9+$0x0] =	vst.idx.add.s32.msk vm0, v1  }
0x43: {  	v2 =	vld [tilespmem:s11+$0x10];
	_ =	sdelay $0x4  }
0x44: {  	v3 =	vadd.s32 $0xC4800000, v2  }
0x45: {  	v3 =	vshra.s32 v3, $0x10  }
0x46: {  	vm14 =	vlt.u32 v3, $0x400  }
0x47: {  	v3 =	vnsel vm14, $0x0, v3;
	_ =	sdelay $0x4  }
0x48: {  	v3 =	vld.idx.msk [tilespmem:v3+s8+$0x0], $0xffff;
	_ =	sdelay $0x3  }
0x49: {  	v2 =	vshrl.u32 v2, $0x6  }
0x4a: {  	v2 =	vand.u32 $0x3FF, v2;
	vm15 =	vgt.s32 v3, $0xFFFFFFFF;
	v3 =	vshll.u32 v3, $0xA  }
0x4b: {  	s12 =	sadd.s32 $0x4, s12;
	vm0 =	vmand vm15, vm14;
	v2 =	vor.u32 v2, v3  }
0x4c: {  	p0 =	slt.u32 s12, $0x3CC;
	v2 =	vnsel vm0, $0x0, v2  }
.Ltmp1:
0x4d: {  	_ = 	snop;
	(pc) =	sbr.rel @p0 .LBB2_4-.Ltmp1, $2  }
0x4e: {  	_ =	sdelay $0x2  }
0x4f: {  	s11 =	sadd.s32 $0x40, s11;
	[tilespmem:v2+s9+$0x0] =	vst.idx.add.s32.msk vm0, v1  }
0x50: {  	v2 =	vld [tilespmem:$0x3D00];
	_ =	sdelay $0x4  }
0x51: {  	v3 =	vadd.s32 $0xC4800000, v2  }
0x52: {  	v3 =	vshra.s32 v3, $0x10  }
0x53: {  	vm0 =	vlt.u32 v3, $0x400  }
0x54: {  	v3 =	vnsel vm0, $0x0, v3;
	_ =	sdelay $0x4  }
0x55: {  	v3 =	vld.idx.msk [tilespmem:v3+s8+$0x0], $0xffff;
	_ =	sdelay $0x3  }
0x56: {  	v2 =	vshrl.u32 v2, $0x6  }
0x57: {  	v2 =	vand.u32 $0x3FF, v2;
	vm1 =	vgt.s32 v3, $0xFFFFFFFF;
	v3 =	vshll.u32 v3, $0xA  }
0x58: {  	vm0 =	vmand vm1, vm0;
	v2 =	vor.u32 v2, v3  }
0x59: {  	v2 =	vnsel vm0, $0x0, v2;
	_ =	sdelay $0x2  }
0x5a: {  	s10 =	sadd.s32 $0x1, s10  }
0x5b: {  	p0 =	sne.s32 s10, s6  }
.Ltmp2:
0x5c: {  	[tilespmem:v2+s9+$0x0] =	vst.idx.add.s32.msk vm0, v1;
	(pc) =	sbr.rel @p0 .LBB2_1-.Ltmp2, $4  }
0x5d: {  	[hbm4b:s5+s2] =	stream.linear.scatter [tilespmem:s9], [sflag:$0x1], $0x8000, $0x38;
	[tilespmem:$0xC180] =	vst v63  }
0x5e: {  	_ =	swait.ge [sflag:s7], $0x8000  }
0x5f: {  	[sflag:s7] =	ssyncset.done $0x0  }
0x60: {  	[sflag:s7] =	ssyncadd.s32 $0xFFFF8000  }
0x61: {  	_ =	sfence.sel $0x180000  }
0x62: {  	[bflag:$0x0] =	sbarrier.arrive $0xFFFF  }
0x63: {  	p0 =	sne.s32 s1, $0x0;
	_ =	strace $0x90000053  }
0x64: {  	s0 =	sadd.s32 @!p0 $0x100000, s0;
	[bflag:$0x2] =	sbarrier.arrive $0xFFFF  }
0x65: {  	[sflag:s0] =	ssyncadd.tile.s32 @!p0 $0x1;
	_ =	shalt  }
.Lfunc_end2:
_tile_overlayer_lowered:
.L_overlay_start_2:
0x66: {  	(tag) =	ssettag $0x2  }
0x67: {  	s0 =	rddreg [dreg:$0x0];
	s2 =	stileid.u32  }
0x68: {  	s1 =	rddreg [dreg:$0x1];
	p0 =	sne.s32 s2, $0x0  }
0x69: {  	s3 =	rddreg [dreg:$0x2];
	[bflag:$0x3] =	sbarrier.arrive $0xFFFF;
	s2 =	simm.s32 @!p0 $0x1C01  }
0x6a: {  	[timem:s3], [sflag:s2] =	dma.local @!p0 [hbm:s0], s1  }
0x6b: {  	s0 =	simm.s32 @!p0 $0x1  }
0x6c: {  	_ =	swait.ge @!p0 [sflag:s0], s1  }
0x6d: {  	s1 =	ssub.s32 @!p0 $0x0, s1;
	[sflag:s0] =	ssyncset.done @!p0 $0x0  }
0x6e: {  	[sflag:s0] =	ssyncadd.s32 @!p0 s1  }
0x6f: {  	[bflag:$0x3] =	sbarrier.arrive $0xFFFF  }
0x70: {  	_ =	shalt  }

// kernel: kernel.13.cloned.1.call-start
scs
__scs_entry_jumppad:
0x0: {  	(pc) =	sbr.rel $0x88, $3  }
0x1: {  	(tag) =	ssettag $0x0;
	lr =	simm.s32 $0x1  }
0x2: {  	[smem:$0x3F9F] =	sst lr;
	_ =	strace $0xD0000000  }
0x3: {  	_ = 	snop  }
0x4: {  	_ = 	snop  }
0x5: {  	_ = 	snop  }
0x6: {  	_ = 	snop  }
0x7: {  	_ = 	snop  }
__scs_overlays_trampoline_lowered:
0x8: {  	[smem:$0x3FAE] =	sst s0  }
0x9: {  	[smem:$0x3FAF] =	sst s1  }
0xa: {  	[smem:$0x3FB0] =	sst s2  }
0xb: {  	[smem:$0x3FB1] =	sst s3  }
0xc: {  	[smem:$0x3FB2] =	sst s4  }
0xd: {  	[smem:$0x3FB3] =	sst s5  }
0xe: {  	[smem:$0x3FB4] =	sst s6  }
0xf: {  	[smem:$0x3FB5] =	sst s7  }
0x10: {  	[smem:$0x3FB6] =	sst s8  }
0x11: {  	[smem:$0x3FB7] =	sst s9;
	s0 =	simm.s32 @!p0 $0x0  }
0x12: {  	s1 =	sld [smem:$0x3F9D];
	s0 =	simm.s32 @p0 $0x1  }
0x13: {  	[smem:$0x3FB8] =	sst s0;
	s0 =	simm.s32 @!p1 $0x0  }
0x14: {  	s2 =	sld [smem:$0x3F9C];
	s0 =	simm.s32 @p1 $0x1  }
0x15: {  	[smem:$0x3FB9] =	sst s0;
	s0 =	simm.s32 @!p2 $0x0  }
0x16: {  	s3 =	sld [smem:$0x3FDB];
	s0 =	simm.s32 @p2 $0x1  }
0x17: {  	s4 =	simm.s32 $0x1BF5;
	[smem:$0x3FBB] =	sst s0  }
0x18: {  	s0 =	sld [smem:$0x3F9E];
	_ =	swait.ge [sflag:s4], $0x0  }
0x19: {  	s7 =	sld [smem:$0x3F9F]  }
0x1a: {  	s8 =	sadd.s32 $0xFFFFE003, lr  }
0x1b: {  	s9 =	sadd.s32 $0xFFFFFEF7, lr;
	s5 =	simm.s32 $0xFFFFFFFF;
	p2 =	slt.u32 s8, $0xFFFFF086  }
0x1c: {  	p1 =	slt.u32 s9, $0xF7A;
	s5 =	simm.s32 @!p2 $0x0  }
0x1d: {  	s5 =	simm.s32 @p1 $0x1;
	p0 =	seq.s32 s7, s2  }
0x1e: {  	s7 =	smul.u32 @!p0 $0xF7A, s2;
	p2 =	seq.s32 @!p0 s5, $0x0  }
0x1f: {  	s9 =	smul.u32 $0xF7A, s1;
	s8 =	simm.s32 @!p0 $0x1BF5;
	p2 =	por !p2, p0  }
0x20: {  	[sflag:s8] =	ssyncset.s32 @!p0 $0xFFFFF086;
	s6 =	sadd.s32 @!p0 s3, s7;
	s7 =	simm.s32 @!p0 $0x108  }
0x21: {  	s3 =	sadd.s32 s3, s9;
	s6 =	sadd.s32 @!p0 $0x88, s6;
	s7 =	simm.s32 @p2 $0x1082  }
0x22: {  	[simem:s7], [sflag:s8] =	dma.local @!p0 [hbm:s6], $0xF7A  }
0x23: {  	s9 =	sor.u32 $0xD0000000, s2;
	s6 =	simm.s32 $0x108;
	_ =	swait.ge @!p0 [sflag:s8], $0x0  }
0x24: {  	s3 =	sadd.s32 $0x88, s3;
	s6 =	simm.s32 @!p1 $0x1082;
	[sflag:s4] =	ssyncset.s32 $0xFFFFF086  }
0x25: {  	[simem:s6], [sflag:s4] =	dma.local [hbm:s3], $0xF7A  }
0x26: {  	[smem:$0x3F9F] =	sst s1;
	(tag) =	ssettag s2;
	_ =	strace s9  }
0x27: {  	s1 =	sld [smem:$0x3FAF]  }
0x28: {  	s2 =	sld [smem:$0x3FB0]  }
0x29: {  	s4 =	sld [smem:$0x3FB2]  }
0x2a: {  	p0 =	seq.s32 s5, $0x0;
	s5 =	sld [smem:$0x3FB3]  }
0x2b: {  	s6 =	sld [smem:$0x3FB4]  }
0x2c: {  	s7 =	sld [smem:$0x3FB5]  }
0x2d: {  	s3 =	simm.s32 $0x108;
	s8 =	sld [smem:$0x3FB6]  }
0x2e: {  	s3 =	simm.s32 @!p0 $0x1082;
	s9 =	sld [smem:$0x3FB7]  }
0x2f: {  	lr =	sadd.s32 s0, s3;
	s0 =	sld [smem:$0x3FAE]  }
0x30: {  	s3 =	sld [smem:$0x3FB1]  }
0x31: {  	[smem:$0x3FBA] =	sst s10  }
0x32: {  	s10 =	sld [smem:$0x3FB8];
	_ =	sdelay $0x3  }
0x33: {  	p0 =	seq.s32 s10, $0x1;
	s10 =	sld [smem:$0x3FBA];
	_ =	sdelay $0x3  }
0x34: {  	[smem:$0x3FBA] =	sst s10  }
0x35: {  	s10 =	sld [smem:$0x3FB9];
	_ =	sdelay $0x3  }
0x36: {  	p1 =	seq.s32 s10, $0x1;
	s10 =	sld [smem:$0x3FBA];
	_ =	sdelay $0x3  }
0x37: {  	[smem:$0x3FBA] =	sst s10  }
0x38: {  	s10 =	sld [smem:$0x3FBB]  }
0x39: {  	_ = 	snop;
	(pc) =	sbr.ind lr, $3  }
0x3a: {  	_ = 	snop  }
0x3b: {  	_ = 	snop  }
0x3c: {  	p2 =	seq.s32 s10, $0x1;
	s10 =	sld [smem:$0x3FBA]  }
0x3d: {  	_ =	shalt  }
0x3e: {  	_ =	shalt  }
0x3f: {  	_ =	shalt  }
0x40: {  	_ =	shalt  }
0x41: {  	_ =	shalt  }
0x42: {  	_ =	shalt  }
0x43: {  	_ =	shalt  }
0x44: {  	_ =	shalt  }
0x45: {  	_ =	shalt  }
0x46: {  	_ =	shalt  }
0x47: {  	_ =	shalt  }
0x48: {  	_ =	shalt  }
0x49: {  	_ =	shalt  }
0x4a: {  	_ =	shalt  }
0x4b: {  	_ =	shalt  }
0x4c: {  	_ =	shalt  }
0x4d: {  	_ =	shalt  }
0x4e: {  	_ =	shalt  }
0x4f: {  	_ =	shalt  }
0x50: {  	_ =	shalt  }
0x51: {  	_ =	shalt  }
0x52: {  	_ =	shalt  }
0x53: {  	_ =	shalt  }
0x54: {  	_ =	shalt  }
0x55: {  	_ =	shalt  }
0x56: {  	_ =	shalt  }
0x57: {  	_ =	shalt  }
0x58: {  	_ =	shalt  }
0x59: {  	_ =	shalt  }
0x5a: {  	_ =	shalt  }
0x5b: {  	_ =	shalt  }
0x5c: {  	_ =	shalt  }
0x5d: {  	_ =	shalt  }
0x5e: {  	_ =	shalt  }
0x5f: {  	_ =	shalt  }
0x60: {  	_ =	shalt  }
0x61: {  	_ =	shalt  }
0x62: {  	_ =	shalt  }
0x63: {  	_ =	shalt  }
0x64: {  	_ =	shalt  }
0x65: {  	_ =	shalt  }
0x66: {  	_ =	shalt  }
0x67: {  	_ =	shalt  }
0x68: {  	_ =	shalt  }
0x69: {  	_ =	shalt  }
0x6a: {  	_ =	shalt  }
0x6b: {  	_ =	shalt  }
0x6c: {  	_ =	shalt  }
0x6d: {  	_ =	shalt  }
0x6e: {  	_ =	shalt  }
0x6f: {  	_ =	shalt  }
0x70: {  	_ =	shalt  }
0x71: {  	_ =	shalt  }
0x72: {  	_ =	shalt  }
0x73: {  	_ =	shalt  }
0x74: {  	_ =	shalt  }
0x75: {  	_ =	shalt  }
0x76: {  	_ =	shalt  }
0x77: {  	_ =	shalt  }
0x78: {  	_ =	shalt  }
0x79: {  	_ =	shalt  }
0x7a: {  	_ =	shalt  }
0x7b: {  	_ =	shalt  }
0x7c: {  	_ =	shalt  }
0x7d: {  	_ =	shalt  }
0x7e: {  	_ =	shalt  }
0x7f: {  	_ =	shalt  }
0x80: {  	_ =	shalt  }
0x81: {  	_ =	shalt  }
0x82: {  	_ =	shalt  }
0x83: {  	_ =	shalt  }
0x84: {  	_ =	shalt  }
0x85: {  	_ =	shalt  }
0x86: {  	_ =	shalt  }
0x87: {  	_ =	shalt  }
.Lfunc_end0:
.L_simem_size_0:
called_computation.5_lowered:
.L_overlay_start_0:
0x88: {  	s2 =	sld [smem:$0x3FD9]  }
0x89: {  	s3 =	sld [smem:$0x3FFE];
	_ =	sdelay $0x1  }
0x8a: {  	s1 =	srdreg.scid  }
0x8b: {  	s0 =	sand.u32 $0x1, s1  }
0x8c: {  	s16 =	sshll.u32 s0, $0xA;
	s2 =	sadd.s32 s3, s2  }
0x8d: {  	s2 =	sadd.s32 s2, s16  }
0x8e: {  	[smem:$0x3FC6] =	sst s2  }
0x8f: {  	_ = 	snop  }
0x90: {  	(tm) =	ssettm $0x1  }
0x91: {  	s17 =	sld [smem:$0x3FFB];
	_ =	sdelay $0x3  }
0x92: {  	_ =	strace s17  }
0x93: {  	s2 =	sld [smem:$0x3FFC];
	_ =	sdelay $0x3  }
0x94: {  	_ =	strace s2  }
0x95: {  	s2 =	sld [smem:$0x3FFD];
	_ =	sdelay $0x3  }
0x96: {  	_ =	strace s2  }
0x97: {  	_ =	strace $0x8FFFFFFF  }
0x98: {  	s18 =	sld [smem:$0x3FDB];
	_ =	sdelay $0x1  }
0x99: {  	s19 =	simm.s32 $_scs_section_size  }
0x9a: {  	s4 =	simm.s32 $_size__tile_overlayer_lowered;
	s5 =	simm.s32 $_tile_overlayer_lowered  }
0x9b: {  	s22 =	simm.s32 $0x1BFF;
	s21 =	sshll.u32 s5, $0x1;
	s2 =	sadd.s32 s19, s18  }
0x9c: {  	s6 =	simm.s32 $0x0;
	s20 =	sshll.u32 s4, $0x1;
	s4 =	sadd.s32 s21, s2  }
0x9d: {  	[timem:s6], [sflag:s22] =	dma.local [hbm:s4], s20  }
0x9e: {  	_ =	swait.ge [sflag:s22], s20  }
0x9f: {  	s3 =	ssub.s32 $0x0, s20;
	[sflag:s22] =	ssyncset.done $0x0  }
0xa0: {  	[sflag:s22] =	ssyncadd.s32 s3;
	_ =	sdelay $0x1  }
0xa1: {  	s23 =	simm.s32 $0x1B8B  }
0xa2: {  	_ =	swait.ge [sflag:s23], $0x1  }
0xa3: {  	[sflag:s23] =	ssyncset.done $0x0  }
0xa4: {  	s25 =	simm.s32 $0x1B8E;
	s24 =	sld [smem:$0x3FFE];
	[sflag:s23] =	ssyncadd.s32 $0xFFFFFFFF  }
0xa5: {  	s26 =	simm.s32 $execute0_lowered;
	[smem:$0x3FD2] =	sst s25  }
0xa6: {  	s4 =	sshll.u32 s26, $0x1;
	_ =	strace $0x80000058;
	[dreg:$0x1] =	wrdreg $0xFFFFFFFF  }
0xa7: {  	s28 =	simm.s32 $_size_execute0_lowered;
	s2 =	sadd.s32 s2, s4;
	[dreg:$0x0] =	wrdreg $0x0  }
0xa8: {  	s4 =	sshll.u32 s28, $0x1;
	[dreg:$0x2] =	wrdreg s2  }
0xa9: {  	[dreg:$0x3] =	wrdreg s4  }
0xaa: {  	[dreg:$0x4] =	wrdreg $0xC0  }
0xab: {  	_ =	task [dreg:s6], $0x5FFFF  }
0xac: {  	[dreg:$0x1] =	wrdreg $0xFFFFFFFF  }
0xad: {  	[dreg:$0x0] =	wrdreg $0x60  }
0xae: {  	[dreg:$0x2] =	wrdreg s24  }
0xaf: {  	[dreg:$0x3] =	wrdreg $0x9  }
0xb0: {  	_ =	task.clear_ibuf [dreg:s6], $0x4FFFF;
	_ =	strace $0x90000058  }
0xb1: {  	s29 =	simm.s32 $0x9;
	_ =	strace $0x8000005A  }
0xb2: {  	_ =	swait.ge [sflag:s29], $0x1  }
0xb3: {  	[sflag:s29] =	ssyncadd.s32 $0xFFFFFFFF  }
0xb4: {  	_ =	strace $0x9000005A  }
0xb5: {  	_ =	sfence  }
0xb6: {  	s30 =	sld [smem:$0x0];
	_ =	sdelay $0x2  }
0xb7: {  	s31 =	sshll.u32 s1, $0xD;
	s1 =	sshrl.u32 s1, $0x2  }
0xb8: {  	s3 =	sand.u32 $0x4000, s31;
	s1 =	sadd.s32 s1, s30  }
0xb9: {  	s0 =	sor.u32 s3, s0;
	s1 =	sshll.u32 s1, $0x11  }
0xba: {  	s0 =	sor.u32 s1, s0  }
0xbb: {  	s0 =	sadd.s32 $0x8F2B, s0  }
0xbc: {  	[sflag:s0] =	ssyncadd.remote.s32 $0x1  }
0xbd: {  	_ =	sfence.sel $0xFFFF  }
0xbe: {  	[dreg:$0x0] =	wrdreg $0xFFFFFFFF;
	(pc) =	sbr.abs _section_cstart, $3  }
0xbf: {  	[dreg:$0x1] =	wrdreg $0xFFFFFFFF  }
0xc0: {  	_ =	task.clear_ibuf [dreg:s6], $0x2FFFF;
	_ =	strace $0x9FFFFFFF  }
0xc1: {  	(tm) =	ssettm $0x7FFFFFFF  }
tec
execute0_lowered:
.L_overlay_start_1:
0x0: {  	(tag) =	ssettag $0x1  }
0x1: {  	s5 =	rddreg [dreg:$0x0]  }
0x2: {  	s0 =	rddreg [dreg:$0x1]  }
0x3: {  	s2 =	simm.s32 $0x0;
	s3 =	srdreg.scid;
	s1 =	stileid.u32  }
0x4: {  	s10 =	simm.s32 $0x4180;
	s11 =	simm.s32 $0xC180;
	s12 =	simm.s32 $0x0  }
0x5: {  	[smem:$0x7FF] =	sst s2;
	s4 =	sand.u32 $0x1, s3;
	s6 =	sshll.u32 s1, $0x1  }
0x6: {  	s3 =	sadd.s32 $0xFA00, s5;
	_ =	strace $0x80000059;
	s6 =	sor.u32 s4, s6  }
0x7: {  	s8 =	ssub.s32 $0x2, s4;
	s7 =	sshll.u32 s6, $0x8;
	s6 =	smul.u32 $0x7A2, s6  }
0x8: {  	s4 =	sadd.s32 $0xFC00, s5;
	s9 =	sshrl.u32 s8, $0x1;
	s7 =	sadd.s32 s7, s5  }
0x9: {  	s8 =	ssub.s32 s8, s9;
	s9 =	simm.s32 $0x3D80;
	s5 =	sadd.s32 s5, s6  }
0xa: {  	v0 =	vimm.s32 $0x0;
	v1 =	vimm.s32 $0x1;
	s6 =	sadd.s32 $0x10C00, s7;
	s7 =	smax.u32 s8, $0x1;
	s8 =	simm.s32 $0x1  }
.LBB2_1:
0xb: {  	[tilespmem:s2], [sflag:$0x1] =	stream.linear.gather [hbm4b:s5+s2], $0x3D10, $0x38;
	[tilespmem:$0xC980] =	vst v63  }
0xc: {  	_ =	swait.ge [sflag:s8], $0x3D10  }
0xd: {  	[sflag:s8] =	ssyncset.done $0x0  }
0xe: {  	[sflag:s8] =	ssyncadd.s32 $0xFFFFC2F0  }
0xf: {  	[tilespmem:s9], [sflag:$0x1] =	stream.linear.gather [hbm4b:s3+s2], $0x400, $0x38;
	[tilespmem:$0xC980] =	vst v63  }
0x10: {  	_ =	swait.ge [sflag:s8], $0x400  }
0x11: {  	[sflag:s8] =	ssyncset.done $0x0  }
0x12: {  	[sflag:s8] =	ssyncadd.s32 $0xFFFFFC00  }
0x13: {  	[tilespmem:s10], [sflag:$0x1] =	stream.linear.gather [hbm4b:s4+s2], $0x8000, $0x38;
	[tilespmem:$0xC980] =	vst v63  }
0x14: {  	_ =	swait.ge [sflag:s8], $0x8000  }
0x15: {  	[sflag:s8] =	ssyncset.done $0x0  }
0x16: {  	s15 =	simm.s32 $0xC1C0;
	[sflag:s8] =	ssyncadd.s32 $0xFFFF8000  }
0x17: {  	[tilespmem:s15+$0xFFFFFFC0] =	vst v0  }
0x18: {  	[tilespmem:s15+$0x30] =	vst v0  }
0x19: {  	[tilespmem:s15+$0x20] =	vst v0  }
0x1a: {  	[tilespmem:s15+$0x10] =	vst v0  }
0x1b: {  	[tilespmem:s15+$0x0] =	vst v0  }
0x1c: {  	[tilespmem:s15+$0xFFFFFFF0] =	vst v0  }
0x1d: {  	s16 =	simm.s32 $0x0;
	s13 =	simm.s32 $0x20;
	[tilespmem:s15+$0xFFFFFFE0] =	vst v0  }
.LBB2_2:
0x1e: {  	s16 =	sadd.s32 $0x8, s16;
	[tilespmem:s15+$0xFFFFFFD0] =	vst v0;
	s15 =	sadd.s32 $0x80, s15;
	s14 =	simm.s32 $0xFFFFFFFC  }
0x1f: {  	[tilespmem:s15+$0xFFFFFFC0] =	vst v0;
	p0 =	slt.u32 s16, $0x78  }
0x20: {  	[tilespmem:s15+$0x30] =	vst v0  }
.Ltmp0:
0x21: {  	[tilespmem:s15+$0x20] =	vst v0;
	(pc) =	sbr.rel @p0 .LBB2_2-.Ltmp0, $4  }
0x22: {  	[tilespmem:s15+$0x10] =	vst v0  }
0x23: {  	[tilespmem:s15+$0x0] =	vst v0  }
0x24: {  	[tilespmem:s15+$0xFFFFFFF0] =	vst v0  }
0x25: {  	[tilespmem:s15+$0xFFFFFFE0] =	vst v0  }
0x26: {  	[tilespmem:s15+$0xFFFFFFD0] =	vst v0  }
.LBB2_4:
0x27: {  	v2 =	vld [tilespmem:s13+$0xFFFFFFE0];
	_ =	sdelay $0x4  }
0x28: {  	v3 =	vadd.s32 $0xC4800000, v2  }
0x29: {  	v3 =	vshra.s32 v3, $0x10  }
0x2a: {  	vm0 =	vlt.u32 v3, $0x400  }
0x2b: {  	v3 =	vnsel vm0, $0x0, v3;
	_ =	sdelay $0x4  }
0x2c: {  	v3 =	vld.idx.msk [tilespmem:v3+s9+$0x0], $0xffff;
	_ =	sdelay $0x3  }
0x2d: {  	v4 =	vshrl.u32 v2, $0x6  }
0x2e: {  	v4 =	vand.u32 $0x3FF, v4;
	vm1 =	vgt.s32 v3, $0xFFFFFFFF;
	v3 =	vshll.u32 v3, $0xA  }
0x2f: {  	vm0 =	vmand vm1, vm0;
	v3 =	vor.u32 v4, v3  }
0x30: {  	v3 =	vnsel vm0, $0x0, v3;
	_ =	sdelay $0x4  }
0x31: {  	v3 =	vld.idx.msk [tilespmem:v3+s10+$0x0], $0xffff;
	_ =	sdelay $0x4  }
0x32: {  	v2 =	vand.u32 $0x3F, v2;
	vm6 =	vgt.s32 v3, $0xFFFFFFFF;
	v3 =	vshll.u32 v3, $0x6  }
0x33: {  	vm0 =	vmand vm6, vm0;
	v2 =	vor.u32 v2, v3  }
0x34: {  	v2 =	vnsel vm0, $0x0, v2;
	_ =	sdelay $0x4  }
0x35: {  	[tilespmem:v2+s11+$0x0] =	vst.idx.add.s32.msk vm0, v1  }
0x36: {  	v2 =	vld [tilespmem:s13+$0xFFFFFFF0];
	_ =	sdelay $0x4  }
0x37: {  	v3 =	vadd.s32 $0xC4800000, v2  }
0x38: {  	v3 =	vshra.s32 v3, $0x10  }
0x39: {  	vm7 =	vlt.u32 v3, $0x400  }
0x3a: {  	v3 =	vnsel vm7, $0x0, v3;
	_ =	sdelay $0x4  }
0x3b: {  	v3 =	vld.idx.msk [tilespmem:v3+s9+$0x0], $0xffff;
	_ =	sdelay $0x3  }
0x3c: {  	v61 =	vshrl.u32 v2, $0x6  }
0x3d: {  	v4 =	vand.u32 $0x3FF, v61;
	vm8 =	vgt.s32 v3, $0xFFFFFFFF;
	v3 =	vshll.u32 v3, $0xA  }
0x3e: {  	vm0 =	vmand vm8, vm7;
	v3 =	vor.u32 v4, v3  }
0x3f: {  	v3 =	vnsel vm0, $0x0, v3;
	_ =	sdelay $0x4  }
0x40: {  	v3 =	vld.idx.msk [tilespmem:v3+s10+$0x0], $0xffff;
	_ =	sdelay $0x4  }
0x41: {  	v2 =	vand.u32 $0x3F, v2;
	vm9 =	vgt.s32 v3, $0xFFFFFFFF;
	v3 =	vshll.u32 v3, $0x6  }
0x42: {  	vm0 =	vmand vm9, vm0;
	v2 =	vor.u32 v2, v3  }
0x43: {  	v2 =	vnsel vm0, $0x0, v2;
	_ =	sdelay $0x4  }
0x44: {  	[tilespmem:v2+s11+$0x0] =	vst.idx.add.s32.msk vm0, v1  }
0x45: {  	v2 =	vld [tilespmem:s13+$0x0];
	_ =	sdelay $0x4  }
0x46: {  	v3 =	vadd.s32 $0xC4800000, v2  }
0x47: {  	v3 =	vshra.s32 v3, $0x10  }
0x48: {  	vm10 =	vlt.u32 v3, $0x400  }
0x49: {  	v3 =	vnsel vm10, $0x0, v3;
	_ =	sdelay $0x4  }
0x4a: {  	v3 =	vld.idx.msk [tilespmem:v3+s9+$0x0], $0xffff;
	_ =	sdelay $0x3  }
0x4b: {  	v62 =	vshrl.u32 v2, $0x6  }
0x4c: {  	v4 =	vand.u32 $0x3FF, v62;
	vm11 =	vgt.s32 v3, $0xFFFFFFFF;
	v3 =	vshll.u32 v3, $0xA  }
0x4d: {  	vm0 =	vmand vm11, vm10;
	v3 =	vor.u32 v4, v3  }
0x4e: {  	v3 =	vnsel vm0, $0x0, v3;
	_ =	sdelay $0x4  }
0x4f: {  	v3 =	vld.idx.msk [tilespmem:v3+s10+$0x0], $0xffff;
	_ =	sdelay $0x4  }
0x50: {  	v2 =	vand.u32 $0x3F, v2;
	vm12 =	vgt.s32 v3, $0xFFFFFFFF;
	v3 =	vshll.u32 v3, $0x6  }
0x51: {  	vm0 =	vmand vm12, vm0;
	v2 =	vor.u32 v2, v3  }
0x52: {  	v2 =	vnsel vm0, $0x0, v2;
	_ =	sdelay $0x4  }
0x53: {  	[tilespmem:v2+s11+$0x0] =	vst.idx.add.s32.msk vm0, v1  }
0x54: {  	v2 =	vld [tilespmem:s13+$0x10];
	_ =	sdelay $0x4  }
0x55: {  	v3 =	vadd.s32 $0xC4800000, v2  }
0x56: {  	v3 =	vshra.s32 v3, $0x10  }
0x57: {  	vm13 =	vlt.u32 v3, $0x400  }
0x58: {  	v3 =	vnsel vm13, $0x0, v3;
	_ =	sdelay $0x4  }
0x59: {  	v3 =	vld.idx.msk [tilespmem:v3+s9+$0x0], $0xffff;
	_ =	sdelay $0x3  }
0x5a: {  	v63 =	vshrl.u32 v2, $0x6  }
0x5b: {  	v4 =	vand.u32 $0x3FF, v63;
	vm14 =	vgt.s32 v3, $0xFFFFFFFF;
	v3 =	vshll.u32 v3, $0xA  }
0x5c: {  	vm0 =	vmand vm14, vm13;
	v3 =	vor.u32 v4, v3  }
0x5d: {  	v3 =	vnsel vm0, $0x0, v3;
	_ =	sdelay $0x4  }
0x5e: {  	v3 =	vld.idx.msk [tilespmem:v3+s10+$0x0], $0xffff;
	_ =	sdelay $0x4  }
0x5f: {  	v2 =	vand.u32 $0x3F, v2;
	vm15 =	vgt.s32 v3, $0xFFFFFFFF;
	v3 =	vshll.u32 v3, $0x6  }
0x60: {  	s14 =	sadd.s32 $0x4, s14;
	vm0 =	vmand vm15, vm0;
	v2 =	vor.u32 v2, v3  }
0x61: {  	p0 =	slt.u32 s14, $0x3CC;
	v2 =	vnsel vm0, $0x0, v2  }
.Ltmp1:
0x62: {  	_ = 	snop;
	(pc) =	sbr.rel @p0 .LBB2_4-.Ltmp1, $2  }
0x63: {  	_ =	sdelay $0x2  }
0x64: {  	s13 =	sadd.s32 $0x40, s13;
	[tilespmem:v2+s11+$0x0] =	vst.idx.add.s32.msk vm0, v1  }
0x65: {  	v2 =	vld [tilespmem:$0x3D00];
	_ =	sdelay $0x4  }
0x66: {  	v3 =	vadd.s32 $0xC4800000, v2  }
0x67: {  	v3 =	vshra.s32 v3, $0x10  }
0x68: {  	vm0 =	vlt.u32 v3, $0x400  }
0x69: {  	v3 =	vnsel vm0, $0x0, v3;
	_ =	sdelay $0x4  }
0x6a: {  	v3 =	vld.idx.msk [tilespmem:v3+s9+$0x0], $0xffff;
	_ =	sdelay $0x3  }
0x6b: {  	v4 =	vshrl.u32 v2, $0x6  }
0x6c: {  	v4 =	vand.u32 $0x3FF, v4;
	vm1 =	vgt.s32 v3, $0xFFFFFFFF;
	v3 =	vshll.u32 v3, $0xA  }
0x6d: {  	vm0 =	vmand vm1, vm0;
	v3 =	vor.u32 v4, v3  }
0x6e: {  	v3 =	vnsel vm0, $0x0, v3;
	_ =	sdelay $0x4  }
0x6f: {  	v3 =	vld.idx.msk [tilespmem:v3+s10+$0x0], $0xffff;
	_ =	sdelay $0x4  }
0x70: {  	v2 =	vand.u32 $0x3F, v2;
	vm15 =	vgt.s32 v3, $0xFFFFFFFF;
	v3 =	vshll.u32 v3, $0x6  }
0x71: {  	vm0 =	vmand vm15, vm0;
	v2 =	vor.u32 v2, v3  }
0x72: {  	v2 =	vnsel vm0, $0x0, v2;
	_ =	sdelay $0x2  }
0x73: {  	s12 =	sadd.s32 $0x1, s12  }
0x74: {  	p0 =	sne.s32 s12, s7  }
.Ltmp2:
0x75: {  	[tilespmem:v2+s11+$0x0] =	vst.idx.add.s32.msk vm0, v1;
	(pc) =	sbr.rel @p0 .LBB2_1-.Ltmp2, $4  }
0x76: {  	[hbm4b:s6+s2] =	stream.linear.scatter [tilespmem:s11], [sflag:$0x1], $0x800, $0x38;
	[tilespmem:$0xC980] =	vst v63  }
0x77: {  	_ =	swait.ge [sflag:s8], $0x800  }
0x78: {  	[sflag:s8] =	ssyncset.done $0x0  }
0x79: {  	[sflag:s8] =	ssyncadd.s32 $0xFFFFF800  }
0x7a: {  	_ =	sfence.sel $0x180000  }
0x7b: {  	[bflag:$0x0] =	sbarrier.arrive $0xFFFF  }
0x7c: {  	p0 =	sne.s32 s1, $0x0;
	_ =	strace $0x90000059  }
0x7d: {  	s0 =	sadd.s32 @!p0 $0x100000, s0;
	[bflag:$0x2] =	sbarrier.arrive $0xFFFF  }
0x7e: {  	[sflag:s0] =	ssyncadd.tile.s32 @!p0 $0x1;
	_ =	shalt  }
.Lfunc_end2:
_tile_overlayer_lowered:
.L_overlay_start_2:
0x7f: {  	(tag) =	ssettag $0x2  }
0x80: {  	s0 =	rddreg [dreg:$0x0];
	s2 =	stileid.u32  }
0x81: {  	s1 =	rddreg [dreg:$0x1];
	p0 =	sne.s32 s2, $0x0  }
0x82: {  	s3 =	rddreg [dreg:$0x2];
	[bflag:$0x3] =	sbarrier.arrive $0xFFFF;
	s2 =	simm.s32 @!p0 $0x1C01  }
0x83: {  	[timem:s3], [sflag:s2] =	dma.local @!p0 [hbm:s0], s1  }
0x84: {  	s0 =	simm.s32 @!p0 $0x1  }
0x85: {  	_ =	swait.ge @!p0 [sflag:s0], s1  }
0x86: {  	s1 =	ssub.s32 @!p0 $0x0, s1;
	[sflag:s0] =	ssyncset.done @!p0 $0x0  }
0x87: {  	[sflag:s0] =	ssyncadd.s32 @!p0 s1  }
0x88: {  	[bflag:$0x3] =	sbarrier.arrive $0xFFFF  }
0x89: {  	_ =	shalt  }

// kernel: kernel.7.cloned.1.call-start
scs
__scs_entry_jumppad:
0x0: {  	(pc) =	sbr.rel $0x88, $3  }
0x1: {  	(tag) =	ssettag $0x0;
	lr =	simm.s32 $0x1  }
0x2: {  	[smem:$0x3F9F] =	sst lr;
	_ =	strace $0xD0000000  }
0x3: {  	_ = 	snop  }
0x4: {  	_ = 	snop  }
0x5: {  	_ = 	snop  }
0x6: {  	_ = 	snop  }
0x7: {  	_ = 	snop  }
__scs_overlays_trampoline_lowered:
0x8: {  	[smem:$0x3FAE] =	sst s0  }
0x9: {  	[smem:$0x3FAF] =	sst s1  }
0xa: {  	[smem:$0x3FB0] =	sst s2  }
0xb: {  	[smem:$0x3FB1] =	sst s3  }
0xc: {  	[smem:$0x3FB2] =	sst s4  }
0xd: {  	[smem:$0x3FB3] =	sst s5  }
0xe: {  	[smem:$0x3FB4] =	sst s6  }
0xf: {  	[smem:$0x3FB5] =	sst s7  }
0x10: {  	[smem:$0x3FB6] =	sst s8  }
0x11: {  	[smem:$0x3FB7] =	sst s9;
	s0 =	simm.s32 @!p0 $0x0  }
0x12: {  	s1 =	sld [smem:$0x3F9D];
	s0 =	simm.s32 @p0 $0x1  }
0x13: {  	[smem:$0x3FB8] =	sst s0;
	s0 =	simm.s32 @!p1 $0x0  }
0x14: {  	s2 =	sld [smem:$0x3F9C];
	s0 =	simm.s32 @p1 $0x1  }
0x15: {  	[smem:$0x3FB9] =	sst s0;
	s0 =	simm.s32 @!p2 $0x0  }
0x16: {  	s3 =	sld [smem:$0x3FDB];
	s0 =	simm.s32 @p2 $0x1  }
0x17: {  	s4 =	simm.s32 $0x1BF5;
	[smem:$0x3FBB] =	sst s0  }
0x18: {  	s0 =	sld [smem:$0x3F9E];
	_ =	swait.ge [sflag:s4], $0x0  }
0x19: {  	s7 =	sld [smem:$0x3F9F]  }
0x1a: {  	s8 =	sadd.s32 $0xFFFFE003, lr  }
0x1b: {  	s9 =	sadd.s32 $0xFFFFFEF7, lr;
	s5 =	simm.s32 $0xFFFFFFFF;
	p2 =	slt.u32 s8, $0xFFFFF086  }
0x1c: {  	p1 =	slt.u32 s9, $0xF7A;
	s5 =	simm.s32 @!p2 $0x0  }
0x1d: {  	s5 =	simm.s32 @p1 $0x1;
	p0 =	seq.s32 s7, s2  }
0x1e: {  	s7 =	smul.u32 @!p0 $0xF7A, s2;
	p2 =	seq.s32 @!p0 s5, $0x0  }
0x1f: {  	s9 =	smul.u32 $0xF7A, s1;
	s8 =	simm.s32 @!p0 $0x1BF5;
	p2 =	por !p2, p0  }
0x20: {  	[sflag:s8] =	ssyncset.s32 @!p0 $0xFFFFF086;
	s6 =	sadd.s32 @!p0 s3, s7;
	s7 =	simm.s32 @!p0 $0x108  }
0x21: {  	s3 =	sadd.s32 s3, s9;
	s6 =	sadd.s32 @!p0 $0x88, s6;
	s7 =	simm.s32 @p2 $0x1082  }
0x22: {  	[simem:s7], [sflag:s8] =	dma.local @!p0 [hbm:s6], $0xF7A  }
0x23: {  	s9 =	sor.u32 $0xD0000000, s2;
	s6 =	simm.s32 $0x108;
	_ =	swait.ge @!p0 [sflag:s8], $0x0  }
0x24: {  	s3 =	sadd.s32 $0x88, s3;
	s6 =	simm.s32 @!p1 $0x1082;
	[sflag:s4] =	ssyncset.s32 $0xFFFFF086  }
0x25: {  	[simem:s6], [sflag:s4] =	dma.local [hbm:s3], $0xF7A  }
0x26: {  	[smem:$0x3F9F] =	sst s1;
	(tag) =	ssettag s2;
	_ =	strace s9  }
0x27: {  	s1 =	sld [smem:$0x3FAF]  }
0x28: {  	s2 =	sld [smem:$0x3FB0]  }
0x29: {  	s4 =	sld [smem:$0x3FB2]  }
0x2a: {  	p0 =	seq.s32 s5, $0x0;
	s5 =	sld [smem:$0x3FB3]  }
0x2b: {  	s6 =	sld [smem:$0x3FB4]  }
0x2c: {  	s7 =	sld [smem:$0x3FB5]  }
0x2d: {  	s3 =	simm.s32 $0x108;
	s8 =	sld [smem:$0x3FB6]  }
0x2e: {  	s3 =	simm.s32 @!p0 $0x1082;
	s9 =	sld [smem:$0x3FB7]  }
0x2f: {  	lr =	sadd.s32 s0, s3;
	s0 =	sld [smem:$0x3FAE]  }
0x30: {  	s3 =	sld [smem:$0x3FB1]  }
0x31: {  	[smem:$0x3FBA] =	sst s10  }
0x32: {  	s10 =	sld [smem:$0x3FB8];
	_ =	sdelay $0x3  }
0x33: {  	p0 =	seq.s32 s10, $0x1;
	s10 =	sld [smem:$0x3FBA];
	_ =	sdelay $0x3  }
0x34: {  	[smem:$0x3FBA] =	sst s10  }
0x35: {  	s10 =	sld [smem:$0x3FB9];
	_ =	sdelay $0x3  }
0x36: {  	p1 =	seq.s32 s10, $0x1;
	s10 =	sld [smem:$0x3FBA];
	_ =	sdelay $0x3  }
0x37: {  	[smem:$0x3FBA] =	sst s10  }
0x38: {  	s10 =	sld [smem:$0x3FBB]  }
0x39: {  	_ = 	snop;
	(pc) =	sbr.ind lr, $3  }
0x3a: {  	_ = 	snop  }
0x3b: {  	_ = 	snop  }
0x3c: {  	p2 =	seq.s32 s10, $0x1;
	s10 =	sld [smem:$0x3FBA]  }
0x3d: {  	_ =	shalt  }
0x3e: {  	_ =	shalt  }
0x3f: {  	_ =	shalt  }
0x40: {  	_ =	shalt  }
0x41: {  	_ =	shalt  }
0x42: {  	_ =	shalt  }
0x43: {  	_ =	shalt  }
0x44: {  	_ =	shalt  }
0x45: {  	_ =	shalt  }
0x46: {  	_ =	shalt  }
0x47: {  	_ =	shalt  }
0x48: {  	_ =	shalt  }
0x49: {  	_ =	shalt  }
0x4a: {  	_ =	shalt  }
0x4b: {  	_ =	shalt  }
0x4c: {  	_ =	shalt  }
0x4d: {  	_ =	shalt  }
0x4e: {  	_ =	shalt  }
0x4f: {  	_ =	shalt  }
0x50: {  	_ =	shalt  }
0x51: {  	_ =	shalt  }
0x52: {  	_ =	shalt  }
0x53: {  	_ =	shalt  }
0x54: {  	_ =	shalt  }
0x55: {  	_ =	shalt  }
0x56: {  	_ =	shalt  }
0x57: {  	_ =	shalt  }
0x58: {  	_ =	shalt  }
0x59: {  	_ =	shalt  }
0x5a: {  	_ =	shalt  }
0x5b: {  	_ =	shalt  }
0x5c: {  	_ =	shalt  }
0x5d: {  	_ =	shalt  }
0x5e: {  	_ =	shalt  }
0x5f: {  	_ =	shalt  }
0x60: {  	_ =	shalt  }
0x61: {  	_ =	shalt  }
0x62: {  	_ =	shalt  }
0x63: {  	_ =	shalt  }
0x64: {  	_ =	shalt  }
0x65: {  	_ =	shalt  }
0x66: {  	_ =	shalt  }
0x67: {  	_ =	shalt  }
0x68: {  	_ =	shalt  }
0x69: {  	_ =	shalt  }
0x6a: {  	_ =	shalt  }
0x6b: {  	_ =	shalt  }
0x6c: {  	_ =	shalt  }
0x6d: {  	_ =	shalt  }
0x6e: {  	_ =	shalt  }
0x6f: {  	_ =	shalt  }
0x70: {  	_ =	shalt  }
0x71: {  	_ =	shalt  }
0x72: {  	_ =	shalt  }
0x73: {  	_ =	shalt  }
0x74: {  	_ =	shalt  }
0x75: {  	_ =	shalt  }
0x76: {  	_ =	shalt  }
0x77: {  	_ =	shalt  }
0x78: {  	_ =	shalt  }
0x79: {  	_ =	shalt  }
0x7a: {  	_ =	shalt  }
0x7b: {  	_ =	shalt  }
0x7c: {  	_ =	shalt  }
0x7d: {  	_ =	shalt  }
0x7e: {  	_ =	shalt  }
0x7f: {  	_ =	shalt  }
0x80: {  	_ =	shalt  }
0x81: {  	_ =	shalt  }
0x82: {  	_ =	shalt  }
0x83: {  	_ =	shalt  }
0x84: {  	_ =	shalt  }
0x85: {  	_ =	shalt  }
0x86: {  	_ =	shalt  }
0x87: {  	_ =	shalt  }
.Lfunc_end0:
.L_simem_size_0:
called_computation.3_lowered:
.L_overlay_start_0:
0x88: {  	s2 =	sld [smem:$0x3FD9]  }
0x89: {  	s3 =	sld [smem:$0x3FFE];
	_ =	sdelay $0x1  }
0x8a: {  	s1 =	srdreg.scid  }
0x8b: {  	s0 =	sand.u32 $0x1, s1  }
0x8c: {  	s16 =	sshll.u32 s0, $0xA;
	s2 =	sadd.s32 s3, s2  }
0x8d: {  	s2 =	sadd.s32 s2, s16  }
0x8e: {  	[smem:$0x3FC6] =	sst s2  }
0x8f: {  	_ = 	snop  }
0x90: {  	(tm) =	ssettm $0x1  }
0x91: {  	s17 =	sld [smem:$0x3FFB];
	_ =	sdelay $0x3  }
0x92: {  	_ =	strace s17  }
0x93: {  	s2 =	sld [smem:$0x3FFC];
	_ =	sdelay $0x3  }
0x94: {  	_ =	strace s2  }
0x95: {  	s2 =	sld [smem:$0x3FFD];
	_ =	sdelay $0x3  }
0x96: {  	_ =	strace s2  }
0x97: {  	_ =	strace $0x8FFFFFFF  }
0x98: {  	s18 =	sld [smem:$0x3FDB];
	_ =	sdelay $0x1  }
0x99: {  	s19 =	simm.s32 $_scs_section_size  }
0x9a: {  	s4 =	simm.s32 $_size__tile_overlayer_lowered;
	s5 =	simm.s32 $_tile_overlayer_lowered  }
0x9b: {  	s22 =	simm.s32 $0x1BFF;
	s21 =	sshll.u32 s5, $0x1;
	s2 =	sadd.s32 s19, s18  }
0x9c: {  	s6 =	simm.s32 $0x0;
	s20 =	sshll.u32 s4, $0x1;
	s4 =	sadd.s32 s21, s2  }
0x9d: {  	[timem:s6], [sflag:s22] =	dma.local [hbm:s4], s20  }
0x9e: {  	_ =	swait.ge [sflag:s22], s20  }
0x9f: {  	s3 =	ssub.s32 $0x0, s20;
	[sflag:s22] =	ssyncset.done $0x0  }
0xa0: {  	[sflag:s22] =	ssyncadd.s32 s3;
	_ =	sdelay $0x1  }
0xa1: {  	s23 =	simm.s32 $0x1B8B  }
0xa2: {  	_ =	swait.ge [sflag:s23], $0x1  }
0xa3: {  	[sflag:s23] =	ssyncset.done $0x0  }
0xa4: {  	s25 =	simm.s32 $0x1B8E;
	s24 =	sld [smem:$0x3FFE];
	[sflag:s23] =	ssyncadd.s32 $0xFFFFFFFF  }
0xa5: {  	s26 =	simm.s32 $execute0_lowered;
	[smem:$0x3FD2] =	sst s25  }
0xa6: {  	s4 =	sshll.u32 s26, $0x1;
	_ =	strace $0x80000049;
	[dreg:$0x1] =	wrdreg $0xFFFFFFFF  }
0xa7: {  	s28 =	simm.s32 $_size_execute0_lowered;
	s2 =	sadd.s32 s2, s4;
	[dreg:$0x0] =	wrdreg $0x0  }
0xa8: {  	s4 =	sshll.u32 s28, $0x1;
	[dreg:$0x2] =	wrdreg s2  }
0xa9: {  	[dreg:$0x3] =	wrdreg s4  }
0xaa: {  	[dreg:$0x4] =	wrdreg $0xC0  }
0xab: {  	_ =	task [dreg:s6], $0x5FFFF  }
0xac: {  	[dreg:$0x1] =	wrdreg $0xFFFFFFFF  }
0xad: {  	[dreg:$0x0] =	wrdreg $0x60  }
0xae: {  	[dreg:$0x2] =	wrdreg s24  }
0xaf: {  	[dreg:$0x3] =	wrdreg $0x9  }
0xb0: {  	_ =	task.clear_ibuf [dreg:s6], $0x4FFFF;
	_ =	strace $0x90000049  }
0xb1: {  	s29 =	simm.s32 $0x9;
	_ =	strace $0x8000004B  }
0xb2: {  	_ =	swait.ge [sflag:s29], $0x1  }
0xb3: {  	[sflag:s29] =	ssyncadd.s32 $0xFFFFFFFF  }
0xb4: {  	_ =	strace $0x9000004B  }
0xb5: {  	_ =	sfence  }
0xb6: {  	s30 =	sld [smem:$0x0];
	_ =	sdelay $0x2  }
0xb7: {  	s31 =	sshll.u32 s1, $0xD;
	s1 =	sshrl.u32 s1, $0x2  }
0xb8: {  	s3 =	sand.u32 $0x4000, s31;
	s1 =	sadd.s32 s1, s30  }
0xb9: {  	s0 =	sor.u32 s3, s0;
	s1 =	sshll.u32 s1, $0x11  }
0xba: {  	s0 =	sor.u32 s1, s0  }
0xbb: {  	s0 =	sadd.s32 $0x8F2B, s0  }
0xbc: {  	[sflag:s0] =	ssyncadd.remote.s32 $0x1  }
0xbd: {  	_ =	sfence.sel $0xFFFF  }
0xbe: {  	[dreg:$0x0] =	wrdreg $0xFFFFFFFF;
	(pc) =	sbr.abs _section_cstart, $3  }
0xbf: {  	[dreg:$0x1] =	wrdreg $0xFFFFFFFF  }
0xc0: {  	_ =	task.clear_ibuf [dreg:s6], $0x2FFFF;
	_ =	strace $0x9FFFFFFF  }
0xc1: {  	(tm) =	ssettm $0x7FFFFFFF  }
tec
execute0_lowered:
.L_overlay_start_1:
0x0: {  	(tag) =	ssettag $0x1  }
0x1: {  	s3 =	rddreg [dreg:$0x0]  }
0x2: {  	s0 =	rddreg [dreg:$0x1]  }
0x3: {  	s4 =	srdreg.scid;
	s1 =	stileid.u32  }
0x4: {  	s2 =	simm.s32 $0x0;
	s4 =	sand.u32 $0x1, s4;
	s5 =	sshll.u32 s1, $0x1  }
0x5: {  	s8 =	simm.s32 $0x0;
	[smem:$0x7FF] =	sst s2;
	s5 =	sor.u32 s4, s5  }
0x6: {  	s4 =	ssub.s32 $0x2, s4;
	s6 =	sshll.u32 s5, $0x7;
	s5 =	smul.u32 $0x7A2, s5  }
0x7: {  	_ =	strace $0x8000004A;
	s7 =	sshrl.u32 s4, $0x1;
	s6 =	sadd.s32 s6, s3  }
0x8: {  	s7 =	ssub.s32 s4, s7;
	s3 =	sadd.s32 s3, s5;
	s4 =	sadd.s32 $0xF600, s6  }
0x9: {  	v0 =	vimm.s32 $0x0;
	v1 =	vimm.s32 $0x1;
	s5 =	smax.u32 s7, $0x1;
	s6 =	simm.s32 $0x1;
	s7 =	simm.s32 $0x3D80  }
.LBB2_1:
0xa: {  	[tilespmem:s2], [sflag:$0x1] =	stream.linear.gather [hbm4b:s3+s2], $0x3D10, $0x38;
	[tilespmem:$0x4180] =	vst v63  }
0xb: {  	_ =	swait.ge [sflag:s6], $0x3D10  }
0xc: {  	[sflag:s6] =	ssyncset.done $0x0  }
0xd: {  	[sflag:s6] =	ssyncadd.s32 $0xFFFFC2F0  }
0xe: {  	[tilespmem:$0x3D80] =	vst v0  }
0xf: {  	[tilespmem:$0x3D90] =	vst v0  }
0x10: {  	[tilespmem:$0x3DA0] =	vst v0  }
0x11: {  	[tilespmem:$0x3DB0] =	vst v0  }
0x12: {  	[tilespmem:$0x3DC0] =	vst v0  }
0x13: {  	[tilespmem:$0x3DD0] =	vst v0  }
0x14: {  	[tilespmem:$0x3DE0] =	vst v0  }
0x15: {  	[tilespmem:$0x3DF0] =	vst v0  }
0x16: {  	[tilespmem:$0x3E00] =	vst v0  }
0x17: {  	[tilespmem:$0x3E10] =	vst v0  }
0x18: {  	[tilespmem:$0x3E20] =	vst v0  }
0x19: {  	[tilespmem:$0x3E30] =	vst v0  }
0x1a: {  	[tilespmem:$0x3E40] =	vst v0  }
0x1b: {  	[tilespmem:$0x3E50] =	vst v0  }
0x1c: {  	[tilespmem:$0x3E60] =	vst v0  }
0x1d: {  	[tilespmem:$0x3E70] =	vst v0  }
0x1e: {  	[tilespmem:$0x3E80] =	vst v0  }
0x1f: {  	[tilespmem:$0x3E90] =	vst v0  }
0x20: {  	[tilespmem:$0x3EA0] =	vst v0  }
0x21: {  	[tilespmem:$0x3EB0] =	vst v0  }
0x22: {  	[tilespmem:$0x3EC0] =	vst v0  }
0x23: {  	[tilespmem:$0x3ED0] =	vst v0  }
0x24: {  	[tilespmem:$0x3EE0] =	vst v0  }
0x25: {  	[tilespmem:$0x3EF0] =	vst v0  }
0x26: {  	[tilespmem:$0x3F00] =	vst v0  }
0x27: {  	[tilespmem:$0x3F10] =	vst v0  }
0x28: {  	[tilespmem:$0x3F20] =	vst v0  }
0x29: {  	[tilespmem:$0x3F30] =	vst v0  }
0x2a: {  	[tilespmem:$0x3F40] =	vst v0  }
0x2b: {  	[tilespmem:$0x3F50] =	vst v0  }
0x2c: {  	[tilespmem:$0x3F60] =	vst v0  }
0x2d: {  	[tilespmem:$0x3F70] =	vst v0  }
0x2e: {  	[tilespmem:$0x3F80] =	vst v0  }
0x2f: {  	[tilespmem:$0x3F90] =	vst v0  }
0x30: {  	[tilespmem:$0x3FA0] =	vst v0  }
0x31: {  	[tilespmem:$0x3FB0] =	vst v0  }
0x32: {  	[tilespmem:$0x3FC0] =	vst v0  }
0x33: {  	[tilespmem:$0x3FD0] =	vst v0  }
0x34: {  	[tilespmem:$0x3FE0] =	vst v0  }
0x35: {  	[tilespmem:$0x3FF0] =	vst v0  }
0x36: {  	[tilespmem:$0x4000] =	vst v0  }
0x37: {  	[tilespmem:$0x4010] =	vst v0  }
0x38: {  	[tilespmem:$0x4020] =	vst v0  }
0x39: {  	[tilespmem:$0x4030] =	vst v0  }
0x3a: {  	[tilespmem:$0x4040] =	vst v0  }
0x3b: {  	[tilespmem:$0x4050] =	vst v0  }
0x3c: {  	[tilespmem:$0x4060] =	vst v0  }
0x3d: {  	[tilespmem:$0x4070] =	vst v0  }
0x3e: {  	[tilespmem:$0x4080] =	vst v0  }
0x3f: {  	[tilespmem:$0x4090] =	vst v0  }
0x40: {  	[tilespmem:$0x40A0] =	vst v0  }
0x41: {  	[tilespmem:$0x40B0] =	vst v0  }
0x42: {  	[tilespmem:$0x40C0] =	vst v0  }
0x43: {  	[tilespmem:$0x40D0] =	vst v0  }
0x44: {  	[tilespmem:$0x40E0] =	vst v0  }
0x45: {  	[tilespmem:$0x40F0] =	vst v0  }
0x46: {  	[tilespmem:$0x4100] =	vst v0  }
0x47: {  	[tilespmem:$0x4110] =	vst v0  }
0x48: {  	[tilespmem:$0x4120] =	vst v0  }
0x49: {  	[tilespmem:$0x4130] =	vst v0  }
0x4a: {  	[tilespmem:$0x4140] =	vst v0  }
0x4b: {  	[tilespmem:$0x4150] =	vst v0  }
0x4c: {  	[tilespmem:$0x4160] =	vst v0  }
0x4d: {  	s9 =	simm.s32 $0xFFFFFFFC;
	s10 =	simm.s32 $0x20;
	[tilespmem:$0x4170] =	vst v0  }
.LBB2_2:
0x4e: {  	v2 =	vld [tilespmem:s10+$0xFFFFFFE0];
	_ =	sdelay $0x4  }
0x4f: {  	v2 =	vadd.s32 $0xC4800000, v2  }
0x50: {  	v2 =	vshra.s32 v2, $0x10  }
0x51: {  	vm0 =	vlt.u32 v2, $0x400  }
0x52: {  	v2 =	vnsel vm0, $0x0, v2;
	_ =	sdelay $0x4  }
0x53: {  	[tilespmem:v2+s7+$0x0] =	vst.idx.add.s32.msk vm0, v1  }
0x54: {  	v2 =	vld [tilespmem:s10+$0xFFFFFFF0];
	_ =	sdelay $0x4  }
0x55: {  	v2 =	vadd.s32 $0xC4800000, v2  }
0x56: {  	v2 =	vshra.s32 v2, $0x10  }
0x57: {  	vm13 =	vlt.u32 v2, $0x400  }
0x58: {  	v2 =	vnsel vm13, $0x0, v2;
	_ =	sdelay $0x4  }
0x59: {  	[tilespmem:v2+s7+$0x0] =	vst.idx.add.s32.msk vm13, v1  }
0x5a: {  	v2 =	vld [tilespmem:s10+$0x0];
	_ =	sdelay $0x4  }
0x5b: {  	v2 =	vadd.s32 $0xC4800000, v2  }
0x5c: {  	v2 =	vshra.s32 v2, $0x10  }
0x5d: {  	vm14 =	vlt.u32 v2, $0x400  }
0x5e: {  	v2 =	vnsel vm14, $0x0, v2;
	_ =	sdelay $0x4  }
0x5f: {  	[tilespmem:v2+s7+$0x0] =	vst.idx.add.s32.msk vm14, v1  }
0x60: {  	v2 =	vld [tilespmem:s10+$0x10];
	_ =	sdelay $0x4  }
0x61: {  	v2 =	vadd.s32 $0xC4800000, v2  }
0x62: {  	v2 =	vshra.s32 v2, $0x10  }
0x63: {  	s9 =	sadd.s32 $0x4, s9;
	vm15 =	vlt.u32 v2, $0x400  }
0x64: {  	p0 =	slt.u32 s9, $0x3CC;
	v2 =	vnsel vm15, $0x0, v2  }
.Ltmp0:
0x65: {  	_ = 	snop;
	(pc) =	sbr.rel @p0 .LBB2_2-.Ltmp0, $2  }
0x66: {  	_ =	sdelay $0x2  }
0x67: {  	s10 =	sadd.s32 $0x40, s10;
	[tilespmem:v2+s7+$0x0] =	vst.idx.add.s32.msk vm15, v1  }
0x68: {  	v2 =	vld [tilespmem:$0x3D00];
	_ =	sdelay $0x4  }
0x69: {  	v2 =	vadd.s32 $0xC4800000, v2  }
0x6a: {  	v2 =	vshra.s32 v2, $0x10  }
0x6b: {  	vm0 =	vlt.u32 v2, $0x400  }
0x6c: {  	v2 =	vnsel vm0, $0x0, v2;
	_ =	sdelay $0x2  }
0x6d: {  	s8 =	sadd.s32 $0x1, s8  }
0x6e: {  	p0 =	sne.s32 s8, s5  }
.Ltmp1:
0x6f: {  	[tilespmem:v2+s7+$0x0] =	vst.idx.add.s32.msk vm0, v1;
	(pc) =	sbr.rel @p0 .LBB2_1-.Ltmp1, $4  }
0x70: {  	[hbm4b:s4+s2] =	stream.linear.scatter [tilespmem:s7], [sflag:$0x1], $0x400, $0x38;
	[tilespmem:$0x4180] =	vst v63  }
0x71: {  	_ =	swait.ge [sflag:s6], $0x400  }
0x72: {  	[sflag:s6] =	ssyncset.done $0x0  }
0x73: {  	[sflag:s6] =	ssyncadd.s32 $0xFFFFFC00  }
0x74: {  	_ =	sfence.sel $0x180000  }
0x75: {  	[bflag:$0x0] =	sbarrier.arrive $0xFFFF  }
0x76: {  	p0 =	sne.s32 s1, $0x0;
	_ =	strace $0x9000004A  }
0x77: {  	s0 =	sadd.s32 @!p0 $0x100000, s0;
	[bflag:$0x2] =	sbarrier.arrive $0xFFFF  }
0x78: {  	[sflag:s0] =	ssyncadd.tile.s32 @!p0 $0x1;
	_ =	shalt  }
.Lfunc_end2:
_tile_overlayer_lowered:
.L_overlay_start_2:
0x79: {  	(tag) =	ssettag $0x2  }
0x7a: {  	s0 =	rddreg [dreg:$0x0];
	s2 =	stileid.u32  }
0x7b: {  	s1 =	rddreg [dreg:$0x1];
	p0 =	sne.s32 s2, $0x0  }
0x7c: {  	s3 =	rddreg [dreg:$0x2];
	[bflag:$0x3] =	sbarrier.arrive $0xFFFF;
	s2 =	simm.s32 @!p0 $0x1C01  }
0x7d: {  	[timem:s3], [sflag:s2] =	dma.local @!p0 [hbm:s0], s1  }
0x7e: {  	s0 =	simm.s32 @!p0 $0x1  }
0x7f: {  	_ =	swait.ge @!p0 [sflag:s0], s1  }
0x80: {  	s1 =	ssub.s32 @!p0 $0x0, s1;
	[sflag:s0] =	ssyncset.done @!p0 $0x0  }
0x81: {  	[sflag:s0] =	ssyncadd.s32 @!p0 s1  }
0x82: {  	[bflag:$0x3] =	sbarrier.arrive $0xFFFF  }
0x83: {  	_ =	shalt  }

// kernel: scatter_offload_async_start.1
scs
__scs_entry_jumppad:
0x0: {  	(pc) =	sbr.rel $0x88, $3  }
0x1: {  	(tag) =	ssettag $0x0;
	lr =	simm.s32 $0x1  }
0x2: {  	[smem:$0x3F9F] =	sst lr;
	_ =	strace $0xD0000000  }
0x3: {  	_ = 	snop  }
0x4: {  	_ = 	snop  }
0x5: {  	_ = 	snop  }
0x6: {  	_ = 	snop  }
0x7: {  	_ = 	snop  }
__scs_overlays_trampoline_lowered:
0x8: {  	[smem:$0x3FAE] =	sst s0  }
0x9: {  	[smem:$0x3FAF] =	sst s1  }
0xa: {  	[smem:$0x3FB0] =	sst s2  }
0xb: {  	[smem:$0x3FB1] =	sst s3  }
0xc: {  	[smem:$0x3FB2] =	sst s4  }
0xd: {  	[smem:$0x3FB3] =	sst s5  }
0xe: {  	[smem:$0x3FB4] =	sst s6  }
0xf: {  	[smem:$0x3FB5] =	sst s7  }
0x10: {  	[smem:$0x3FB6] =	sst s8  }
0x11: {  	[smem:$0x3FB7] =	sst s9;
	s0 =	simm.s32 @!p0 $0x0  }
0x12: {  	s1 =	sld [smem:$0x3F9D];
	s0 =	simm.s32 @p0 $0x1  }
0x13: {  	[smem:$0x3FB8] =	sst s0;
	s0 =	simm.s32 @!p1 $0x0  }
0x14: {  	s2 =	sld [smem:$0x3F9C];
	s0 =	simm.s32 @p1 $0x1  }
0x15: {  	[smem:$0x3FB9] =	sst s0;
	s0 =	simm.s32 @!p2 $0x0  }
0x16: {  	s3 =	sld [smem:$0x3FDB];
	s0 =	simm.s32 @p2 $0x1  }
0x17: {  	s4 =	simm.s32 $0x1BF5;
	[smem:$0x3FBB] =	sst s0  }
0x18: {  	s0 =	sld [smem:$0x3F9E];
	_ =	swait.ge [sflag:s4], $0x0  }
0x19: {  	s7 =	sld [smem:$0x3F9F]  }
0x1a: {  	s8 =	sadd.s32 $0xFFFFE003, lr  }
0x1b: {  	s9 =	sadd.s32 $0xFFFFFEF7, lr;
	s5 =	simm.s32 $0xFFFFFFFF;
	p2 =	slt.u32 s8, $0xFFFFF086  }
0x1c: {  	p1 =	slt.u32 s9, $0xF7A;
	s5 =	simm.s32 @!p2 $0x0  }
0x1d: {  	s5 =	simm.s32 @p1 $0x1;
	p0 =	seq.s32 s7, s2  }
0x1e: {  	s7 =	smul.u32 @!p0 $0xF7A, s2;
	p2 =	seq.s32 @!p0 s5, $0x0  }
0x1f: {  	s9 =	smul.u32 $0xF7A, s1;
	s8 =	simm.s32 @!p0 $0x1BF5;
	p2 =	por !p2, p0  }
0x20: {  	[sflag:s8] =	ssyncset.s32 @!p0 $0xFFFFF086;
	s6 =	sadd.s32 @!p0 s3, s7;
	s7 =	simm.s32 @!p0 $0x108  }
0x21: {  	s3 =	sadd.s32 s3, s9;
	s6 =	sadd.s32 @!p0 $0x88, s6;
	s7 =	simm.s32 @p2 $0x1082  }
0x22: {  	[simem:s7], [sflag:s8] =	dma.local @!p0 [hbm:s6], $0xF7A  }
0x23: {  	s9 =	sor.u32 $0xD0000000, s2;
	s6 =	simm.s32 $0x108;
	_ =	swait.ge @!p0 [sflag:s8], $0x0  }
0x24: {  	s3 =	sadd.s32 $0x88, s3;
	s6 =	simm.s32 @!p1 $0x1082;
	[sflag:s4] =	ssyncset.s32 $0xFFFFF086  }
0x25: {  	[simem:s6], [sflag:s4] =	dma.local [hbm:s3], $0xF7A  }
0x26: {  	[smem:$0x3F9F] =	sst s1;
	(tag) =	ssettag s2;
	_ =	strace s9  }
0x27: {  	s1 =	sld [smem:$0x3FAF]  }
0x28: {  	s2 =	sld [smem:$0x3FB0]  }
0x29: {  	s4 =	sld [smem:$0x3FB2]  }
0x2a: {  	p0 =	seq.s32 s5, $0x0;
	s5 =	sld [smem:$0x3FB3]  }
0x2b: {  	s6 =	sld [smem:$0x3FB4]  }
0x2c: {  	s7 =	sld [smem:$0x3FB5]  }
0x2d: {  	s3 =	simm.s32 $0x108;
	s8 =	sld [smem:$0x3FB6]  }
0x2e: {  	s3 =	simm.s32 @!p0 $0x1082;
	s9 =	sld [smem:$0x3FB7]  }
0x2f: {  	lr =	sadd.s32 s0, s3;
	s0 =	sld [smem:$0x3FAE]  }
0x30: {  	s3 =	sld [smem:$0x3FB1]  }
0x31: {  	[smem:$0x3FBA] =	sst s10  }
0x32: {  	s10 =	sld [smem:$0x3FB8];
	_ =	sdelay $0x3  }
0x33: {  	p0 =	seq.s32 s10, $0x1;
	s10 =	sld [smem:$0x3FBA];
	_ =	sdelay $0x3  }
0x34: {  	[smem:$0x3FBA] =	sst s10  }
0x35: {  	s10 =	sld [smem:$0x3FB9];
	_ =	sdelay $0x3  }
0x36: {  	p1 =	seq.s32 s10, $0x1;
	s10 =	sld [smem:$0x3FBA];
	_ =	sdelay $0x3  }
0x37: {  	[smem:$0x3FBA] =	sst s10  }
0x38: {  	s10 =	sld [smem:$0x3FBB]  }
0x39: {  	_ = 	snop;
	(pc) =	sbr.ind lr, $3  }
0x3a: {  	_ = 	snop  }
0x3b: {  	_ = 	snop  }
0x3c: {  	p2 =	seq.s32 s10, $0x1;
	s10 =	sld [smem:$0x3FBA]  }
0x3d: {  	_ =	shalt  }
0x3e: {  	_ =	shalt  }
0x3f: {  	_ =	shalt  }
0x40: {  	_ =	shalt  }
0x41: {  	_ =	shalt  }
0x42: {  	_ =	shalt  }
0x43: {  	_ =	shalt  }
0x44: {  	_ =	shalt  }
0x45: {  	_ =	shalt  }
0x46: {  	_ =	shalt  }
0x47: {  	_ =	shalt  }
0x48: {  	_ =	shalt  }
0x49: {  	_ =	shalt  }
0x4a: {  	_ =	shalt  }
0x4b: {  	_ =	shalt  }
0x4c: {  	_ =	shalt  }
0x4d: {  	_ =	shalt  }
0x4e: {  	_ =	shalt  }
0x4f: {  	_ =	shalt  }
0x50: {  	_ =	shalt  }
0x51: {  	_ =	shalt  }
0x52: {  	_ =	shalt  }
0x53: {  	_ =	shalt  }
0x54: {  	_ =	shalt  }
0x55: {  	_ =	shalt  }
0x56: {  	_ =	shalt  }
0x57: {  	_ =	shalt  }
0x58: {  	_ =	shalt  }
0x59: {  	_ =	shalt  }
0x5a: {  	_ =	shalt  }
0x5b: {  	_ =	shalt  }
0x5c: {  	_ =	shalt  }
0x5d: {  	_ =	shalt  }
0x5e: {  	_ =	shalt  }
0x5f: {  	_ =	shalt  }
0x60: {  	_ =	shalt  }
0x61: {  	_ =	shalt  }
0x62: {  	_ =	shalt  }
0x63: {  	_ =	shalt  }
0x64: {  	_ =	shalt  }
0x65: {  	_ =	shalt  }
0x66: {  	_ =	shalt  }
0x67: {  	_ =	shalt  }
0x68: {  	_ =	shalt  }
0x69: {  	_ =	shalt  }
0x6a: {  	_ =	shalt  }
0x6b: {  	_ =	shalt  }
0x6c: {  	_ =	shalt  }
0x6d: {  	_ =	shalt  }
0x6e: {  	_ =	shalt  }
0x6f: {  	_ =	shalt  }
0x70: {  	_ =	shalt  }
0x71: {  	_ =	shalt  }
0x72: {  	_ =	shalt  }
0x73: {  	_ =	shalt  }
0x74: {  	_ =	shalt  }
0x75: {  	_ =	shalt  }
0x76: {  	_ =	shalt  }
0x77: {  	_ =	shalt  }
0x78: {  	_ =	shalt  }
0x79: {  	_ =	shalt  }
0x7a: {  	_ =	shalt  }
0x7b: {  	_ =	shalt  }
0x7c: {  	_ =	shalt  }
0x7d: {  	_ =	shalt  }
0x7e: {  	_ =	shalt  }
0x7f: {  	_ =	shalt  }
0x80: {  	_ =	shalt  }
0x81: {  	_ =	shalt  }
0x82: {  	_ =	shalt  }
0x83: {  	_ =	shalt  }
0x84: {  	_ =	shalt  }
0x85: {  	_ =	shalt  }
0x86: {  	_ =	shalt  }
0x87: {  	_ =	shalt  }
.Lfunc_end0:
.L_simem_size_0:
called_computation.1_lowered:
.L_overlay_start_0:
0x88: {  	s0 =	sld [smem:$0x3FD9]  }
0x89: {  	s1 =	sld [smem:$0x3FFE];
	_ =	sdelay $0x3  }
0x8a: {  	s0 =	sadd.s32 s1, s0  }
0x8b: {  	[smem:$0x3FC6] =	sst s0  }
0x8c: {  	_ = 	snop  }
0x8d: {  	s0 =	sld [smem:$0x3FD0];
	(tm) =	ssettm $0x1  }
0x8e: {  	s16 =	sld [smem:$0x3FFB];
	_ =	sdelay $0x3  }
0x8f: {  	_ =	strace s16  }
0x90: {  	s1 =	sld [smem:$0x3FFC];
	_ =	sdelay $0x3  }
0x91: {  	_ =	strace s1  }
0x92: {  	s1 =	sld [smem:$0x3FFD];
	_ =	sdelay $0x3  }
0x93: {  	_ =	strace s1  }
0x94: {  	_ =	strace $0x8FFFFFFF  }
0x95: {  	s17 =	sld [smem:$0x3FDB];
	_ =	sdelay $0x1  }
0x96: {  	s2 =	simm.s32 $_scs_section_size  }
0x97: {  	s3 =	simm.s32 $_size__tile_overlayer_lowered;
	s4 =	simm.s32 $_tile_overlayer_lowered  }
0x98: {  	s20 =	simm.s32 $0x1BFF;
	s19 =	sshll.u32 s4, $0x1;
	s1 =	sadd.s32 s2, s17  }
0x99: {  	s5 =	simm.s32 $0x0;
	s18 =	sshll.u32 s3, $0x1;
	s3 =	sadd.s32 s19, s1  }
0x9a: {  	[timem:s5], [sflag:s20] =	dma.local [hbm:s3], s18  }
0x9b: {  	_ =	swait.ge [sflag:s20], s18  }
0x9c: {  	s2 =	ssub.s32 $0x0, s18;
	[sflag:s20] =	ssyncset.done $0x0  }
0x9d: {  	[sflag:s20] =	ssyncadd.s32 s2;
	_ =	sdelay $0x1  }
0x9e: {  	s21 =	simm.s32 $0x1B8B  }
0x9f: {  	_ =	swait.ge [sflag:s21], $0x1  }
0xa0: {  	[sflag:s21] =	ssyncset.done $0x0  }
0xa1: {  	s23 =	simm.s32 $0x1B8E;
	s22 =	sld [smem:$0x3FFE];
	[sflag:s21] =	ssyncadd.s32 $0xFFFFFFFF  }
0xa2: {  	s24 =	simm.s32 $execute0_lowered;
	[smem:$0x3FD2] =	sst s23  }
0xa3: {  	s3 =	sshll.u32 s24, $0x1;
	_ =	strace $0x80000055;
	[dreg:$0x1] =	wrdreg $0xFFFFFFFF  }
0xa4: {  	s25 =	simm.s32 $_size_execute0_lowered;
	s1 =	sadd.s32 s1, s3;
	[dreg:$0x0] =	wrdreg $0x0  }
0xa5: {  	s3 =	sshll.u32 s25, $0x1;
	[dreg:$0x2] =	wrdreg s1  }
0xa6: {  	[dreg:$0x3] =	wrdreg s3  }
0xa7: {  	[dreg:$0x4] =	wrdreg $0xC0  }
0xa8: {  	_ =	task [dreg:s5], $0x5FFFF  }
0xa9: {  	[dreg:$0x1] =	wrdreg $0xFFFFFFFF  }
0xaa: {  	[dreg:$0x0] =	wrdreg $0x60  }
0xab: {  	[dreg:$0x2] =	wrdreg s0  }
0xac: {  	[dreg:$0x3] =	wrdreg s22  }
0xad: {  	[dreg:$0x4] =	wrdreg $0x9  }
0xae: {  	_ =	task.clear_ibuf [dreg:s5], $0x5FFFF;
	_ =	strace $0x90000055  }
0xaf: {  	s26 =	simm.s32 $0x9;
	_ =	strace $0x80000057  }
0xb0: {  	_ =	swait.ge [sflag:s26], $0x1  }
0xb1: {  	[sflag:s26] =	ssyncadd.s32 $0xFFFFFFFF  }
0xb2: {  	_ =	strace $0x90000057  }
0xb3: {  	_ =	sfence  }
0xb4: {  	s28 =	sld [smem:$0x0];
	_ =	sdelay $0x1  }
0xb5: {  	s29 =	srdreg.scid  }
0xb6: {  	s30 =	sshll.u32 s29, $0xD;
	s31 =	sshrl.u32 s29, $0x2  }
0xb7: {  	s2 =	sand.u32 $0x4000, s30;
	s1 =	sand.u32 $0x1, s29;
	s0 =	sadd.s32 s31, s28  }
0xb8: {  	s1 =	sor.u32 s2, s1;
	s0 =	sshll.u32 s0, $0x11  }
0xb9: {  	s0 =	sor.u32 s0, s1  }
0xba: {  	s0 =	sadd.s32 $0x8F2B, s0  }
0xbb: {  	[sflag:s0] =	ssyncadd.remote.s32 $0x1  }
0xbc: {  	_ =	sfence.sel $0xFFFF  }
0xbd: {  	[dreg:$0x0] =	wrdreg $0xFFFFFFFF;
	(pc) =	sbr.abs _section_cstart, $3  }
0xbe: {  	[dreg:$0x1] =	wrdreg $0xFFFFFFFF  }
0xbf: {  	_ =	task.clear_ibuf [dreg:s5], $0x2FFFF;
	_ =	strace $0x9FFFFFFF  }
0xc0: {  	(tm) =	ssettm $0x7FFFFFFF  }
0xc1: {  	_ =	shalt  }
tec
execute0_lowered:
.L_overlay_start_1:
0x0: {  	(tag) =	ssettag $0x1  }
0x1: {  	s1 =	rddreg [dreg:$0x0]  }
0x2: {  	s4 =	rddreg [dreg:$0x1]  }
0x3: {  	s0 =	rddreg [dreg:$0x2];
	s3 =	stileid.u32  }
0x4: {  	_ =	strace $0x80000056;
	s6 =	simm.s32 $0x3E;
	p0 =	sne.s32 s3, $0x0  }
0x5: {  	[sflag:s6] =	ssyncpa.u1 $0x0;
	s31 =	smin.u32 s3, $0x2;
	p1 =	slt.u32 s3, $0x2  }
0x6: {  	s3 =	simm.s32 $0x10;
	s5 =	simm.s32 @!p0 $0x1C3E;
	s2 =	simm.s32 @!p0 $0x0  }
0x7: {  	[spmem:s2], [sflag:s5] =	dma.local @!p0 [hbm:s1], $0x10  }
0x8: {  	s3 =	simm.s32 @!p1 $0x0;
	s5 =	sshll.u32 s31, $0x4  }
0x9: {  	s3 =	sadd.s32 s3, s5  }
0xa: {  	s9 =	smin.u32 s3, $0x20  }
0xb: {  	s8 =	ssub.s32 s9, s5  }
0xc: {  	p1 =	sgt.s32 s8, $0x0  }
0xd: {  	s7 =	simm.s32 @!p0 $0x3E;
	s8 =	simm.s32 @!p1 $0x0  }
0xe: {  	_ =	swait.ge @!p0 [sflag:s7], $0x10;
	s10 =	sshrl.u32 s8, $0x4  }
0xf: {  	[sflag:s7] =	ssyncset.done @!p0 $0x0;
	s11 =	sadd.s32 $0x1, s10  }
0x10: {  	p3 =	por $0x0, $0x0;
	[sflag:s7] =	ssyncadd.s32 @!p0 $0xFFFFFFF0;
	p1 =	sne.s32 s11, $0x1  }
.Ltmp0:
0x11: {  	s3 =	simm.s32 $0x1;
	[bflag:$0x0] =	sbarrier.arrive $0xFFFF;
	(pc) =	sbr.rel @!p1 .LBB2_1-.Ltmp0, $4  }
0x12: {  	s7 =	sadd.s32 $0xFC00, s4;
	[sflag:s6] =	ssyncpa.u1 $0x1;
	s6 =	sadd.s32 $0xF800, s4  }
0x13: {  	s4 =	simm.s32 $0x2;
	s8 =	simm.s32 $0x0;
	p2 =	sle.u32 s10, $0x0  }
0x14: {  	[sflag:s3] =	ssyncpa.u1 $0x0;
	(ifvalue) =	ssetifvalue $0x80;
	s12 =	sxor.u32 @!p2 $0xFFFFFFFF, s8  }
0x15: {  	[sflag:s4] =	ssyncpa.u1 $0x0;
	s15 =	sshrl.u32 @!p2 s5, $0x3;
	s16 =	sand.u32 @!p2 $0x10, s12  }
0x16: {  	s12 =	sadd.s32 @!p2 s7, s15  }
0x17: {  	s13 =	sor.u32 @!p2 $0x8, s16;
	s14 =	sand.u32 @!p2 $0x7, s5;
	p1 =	por $0x1, $0x1  }
0x18: {  	[tilespmem:s13], [sflag:$0x2] =	stream.linear.gather @!p2 [hbm4b:s12+s14], $0x10, $0x38;
	[tilespmem:$0x48] =	vst v63  }
0x19: {  	s15 =	sadd.s32 @!p2 s6, s15;
	s12 =	sor.u32 @!p2 $0x28, s16;
	s13 =	simm.s32 @!p1 $0x2  }
0x1a: {  	[tilespmem:s12], [sflag:$0x2] =	stream.linear.gather @!p2 [hbm4b:s15+s14], $0x10, $0x38;
	[tilespmem:$0x48] =	vst v63  }
0x1b: {  	_ =	swait.ge @!p1 [sflag:s13], $0x20  }
0x1c: {  	s8 =	sand.u32 @!p1 $0x10, s8;
	[sflag:s13] =	ssyncset.done @!p1 $0x0  }
0x1d: {  	s12 =	sor.u32 @!p1 $0x8, s8;
	[sflag:s13] =	ssyncadd.s32 @!p1 $0xFFFFFFE0  }
0x1e: {  	v0 =	vld.msk @!p1 [tilespmem:s12+$0x0 ss:$0x1], $0xffff;
	_ =	sdelay $0x3  }
0x1f: {  	p4 =	sne.s32 s11, $0x2  }
.Ltmp1:
0x20: {  	s18 =	simm.s32 @!p1 $0x0;
	s17 =	simm.s32 @!p1 $0x1;
	v0 =	vmin.u32 @!p1 v0, $0x80;
	(pc) =	sbr.rel @!p4 .LBB2_3-.Ltmp1, $4  }
0x21: {  	s15 =	sadd.s32 $0x10, s5;
	p2 =	sle.u32 s10, $0x1;
	s14 =	smov.u32 s5  }
0x22: {  	p3 =	slt.s32 s15, s9;
	s13 =	sor.u32 @!p1 $0x28, s8;
	s8 =	simm.s32 $0x10  }
0x23: {  	s14 =	smov.u32 @p3 s15;
	p3 =	por $0x1, $0x1;
	s16 =	sxor.u32 @!p2 $0xFFFFFFFF, s8  }
0x24: {  	vm0 =	vmmov @!p1 $0xffff;
	s15 =	sshrl.u32 @!p2 s14, $0x3;
	s12 =	simm.s32 $0x2;
	s16 =	sand.u32 @!p2 $0x10, s16  }
.LBB2_4:
0x25: {  	[spmem:s18] =	stream.indirect_vreg.scatter.add.s32 @!p1 [tilespmem:s13], [sflag:$0x1], $0x1, v0, vm0, $0x4038;
	[tilespmem:$0x48] =	vst v63  }
0x26: {  	s13 =	sadd.s32 @!p2 s7, s15;
	s18 =	sor.u32 @!p2 $0x8, s16;
	_ =	swait.ge @!p1 [sflag:s17], $0x10  }
0x27: {  	s19 =	smov.u32 s12;
	s12 =	sadd.s32 $0x1, s12;
	[sflag:s17] =	ssyncset.done @!p1 $0x0  }
0x28: {  	s20 =	sand.u32 @!p2 $0x7, s14;
	[sflag:s17] =	ssyncadd.s32 @!p1 $0xFFFFFFF0;
	p1 =	seq.s32 s8, $0x0  }
0x29: {  	[tilespmem:s18], [sflag:$0x2] =	stream.linear.gather @!p2 [hbm4b:s13+s20], $0x10, $0x38;
	[tilespmem:$0x48] =	vst v63  }
0x2a: {  	s16 =	sor.u32 @!p2 $0x28, s16;
	s17 =	simm.s32 @!p1 $0x2;
	s13 =	sand.u32 @!p1 $0x10, s8  }
0x2b: {  	s15 =	sadd.s32 @!p2 s6, s15;
	s18 =	sor.u32 @!p1 $0x8, s13;
	s13 =	sor.u32 @!p1 $0x28, s13  }
0x2c: {  	[tilespmem:s16], [sflag:$0x2] =	stream.linear.gather @!p2 [hbm4b:s15+s20], $0x10, $0x38;
	[tilespmem:$0x48] =	vst v63  }
0x2d: {  	p4 =	sne.s32 s11, s12;
	_ =	swait.ge @!p1 [sflag:s17], $0x20  }
0x2e: {  	[sflag:s17] =	ssyncset.done @!p1 $0x0  }
0x2f: {  	[sflag:s17] =	ssyncadd.s32 @!p1 $0xFFFFFFE0  }
0x30: {  	v0 =	vld.msk @!p1 [tilespmem:s18+$0x0 ss:$0x1], $0xffff;
	_ =	sdelay $0x5  }
.Ltmp2:
0x31: {  	s8 =	sadd.s32 $0x10, s8;
	v0 =	vmin.u32 @!p1 v0, $0x80;
	(pc) =	sbr.rel @p4 .LBB2_4-.Ltmp2, $4  }
0x32: {  	vm0 =	vmmov @!p1 $0xffff;
	s15 =	sadd.s32 $0x10, s14;
	p2 =	sge.u32 s19, s10;
	s18 =	simm.s32 @!p1 $0x0  }
0x33: {  	s14 =	smov.u32 s5;
	p5 =	slt.s32 s15, s9;
	s17 =	simm.s32 @!p1 $0x1  }
0x34: {  	s16 =	sxor.u32 @!p2 $0xFFFFFFFF, s8;
	s14 =	smov.u32 @p5 s15  }
0x35: {  	s16 =	sand.u32 @!p2 $0x10, s16;
	s15 =	sshrl.u32 @!p2 s14, $0x3  }
0x36: {  	s5 =	smov.u32 s14  }
.LBB2_6:
0x37: {  	_ =	sdelay $0x2  }
0x38: {  	p3 =	por p1, !p3  }
0x39: {  	[spmem:s18] =	stream.indirect_vreg.scatter.add.s32 @!p3 [tilespmem:s13], [sflag:$0x1], $0x1, v0, vm0, $0x4038;
	[tilespmem:$0x48] =	vst v63  }
0x3a: {  	_ =	swait.ge @!p3 [sflag:s17], $0x10  }
0x3b: {  	s7 =	sadd.s32 @!p2 s7, s15;
	s9 =	sor.u32 @!p2 $0x8, s16;
	[sflag:s17] =	ssyncset.done @!p3 $0x0  }
0x3c: {  	s5 =	sand.u32 @!p2 $0x7, s5;
	p1 =	seq.s32 s8, $0x0;
	[sflag:s17] =	ssyncadd.s32 @!p3 $0xFFFFFFF0  }
0x3d: {  	[tilespmem:s9], [sflag:$0x2] =	stream.linear.gather @!p2 [hbm4b:s7+s5], $0x10, $0x38;
	[tilespmem:$0x48] =	vst v63  }
0x3e: {  	s6 =	sadd.s32 @!p2 s6, s15;
	s7 =	sor.u32 @!p2 $0x28, s16;
	s9 =	simm.s32 @!p1 $0x2  }
0x3f: {  	[tilespmem:s7], [sflag:$0x2] =	stream.linear.gather @!p2 [hbm4b:s6+s5], $0x10, $0x38;
	[tilespmem:$0x48] =	vst v63  }
0x40: {  	_ =	swait.ge @!p1 [sflag:s9], $0x20  }
0x41: {  	s5 =	sand.u32 @!p1 $0x10, s8;
	[sflag:s9] =	ssyncset.done @!p1 $0x0  }
0x42: {  	s6 =	sor.u32 @!p1 $0x8, s5;
	[sflag:s9] =	ssyncadd.s32 @!p1 $0xFFFFFFE0  }
0x43: {  	v0 =	vld.msk @!p1 [tilespmem:s6+$0x0 ss:$0x1], $0xffff;
	_ =	sdelay $0x4  }
0x44: {  	v0 =	vmin.u32 @!p1 v0, $0x80;
	_ =	sdelay $0x3  }
0x45: {  	vm0 =	vmmov @!p1 $0xffff;
	s7 =	simm.s32 @!p1 $0x1;
	s5 =	sor.u32 @!p1 $0x28, s5;
	s6 =	simm.s32 @!p1 $0x0  }
0x46: {  	[spmem:s6] =	stream.indirect_vreg.scatter.add.s32 @!p1 [tilespmem:s5], [sflag:$0x1], $0x1, v0, vm0, $0x4038;
	[tilespmem:$0x48] =	vst v63  }
0x47: {  	_ =	swait.ge @!p1 [sflag:s7], $0x10  }
0x48: {  	[sflag:s7] =	ssyncset.done @!p1 $0x0  }
0x49: {  	[sflag:s7] =	ssyncadd.s32 @!p1 $0xFFFFFFF0  }
0x4a: {  	_ =	sfence.sel $0x180000  }
0x4b: {  	[bflag:$0x0] =	sbarrier.arrive $0xFFFF  }
0x4c: {  	[sflag:s4] =	ssyncpa.u1 $0x1  }
0x4d: {  	[sflag:s3] =	ssyncpa.u1 $0x1  }
0x4e: {  	_ =	sfence.stream.spmem  }
0x4f: {  	s31 =	simm.s32 $0x3D;
	[bflag:$0x0] =	sbarrier.arrive $0xFFFF  }
0x50: {  	s3 =	simm.s32 @p0 $0x3D;
	[sflag:s31] =	ssyncpa.u1 $0x0  }
0x51: {  	[sflag:s3] =	ssyncpa.u1 @p0 $0x1  }
0x52: {  	[bflag:$0x0] =	sbarrier.arrive @p0 $0xFFFF  }
0x53: {  	_ =	strace @p0 $0x90000056  }
0x54: {  	s3 =	simm.s32 @!p0 $0x1C3D;
	[bflag:$0x2] =	sbarrier.arrive @p0 $0xFFFF  }
0x55: {  	[hbm:s1], [sflag:s3] =	dma.local @!p0 [spmem:s2], $0x10  }
0x56: {  	s1 =	simm.s32 @!p0 $0x3D  }
0x57: {  	_ =	swait.ge @!p0 [sflag:s1], $0x10  }
0x58: {  	[sflag:s1] =	ssyncset.done @!p0 $0x0  }
0x59: {  	[sflag:s1] =	ssyncadd.s32 @!p0 $0xFFFFFFF0  }
0x5a: {  	[sflag:s1] =	ssyncpa.u1 @!p0 $0x1  }
0x5b: {  	[bflag:$0x0] =	sbarrier.arrive @!p0 $0xFFFF  }
0x5c: {  	_ =	strace @!p0 $0x90000056  }
0x5d: {  	s0 =	sadd.s32 @!p0 $0x100000, s0;
	[bflag:$0x2] =	sbarrier.arrive @!p0 $0xFFFF  }
0x5e: {  	[sflag:s0] =	ssyncadd.tile.s32 @!p0 $0x1;
	_ =	shalt  }
.LBB2_1:
.Ltmp3:
0x5f: {  	(pc) =	sbr.rel .LBB2_6-.Ltmp3, $2  }
0x60: {  	_ =	sdelay $0x2  }
0x61: {  	_ = 	snop  }
.LBB2_3:
.Ltmp4:
0x62: {  	(pc) =	sbr.rel .LBB2_6-.Ltmp4, $2  }
0x63: {  	_ =	sdelay $0x2  }
0x64: {  	s5 =	smov.u32 s14  }
.Lfunc_end2:
_tile_overlayer_lowered:
.L_overlay_start_2:
0x65: {  	(tag) =	ssettag $0x2  }
0x66: {  	s0 =	rddreg [dreg:$0x0];
	s2 =	stileid.u32  }
0x67: {  	s1 =	rddreg [dreg:$0x1];
	p0 =	sne.s32 s2, $0x0  }
0x68: {  	s3 =	rddreg [dreg:$0x2];
	[bflag:$0x3] =	sbarrier.arrive $0xFFFF;
	s2 =	simm.s32 @!p0 $0x1C01  }
0x69: {  	[timem:s3], [sflag:s2] =	dma.local @!p0 [hbm:s0], s1  }
0x6a: {  	s0 =	simm.s32 @!p0 $0x1  }
0x6b: {  	_ =	swait.ge @!p0 [sflag:s0], s1  }
0x6c: {  	s1 =	ssub.s32 @!p0 $0x0, s1;
	[sflag:s0] =	ssyncset.done @!p0 $0x0  }
0x6d: {  	[sflag:s0] =	ssyncadd.s32 @!p0 s1  }
0x6e: {  	[bflag:$0x3] =	sbarrier.arrive $0xFFFF  }
0x6f: {  	_ =	shalt  }

// kernel: scatter_offload_async_start
scs
__scs_entry_jumppad:
0x0: {  	(pc) =	sbr.rel $0x88, $3  }
0x1: {  	(tag) =	ssettag $0x0;
	lr =	simm.s32 $0x1  }
0x2: {  	[smem:$0x3F9F] =	sst lr;
	_ =	strace $0xD0000000  }
0x3: {  	_ = 	snop  }
0x4: {  	_ = 	snop  }
0x5: {  	_ = 	snop  }
0x6: {  	_ = 	snop  }
0x7: {  	_ = 	snop  }
__scs_overlays_trampoline_lowered:
0x8: {  	[smem:$0x3FAE] =	sst s0  }
0x9: {  	[smem:$0x3FAF] =	sst s1  }
0xa: {  	[smem:$0x3FB0] =	sst s2  }
0xb: {  	[smem:$0x3FB1] =	sst s3  }
0xc: {  	[smem:$0x3FB2] =	sst s4  }
0xd: {  	[smem:$0x3FB3] =	sst s5  }
0xe: {  	[smem:$0x3FB4] =	sst s6  }
0xf: {  	[smem:$0x3FB5] =	sst s7  }
0x10: {  	[smem:$0x3FB6] =	sst s8  }
0x11: {  	[smem:$0x3FB7] =	sst s9;
	s0 =	simm.s32 @!p0 $0x0  }
0x12: {  	s1 =	sld [smem:$0x3F9D];
	s0 =	simm.s32 @p0 $0x1  }
0x13: {  	[smem:$0x3FB8] =	sst s0;
	s0 =	simm.s32 @!p1 $0x0  }
0x14: {  	s2 =	sld [smem:$0x3F9C];
	s0 =	simm.s32 @p1 $0x1  }
0x15: {  	[smem:$0x3FB9] =	sst s0;
	s0 =	simm.s32 @!p2 $0x0  }
0x16: {  	s3 =	sld [smem:$0x3FDB];
	s0 =	simm.s32 @p2 $0x1  }
0x17: {  	s4 =	simm.s32 $0x1BF5;
	[smem:$0x3FBB] =	sst s0  }
0x18: {  	s0 =	sld [smem:$0x3F9E];
	_ =	swait.ge [sflag:s4], $0x0  }
0x19: {  	s7 =	sld [smem:$0x3F9F]  }
0x1a: {  	s8 =	sadd.s32 $0xFFFFE003, lr  }
0x1b: {  	s9 =	sadd.s32 $0xFFFFFEF7, lr;
	s5 =	simm.s32 $0xFFFFFFFF;
	p2 =	slt.u32 s8, $0xFFFFF086  }
0x1c: {  	p1 =	slt.u32 s9, $0xF7A;
	s5 =	simm.s32 @!p2 $0x0  }
0x1d: {  	s5 =	simm.s32 @p1 $0x1;
	p0 =	seq.s32 s7, s2  }
0x1e: {  	s7 =	smul.u32 @!p0 $0xF7A, s2;
	p2 =	seq.s32 @!p0 s5, $0x0  }
0x1f: {  	s9 =	smul.u32 $0xF7A, s1;
	s8 =	simm.s32 @!p0 $0x1BF5;
	p2 =	por !p2, p0  }
0x20: {  	[sflag:s8] =	ssyncset.s32 @!p0 $0xFFFFF086;
	s6 =	sadd.s32 @!p0 s3, s7;
	s7 =	simm.s32 @!p0 $0x108  }
0x21: {  	s3 =	sadd.s32 s3, s9;
	s6 =	sadd.s32 @!p0 $0x88, s6;
	s7 =	simm.s32 @p2 $0x1082  }
0x22: {  	[simem:s7], [sflag:s8] =	dma.local @!p0 [hbm:s6], $0xF7A  }
0x23: {  	s9 =	sor.u32 $0xD0000000, s2;
	s6 =	simm.s32 $0x108;
	_ =	swait.ge @!p0 [sflag:s8], $0x0  }
0x24: {  	s3 =	sadd.s32 $0x88, s3;
	s6 =	simm.s32 @!p1 $0x1082;
	[sflag:s4] =	ssyncset.s32 $0xFFFFF086  }
0x25: {  	[simem:s6], [sflag:s4] =	dma.local [hbm:s3], $0xF7A  }
0x26: {  	[smem:$0x3F9F] =	sst s1;
	(tag) =	ssettag s2;
	_ =	strace s9  }
0x27: {  	s1 =	sld [smem:$0x3FAF]  }
0x28: {  	s2 =	sld [smem:$0x3FB0]  }
0x29: {  	s4 =	sld [smem:$0x3FB2]  }
0x2a: {  	p0 =	seq.s32 s5, $0x0;
	s5 =	sld [smem:$0x3FB3]  }
0x2b: {  	s6 =	sld [smem:$0x3FB4]  }
0x2c: {  	s7 =	sld [smem:$0x3FB5]  }
0x2d: {  	s3 =	simm.s32 $0x108;
	s8 =	sld [smem:$0x3FB6]  }
0x2e: {  	s3 =	simm.s32 @!p0 $0x1082;
	s9 =	sld [smem:$0x3FB7]  }
0x2f: {  	lr =	sadd.s32 s0, s3;
	s0 =	sld [smem:$0x3FAE]  }
0x30: {  	s3 =	sld [smem:$0x3FB1]  }
0x31: {  	[smem:$0x3FBA] =	sst s10  }
0x32: {  	s10 =	sld [smem:$0x3FB8];
	_ =	sdelay $0x3  }
0x33: {  	p0 =	seq.s32 s10, $0x1;
	s10 =	sld [smem:$0x3FBA];
	_ =	sdelay $0x3  }
0x34: {  	[smem:$0x3FBA] =	sst s10  }
0x35: {  	s10 =	sld [smem:$0x3FB9];
	_ =	sdelay $0x3  }
0x36: {  	p1 =	seq.s32 s10, $0x1;
	s10 =	sld [smem:$0x3FBA];
	_ =	sdelay $0x3  }
0x37: {  	[smem:$0x3FBA] =	sst s10  }
0x38: {  	s10 =	sld [smem:$0x3FBB]  }
0x39: {  	_ = 	snop;
	(pc) =	sbr.ind lr, $3  }
0x3a: {  	_ = 	snop  }
0x3b: {  	_ = 	snop  }
0x3c: {  	p2 =	seq.s32 s10, $0x1;
	s10 =	sld [smem:$0x3FBA]  }
0x3d: {  	_ =	shalt  }
0x3e: {  	_ =	shalt  }
0x3f: {  	_ =	shalt  }
0x40: {  	_ =	shalt  }
0x41: {  	_ =	shalt  }
0x42: {  	_ =	shalt  }
0x43: {  	_ =	shalt  }
0x44: {  	_ =	shalt  }
0x45: {  	_ =	shalt  }
0x46: {  	_ =	shalt  }
0x47: {  	_ =	shalt  }
0x48: {  	_ =	shalt  }
0x49: {  	_ =	shalt  }
0x4a: {  	_ =	shalt  }
0x4b: {  	_ =	shalt  }
0x4c: {  	_ =	shalt  }
0x4d: {  	_ =	shalt  }
0x4e: {  	_ =	shalt  }
0x4f: {  	_ =	shalt  }
0x50: {  	_ =	shalt  }
0x51: {  	_ =	shalt  }
0x52: {  	_ =	shalt  }
0x53: {  	_ =	shalt  }
0x54: {  	_ =	shalt  }
0x55: {  	_ =	shalt  }
0x56: {  	_ =	shalt  }
0x57: {  	_ =	shalt  }
0x58: {  	_ =	shalt  }
0x59: {  	_ =	shalt  }
0x5a: {  	_ =	shalt  }
0x5b: {  	_ =	shalt  }
0x5c: {  	_ =	shalt  }
0x5d: {  	_ =	shalt  }
0x5e: {  	_ =	shalt  }
0x5f: {  	_ =	shalt  }
0x60: {  	_ =	shalt  }
0x61: {  	_ =	shalt  }
0x62: {  	_ =	shalt  }
0x63: {  	_ =	shalt  }
0x64: {  	_ =	shalt  }
0x65: {  	_ =	shalt  }
0x66: {  	_ =	shalt  }
0x67: {  	_ =	shalt  }
0x68: {  	_ =	shalt  }
0x69: {  	_ =	shalt  }
0x6a: {  	_ =	shalt  }
0x6b: {  	_ =	shalt  }
0x6c: {  	_ =	shalt  }
0x6d: {  	_ =	shalt  }
0x6e: {  	_ =	shalt  }
0x6f: {  	_ =	shalt  }
0x70: {  	_ =	shalt  }
0x71: {  	_ =	shalt  }
0x72: {  	_ =	shalt  }
0x73: {  	_ =	shalt  }
0x74: {  	_ =	shalt  }
0x75: {  	_ =	shalt  }
0x76: {  	_ =	shalt  }
0x77: {  	_ =	shalt  }
0x78: {  	_ =	shalt  }
0x79: {  	_ =	shalt  }
0x7a: {  	_ =	shalt  }
0x7b: {  	_ =	shalt  }
0x7c: {  	_ =	shalt  }
0x7d: {  	_ =	shalt  }
0x7e: {  	_ =	shalt  }
0x7f: {  	_ =	shalt  }
0x80: {  	_ =	shalt  }
0x81: {  	_ =	shalt  }
0x82: {  	_ =	shalt  }
0x83: {  	_ =	shalt  }
0x84: {  	_ =	shalt  }
0x85: {  	_ =	shalt  }
0x86: {  	_ =	shalt  }
0x87: {  	_ =	shalt  }
.Lfunc_end0:
.L_simem_size_0:
called_computation_lowered:
.L_overlay_start_0:
0x88: {  	s0 =	sld [smem:$0x3FD9]  }
0x89: {  	s1 =	sld [smem:$0x3FFE];
	_ =	sdelay $0x3  }
0x8a: {  	s0 =	sadd.s32 s1, s0  }
0x8b: {  	[smem:$0x3FC6] =	sst s0  }
0x8c: {  	_ = 	snop  }
0x8d: {  	s14 =	sld [smem:$0x3FD0];
	(tm) =	ssettm $0x1  }
0x8e: {  	s15 =	sld [smem:$0x3FFB];
	_ =	sdelay $0x3  }
0x8f: {  	_ =	strace s15  }
0x90: {  	s0 =	sld [smem:$0x3FFC];
	_ =	sdelay $0x3  }
0x91: {  	_ =	strace s0  }
0x92: {  	s0 =	sld [smem:$0x3FFD];
	_ =	sdelay $0x3  }
0x93: {  	_ =	strace s0  }
0x94: {  	_ =	strace $0x8FFFFFFF  }
0x95: {  	s16 =	sld [smem:$0x3FDB];
	_ =	sdelay $0x1  }
0x96: {  	s2 =	simm.s32 $_scs_section_size  }
0x97: {  	s3 =	simm.s32 $_size__tile_overlayer_lowered;
	s4 =	simm.s32 $_tile_overlayer_lowered  }
0x98: {  	s5 =	simm.s32 $0x1BFF;
	s17 =	sshll.u32 s4, $0x1;
	s2 =	sadd.s32 s2, s16  }
0x99: {  	s18 =	simm.s32 $0x0;
	s3 =	sshll.u32 s3, $0x1;
	s4 =	sadd.s32 s17, s2  }
0x9a: {  	[timem:s18], [sflag:s5] =	dma.local [hbm:s4], s3  }
0x9b: {  	_ =	swait.ge [sflag:s5], s3  }
0x9c: {  	s3 =	ssub.s32 $0x0, s3;
	[sflag:s5] =	ssyncset.done $0x0  }
0x9d: {  	[sflag:s5] =	ssyncadd.s32 s3;
	_ =	sdelay $0x1  }
0x9e: {  	s19 =	simm.s32 $0x1B8B  }
0x9f: {  	_ =	swait.ge [sflag:s19], $0x1  }
0xa0: {  	[sflag:s19] =	ssyncset.done $0x0  }
0xa1: {  	s21 =	simm.s32 $0x1B8E;
	s20 =	sld [smem:$0x3FFE];
	[sflag:s19] =	ssyncadd.s32 $0xFFFFFFFF  }
0xa2: {  	s22 =	simm.s32 $execute0_lowered;
	[smem:$0x3FD2] =	sst s21  }
0xa3: {  	s4 =	sshll.u32 s22, $0x1;
	_ =	strace $0x8000004C;
	[dreg:$0x1] =	wrdreg $0xFFFFFFFF  }
0xa4: {  	s23 =	simm.s32 $_size_execute0_lowered;
	s4 =	sadd.s32 s2, s4;
	[dreg:$0x0] =	wrdreg $0x0  }
0xa5: {  	s5 =	sshll.u32 s23, $0x1;
	[dreg:$0x2] =	wrdreg s4  }
0xa6: {  	[dreg:$0x3] =	wrdreg s5  }
0xa7: {  	[dreg:$0x4] =	wrdreg $0xC0  }
0xa8: {  	s24 =	simm.s32 $execute1_lowered;
	_ =	task [dreg:s18], $0x5FFFF  }
0xa9: {  	s4 =	sshll.u32 s24, $0x1;
	[dreg:$0x1] =	wrdreg $0xFFFFFFFF  }
0xaa: {  	s2 =	sadd.s32 s2, s4;
	[dreg:$0x0] =	wrdreg $0x60  }
0xab: {  	[dreg:$0x2] =	wrdreg s2  }
0xac: {  	[dreg:$0x3] =	wrdreg s14  }
0xad: {  	[dreg:$0x4] =	wrdreg s20  }
0xae: {  	[dreg:$0x5] =	wrdreg $0x9  }
0xaf: {  	_ =	task.clear_ibuf [dreg:s18], $0x6FFFF;
	_ =	strace $0x9000004C  }
0xb0: {  	s25 =	simm.s32 $0x9;
	_ =	strace $0x8000004E  }
0xb1: {  	_ =	swait.ge [sflag:s25], $0x1  }
0xb2: {  	[sflag:s25] =	ssyncadd.s32 $0xFFFFFFFF  }
0xb3: {  	_ =	strace $0x9000004E  }
0xb4: {  	_ =	strace $0x8000004F;
	[dreg:$0x1] =	wrdreg $0xFFFFFFFF  }
0xb5: {  	[dreg:$0x0] =	wrdreg $0x2030  }
0xb6: {  	[dreg:$0x2] =	wrdreg s20  }
0xb7: {  	[dreg:$0x3] =	wrdreg $0xA  }
0xb8: {  	_ =	task.clear_ibuf [dreg:s18], $0x4FFFF;
	_ =	strace $0x9000004F  }
0xb9: {  	s26 =	simm.s32 $0xA;
	_ =	strace $0x80000051  }
0xba: {  	_ =	swait.ge [sflag:s26], $0x1  }
0xbb: {  	[sflag:s26] =	ssyncadd.s32 $0xFFFFFFFF  }
0xbc: {  	_ =	strace $0x90000051  }
0xbd: {  	_ =	sfence  }
0xbe: {  	s28 =	sld [smem:$0x0];
	_ =	sdelay $0x1  }
0xbf: {  	s29 =	srdreg.scid  }
0xc0: {  	s30 =	sshll.u32 s29, $0xD;
	s31 =	sshrl.u32 s29, $0x2  }
0xc1: {  	s3 =	sand.u32 $0x4000, s30;
	s2 =	sand.u32 $0x1, s29;
	s1 =	sadd.s32 s31, s28  }
0xc2: {  	s2 =	sor.u32 s3, s2;
	s1 =	sshll.u32 s1, $0x11  }
0xc3: {  	s1 =	sor.u32 s1, s2  }
0xc4: {  	s1 =	sadd.s32 $0x8F2B, s1  }
0xc5: {  	[sflag:s1] =	ssyncadd.remote.s32 $0x1  }
0xc6: {  	_ =	sfence.sel $0xFFFF  }
0xc7: {  	[dreg:$0x0] =	wrdreg $0xFFFFFFFF;
	(pc) =	sbr.abs _section_cstart, $3  }
0xc8: {  	[dreg:$0x1] =	wrdreg $0xFFFFFFFF  }
0xc9: {  	_ =	task.clear_ibuf [dreg:s18], $0x2FFFF;
	_ =	strace $0x9FFFFFFF  }
0xca: {  	(tm) =	ssettm $0x7FFFFFFF  }
0xcb: {  	_ =	shalt  }
tec
execute0_lowered:
.L_overlay_start_1:
0x0: {  	(tag) =	ssettag $0x1  }
0x1: {  	s3 =	rddreg [dreg:$0x0]  }
0x2: {  	s6 =	rddreg [dreg:$0x1]  }
0x3: {  	s5 =	rddreg [dreg:$0x2]  }
0x4: {  	s0 =	rddreg [dreg:$0x3];
	s2 =	stileid.u32;
	s1 =	simm.s32 $_size_execute1_lowered  }
0x5: {  	[bflag:$0x3] =	sbarrier.arrive $0xFFFF;
	p0 =	sne.s32 s2, $0x0;
	s1 =	sshll.u32 s1, $0x1  }
0x6: {  	s31 =	sshll.u32 s2, $0x3;
	s4 =	simm.s32 @!p0 $0x1C3F;
	s7 =	simm.s32 @!p0 $0x4060  }
0x7: {  	[timem:s7], [sflag:s4] =	dma.local @!p0 [hbm:s3], s1  }
0x8: {  	s7 =	ssub.s32 $0x20, s31  }
0x9: {  	p1 =	sgt.s32 s7, $0x0  }
0xa: {  	s7 =	simm.s32 @!p1 $0x0  }
0xb: {  	s7 =	sand.u32 $0x78, s7  }
0xc: {  	s10 =	simm.s32 $0x3;
	p1 =	sne.s32 s7, $0x0  }
0xd: {  	s10 =	simm.s32 @!p1 $0x2  }
0xe: {  	p3 =	sne.s32 s10, $0x1  }
.Ltmp0:
0xf: {  	s9 =	simm.s32 $0x0;
	s8 =	simm.s32 $0x1;
	(pc) =	sbr.rel @!p3 .LBB2_1-.Ltmp0, $4  }
0x10: {  	s13 =	simm.s32 $0xFFFFFFFF;
	s5 =	sadd.s32 $0xFA00, s5;
	s6 =	sadd.s32 s2, s6  }
0x11: {  	s3 =	simm.s32 $0x1;
	_ =	strace $0x8000004D;
	s7 =	simm.s32 $0x1  }
0x12: {  	s4 =	simm.s32 $0x2;
	[sflag:s3] =	ssyncpa.u1 $0x0;
	s7 =	simm.s32 @!p1 $0x0  }
0x13: {  	[sflag:s4] =	ssyncpa.u1 $0x0;
	p1 =	por $0x0, $0x0;
	p2 =	sle.u32 s7, $0x0  }
0x14: {  	p1 =	sle.u32 s7, $0xFFFFFFFF  }
0x15: {  	s11 =	simm.s32 @!p2 $0x8;
	s12 =	simm.s32 @!p2 $0x0;
	s13 =	simm.s32 @!p1 $0x1  }
0x16: {  	[tilespmem:s11], [sflag:$0x1] =	stream.linear.gather @!p2 [hbm4b:s6+s12], $0x8, $0x38;
	[tilespmem:$0x20] =	vst v63  }
0x17: {  	_ =	swait.ge @!p1 [sflag:s13], $0x8  }
0x18: {  	[sflag:s13] =	ssyncset.done @!p1 $0x0  }
0x19: {  	s9 =	sand.u32 @!p1 $0x8, s9;
	[sflag:s13] =	ssyncadd.s32 @!p1 $0xFFFFFFF8  }
0x1a: {  	v0 =	vld.msk @!p1 [tilespmem:s9+$0x0], $0xff;
	_ =	sdelay $0x2  }
0x1b: {  	p4 =	sne.s32 s10, $0x2  }
.Ltmp1:
0x1c: {  	p3 =	por $0x1, $0x1;
	s9 =	sor.u32 @!p1 $0x10, s9;
	(pc) =	sbr.rel @!p4 .LBB2_4-.Ltmp1, $4  }
0x1d: {  	s11 =	simm.s32 $0x2;
	s12 =	sadd.s32 @!p1 s5, s2;
	s13 =	simm.s32 @!p1 $0x0;
	[tilespmem:s9+$0x0] =	vst.msk @!p1 $0xff, v0  }
0x1e: {  	[hbm4b:s12+s13] =	stream.linear.scatter @!p1 [tilespmem:s9], [sflag:$0x2], $0x8, $0x38;
	[tilespmem:$0x20] =	vst v63  }
0x1f: {  	p2 =	sle.u32 s7, $0x1;
	s12 =	simm.s32 @!p3 $0x2;
	s9 =	simm.s32 $0x8  }
0x20: {  	s13 =	simm.s32 $0x0;
	p1 =	por $0x1, $0x1;
	_ =	swait.ge @!p3 [sflag:s12], $0x8  }
.LBB2_3:
0x21: {  	s14 =	simm.s32 @!p2 $0x8;
	p4 =	sge.u32 s13, s7;
	[sflag:s12] =	ssyncset.done @!p3 $0x0  }
0x22: {  	s13 =	simm.s32 @!p2 $0x0;
	s15 =	simm.s32 @!p4 $0x1;
	[sflag:s12] =	ssyncadd.s32 @!p3 $0xFFFFFFF8  }
0x23: {  	[tilespmem:s14], [sflag:$0x1] =	stream.linear.gather @!p2 [hbm4b:s6+s13], $0x8, $0x38;
	[tilespmem:$0x20] =	vst v63  }
0x24: {  	s13 =	smov.u32 s11;
	s11 =	sadd.s32 $0x1, s11;
	_ =	swait.ge @!p4 [sflag:s15], $0x8  }
0x25: {  	s12 =	sand.u32 @!p4 $0x8, s9;
	p5 =	sne.s32 s11, s10;
	[sflag:s15] =	ssyncset.done @!p4 $0x0  }
0x26: {  	[sflag:s15] =	ssyncadd.s32 @!p4 $0xFFFFFFF8  }
0x27: {  	v0 =	vld.msk @!p4 [tilespmem:s12+$0x0], $0xff;
	_ =	sdelay $0x2  }
.Ltmp2:
0x28: {  	s14 =	sor.u32 @!p4 $0x10, s12;
	(pc) =	sbr.rel @p5 .LBB2_3-.Ltmp2, $4  }
0x29: {  	s16 =	simm.s32 @!p4 $0x0;
	p3 =	slt.u32 s8, $0x2;
	s15 =	sadd.s32 @!p4 s5, s2  }
0x2a: {  	s9 =	sadd.s32 $0x8, s9;
	s8 =	smov.u32 s13;
	s12 =	simm.s32 @!p3 $0x2;
	[tilespmem:s14+$0x0] =	vst.msk @!p4 $0xff, v0  }
0x2b: {  	[hbm4b:s15+s16] =	stream.linear.scatter @!p4 [tilespmem:s14], [sflag:$0x2], $0x8, $0x38;
	[tilespmem:$0x20] =	vst v63  }
0x2c: {  	p2 =	sge.u32 s8, s7;
	s13 =	sadd.s32 $0xFFFFFFFF, s8;
	_ =	swait.ge @!p3 [sflag:s12], $0x8  }
.LBB2_4:
0x2d: {  	p3 =	por p3, !p1  }
0x2e: {  	s10 =	simm.s32 @!p2 $0x8;
	p1 =	sge.u32 s13, s7;
	[sflag:s12] =	ssyncset.done @!p3 $0x0  }
0x2f: {  	s7 =	simm.s32 @!p2 $0x0;
	s11 =	simm.s32 @!p1 $0x1;
	[sflag:s12] =	ssyncadd.s32 @!p3 $0xFFFFFFF8  }
0x30: {  	[tilespmem:s10], [sflag:$0x1] =	stream.linear.gather @!p2 [hbm4b:s6+s7], $0x8, $0x38;
	[tilespmem:$0x20] =	vst v63  }
0x31: {  	_ =	swait.ge @!p1 [sflag:s11], $0x8  }
0x32: {  	[sflag:s11] =	ssyncset.done @!p1 $0x0  }
0x33: {  	s6 =	sand.u32 @!p1 $0x8, s9;
	[sflag:s11] =	ssyncadd.s32 @!p1 $0xFFFFFFF8  }
0x34: {  	v0 =	vld.msk @!p1 [tilespmem:s6+$0x0], $0xff;
	_ =	sdelay $0x3  }
0x35: {  	p2 =	slt.u32 s8, $0x2;
	s6 =	sor.u32 @!p1 $0x10, s6  }
0x36: {  	s2 =	sadd.s32 @!p1 s5, s2;
	s5 =	simm.s32 @!p1 $0x0;
	s7 =	simm.s32 @!p2 $0x2;
	[tilespmem:s6+$0x0] =	vst.msk @!p1 $0xff, v0  }
0x37: {  	[hbm4b:s2+s5] =	stream.linear.scatter @!p1 [tilespmem:s6], [sflag:$0x2], $0x8, $0x38;
	[tilespmem:$0x20] =	vst v63  }
0x38: {  	_ =	swait.ge @!p2 [sflag:s7], $0x8  }
0x39: {  	[sflag:s7] =	ssyncset.done @!p2 $0x0  }
0x3a: {  	[sflag:s7] =	ssyncadd.s32 @!p2 $0xFFFFFFF8  }
0x3b: {  	_ =	sfence.sel $0x180000  }
0x3c: {  	[bflag:$0x0] =	sbarrier.arrive $0xFFFF  }
0x3d: {  	[sflag:s3] =	ssyncpa.u1 $0x1  }
0x3e: {  	[sflag:s4] =	ssyncpa.u1 $0x1  }
0x3f: {  	_ =	strace $0x9000004D  }
0x40: {  	s0 =	sadd.s32 @!p0 $0x100000, s0;
	[bflag:$0x2] =	sbarrier.arrive $0xFFFF  }
0x41: {  	[sflag:s0] =	ssyncadd.tile.s32 @!p0 $0x1;
	s0 =	simm.s32 @!p0 $0x3F  }
0x42: {  	_ =	swait.ge @!p0 [sflag:s0], s1  }
0x43: {  	s1 =	ssub.s32 @!p0 $0x0, s1;
	[sflag:s0] =	ssyncset.done @!p0 $0x0  }
0x44: {  	[sflag:s0] =	ssyncadd.s32 @!p0 s1  }
0x45: {  	[bflag:$0x3] =	sbarrier.arrive $0xFFFF  }
0x46: {  	_ =	shalt  }
.LBB2_1:
.Ltmp3:
0x47: {  	(pc) =	sbr.rel .LBB2_4-.Ltmp3, $2  }
0x48: {  	_ =	sdelay $0x2  }
0x49: {  	s8 =	simm.s32 $0x0  }
.Lfunc_end2:
execute1_lowered:
.L_overlay_start_2:
0x4a: {  	(tag) =	ssettag $0x2  }
0x4b: {  	s4 =	rddreg [dreg:$0x0]  }
0x4c: {  	s0 =	rddreg [dreg:$0x1];
	_ =	strace $0x80000050;
	s3 =	stileid.u32  }
0x4d: {  	s6 =	simm.s32 $0x3E;
	s1 =	sadd.s32 $0xFA00, s4;
	p0 =	sne.s32 s3, $0x0  }
0x4e: {  	[sflag:s6] =	ssyncpa.u1 $0x0;
	s31 =	smin.u32 s3, $0x2;
	p1 =	slt.u32 s3, $0x2  }
0x4f: {  	s3 =	simm.s32 $0x10;
	s5 =	simm.s32 @!p0 $0x1C3E;
	s2 =	simm.s32 @!p0 $0x0  }
0x50: {  	[spmem:s2], [sflag:s5] =	dma.local @!p0 [hbm:s1], $0x10  }
0x51: {  	s3 =	simm.s32 @!p1 $0x0;
	s5 =	sshll.u32 s31, $0x4  }
0x52: {  	s3 =	sadd.s32 s3, s5  }
0x53: {  	s9 =	smin.u32 s3, $0x20  }
0x54: {  	s8 =	ssub.s32 s9, s5  }
0x55: {  	p1 =	sgt.s32 s8, $0x0  }
0x56: {  	s7 =	simm.s32 @!p0 $0x3E;
	s8 =	simm.s32 @!p1 $0x0  }
0x57: {  	_ =	swait.ge @!p0 [sflag:s7], $0x10;
	s10 =	sshrl.u32 s8, $0x4  }
0x58: {  	[sflag:s7] =	ssyncset.done @!p0 $0x0;
	s11 =	sadd.s32 $0x1, s10  }
0x59: {  	p3 =	por $0x0, $0x0;
	[sflag:s7] =	ssyncadd.s32 @!p0 $0xFFFFFFF0;
	p1 =	sne.s32 s11, $0x1  }
.Ltmp4:
0x5a: {  	s3 =	simm.s32 $0x1;
	[bflag:$0x0] =	sbarrier.arrive $0xFFFF;
	(pc) =	sbr.rel @!p1 .LBB3_1-.Ltmp4, $4  }
0x5b: {  	s7 =	sadd.s32 $0xF600, s4;
	[sflag:s6] =	ssyncpa.u1 $0x1;
	s6 =	sadd.s32 $0xF800, s4  }
0x5c: {  	s4 =	simm.s32 $0x2;
	s8 =	simm.s32 $0x0;
	p2 =	sle.u32 s10, $0x0  }
0x5d: {  	[sflag:s3] =	ssyncpa.u1 $0x0;
	(ifvalue) =	ssetifvalue $0x80;
	s12 =	sxor.u32 @!p2 $0xFFFFFFFF, s8  }
0x5e: {  	[sflag:s4] =	ssyncpa.u1 $0x0;
	s15 =	sshrl.u32 @!p2 s5, $0x3;
	s16 =	sand.u32 @!p2 $0x10, s12  }
0x5f: {  	s12 =	sadd.s32 @!p2 s7, s15  }
0x60: {  	s13 =	sor.u32 @!p2 $0x8, s16;
	s14 =	sand.u32 @!p2 $0x7, s5;
	p1 =	por $0x1, $0x1  }
0x61: {  	[tilespmem:s13], [sflag:$0x2] =	stream.linear.gather @!p2 [hbm4b:s12+s14], $0x10, $0x38;
	[tilespmem:$0x48] =	vst v63  }
0x62: {  	s15 =	sadd.s32 @!p2 s6, s15;
	s12 =	sor.u32 @!p2 $0x28, s16;
	s13 =	simm.s32 @!p1 $0x2  }
0x63: {  	[tilespmem:s12], [sflag:$0x2] =	stream.linear.gather @!p2 [hbm4b:s15+s14], $0x10, $0x38;
	[tilespmem:$0x48] =	vst v63  }
0x64: {  	_ =	swait.ge @!p1 [sflag:s13], $0x20  }
0x65: {  	s8 =	sand.u32 @!p1 $0x10, s8;
	[sflag:s13] =	ssyncset.done @!p1 $0x0  }
0x66: {  	s12 =	sor.u32 @!p1 $0x8, s8;
	[sflag:s13] =	ssyncadd.s32 @!p1 $0xFFFFFFE0  }
0x67: {  	v0 =	vld.msk @!p1 [tilespmem:s12+$0x0 ss:$0x1], $0xffff;
	_ =	sdelay $0x3  }
0x68: {  	p4 =	sne.s32 s11, $0x2  }
.Ltmp5:
0x69: {  	s18 =	simm.s32 @!p1 $0x0;
	s17 =	simm.s32 @!p1 $0x1;
	v0 =	vmin.u32 @!p1 v0, $0x80;
	(pc) =	sbr.rel @!p4 .LBB3_3-.Ltmp5, $4  }
0x6a: {  	s15 =	sadd.s32 $0x10, s5;
	p2 =	sle.u32 s10, $0x1;
	s14 =	smov.u32 s5  }
0x6b: {  	p3 =	slt.s32 s15, s9;
	s13 =	sor.u32 @!p1 $0x28, s8;
	s8 =	simm.s32 $0x10  }
0x6c: {  	s14 =	smov.u32 @p3 s15;
	p3 =	por $0x1, $0x1;
	s16 =	sxor.u32 @!p2 $0xFFFFFFFF, s8  }
0x6d: {  	vm0 =	vmmov @!p1 $0xffff;
	s15 =	sshrl.u32 @!p2 s14, $0x3;
	s12 =	simm.s32 $0x2;
	s16 =	sand.u32 @!p2 $0x10, s16  }
.LBB3_4:
0x6e: {  	[spmem:s18] =	stream.indirect_vreg.scatter.add.s32 @!p1 [tilespmem:s13], [sflag:$0x1], $0x1, v0, vm0, $0x4038;
	[tilespmem:$0x48] =	vst v63  }
0x6f: {  	s13 =	sadd.s32 @!p2 s7, s15;
	s18 =	sor.u32 @!p2 $0x8, s16;
	_ =	swait.ge @!p1 [sflag:s17], $0x10  }
0x70: {  	s19 =	smov.u32 s12;
	s12 =	sadd.s32 $0x1, s12;
	[sflag:s17] =	ssyncset.done @!p1 $0x0  }
0x71: {  	s20 =	sand.u32 @!p2 $0x7, s14;
	[sflag:s17] =	ssyncadd.s32 @!p1 $0xFFFFFFF0;
	p1 =	seq.s32 s8, $0x0  }
0x72: {  	[tilespmem:s18], [sflag:$0x2] =	stream.linear.gather @!p2 [hbm4b:s13+s20], $0x10, $0x38;
	[tilespmem:$0x48] =	vst v63  }
0x73: {  	s16 =	sor.u32 @!p2 $0x28, s16;
	s17 =	simm.s32 @!p1 $0x2;
	s13 =	sand.u32 @!p1 $0x10, s8  }
0x74: {  	s15 =	sadd.s32 @!p2 s6, s15;
	s18 =	sor.u32 @!p1 $0x8, s13;
	s13 =	sor.u32 @!p1 $0x28, s13  }
0x75: {  	[tilespmem:s16], [sflag:$0x2] =	stream.linear.gather @!p2 [hbm4b:s15+s20], $0x10, $0x38;
	[tilespmem:$0x48] =	vst v63  }
0x76: {  	p4 =	sne.s32 s11, s12;
	_ =	swait.ge @!p1 [sflag:s17], $0x20  }
0x77: {  	[sflag:s17] =	ssyncset.done @!p1 $0x0  }
0x78: {  	[sflag:s17] =	ssyncadd.s32 @!p1 $0xFFFFFFE0  }
0x79: {  	v0 =	vld.msk @!p1 [tilespmem:s18+$0x0 ss:$0x1], $0xffff;
	_ =	sdelay $0x5  }
.Ltmp6:
0x7a: {  	s8 =	sadd.s32 $0x10, s8;
	v0 =	vmin.u32 @!p1 v0, $0x80;
	(pc) =	sbr.rel @p4 .LBB3_4-.Ltmp6, $4  }
0x7b: {  	vm0 =	vmmov @!p1 $0xffff;
	s15 =	sadd.s32 $0x10, s14;
	p2 =	sge.u32 s19, s10;
	s18 =	simm.s32 @!p1 $0x0  }
0x7c: {  	s14 =	smov.u32 s5;
	p5 =	slt.s32 s15, s9;
	s17 =	simm.s32 @!p1 $0x1  }
0x7d: {  	s16 =	sxor.u32 @!p2 $0xFFFFFFFF, s8;
	s14 =	smov.u32 @p5 s15  }
0x7e: {  	s16 =	sand.u32 @!p2 $0x10, s16;
	s15 =	sshrl.u32 @!p2 s14, $0x3  }
0x7f: {  	s5 =	smov.u32 s14  }
.LBB3_6:
0x80: {  	_ =	sdelay $0x2  }
0x81: {  	p3 =	por p1, !p3  }
0x82: {  	[spmem:s18] =	stream.indirect_vreg.scatter.add.s32 @!p3 [tilespmem:s13], [sflag:$0x1], $0x1, v0, vm0, $0x4038;
	[tilespmem:$0x48] =	vst v63  }
0x83: {  	_ =	swait.ge @!p3 [sflag:s17], $0x10  }
0x84: {  	s7 =	sadd.s32 @!p2 s7, s15;
	s9 =	sor.u32 @!p2 $0x8, s16;
	[sflag:s17] =	ssyncset.done @!p3 $0x0  }
0x85: {  	s5 =	sand.u32 @!p2 $0x7, s5;
	p1 =	seq.s32 s8, $0x0;
	[sflag:s17] =	ssyncadd.s32 @!p3 $0xFFFFFFF0  }
0x86: {  	[tilespmem:s9], [sflag:$0x2] =	stream.linear.gather @!p2 [hbm4b:s7+s5], $0x10, $0x38;
	[tilespmem:$0x48] =	vst v63  }
0x87: {  	s6 =	sadd.s32 @!p2 s6, s15;
	s7 =	sor.u32 @!p2 $0x28, s16;
	s9 =	simm.s32 @!p1 $0x2  }
0x88: {  	[tilespmem:s7], [sflag:$0x2] =	stream.linear.gather @!p2 [hbm4b:s6+s5], $0x10, $0x38;
	[tilespmem:$0x48] =	vst v63  }
0x89: {  	_ =	swait.ge @!p1 [sflag:s9], $0x20  }
0x8a: {  	s5 =	sand.u32 @!p1 $0x10, s8;
	[sflag:s9] =	ssyncset.done @!p1 $0x0  }
0x8b: {  	s6 =	sor.u32 @!p1 $0x8, s5;
	[sflag:s9] =	ssyncadd.s32 @!p1 $0xFFFFFFE0  }
0x8c: {  	v0 =	vld.msk @!p1 [tilespmem:s6+$0x0 ss:$0x1], $0xffff;
	_ =	sdelay $0x4  }
0x8d: {  	v0 =	vmin.u32 @!p1 v0, $0x80;
	_ =	sdelay $0x3  }
0x8e: {  	vm0 =	vmmov @!p1 $0xffff;
	s7 =	simm.s32 @!p1 $0x1;
	s5 =	sor.u32 @!p1 $0x28, s5;
	s6 =	simm.s32 @!p1 $0x0  }
0x8f: {  	[spmem:s6] =	stream.indirect_vreg.scatter.add.s32 @!p1 [tilespmem:s5], [sflag:$0x1], $0x1, v0, vm0, $0x4038;
	[tilespmem:$0x48] =	vst v63  }
0x90: {  	_ =	swait.ge @!p1 [sflag:s7], $0x10  }
0x91: {  	[sflag:s7] =	ssyncset.done @!p1 $0x0  }
0x92: {  	[sflag:s7] =	ssyncadd.s32 @!p1 $0xFFFFFFF0  }
0x93: {  	_ =	sfence.sel $0x180000  }
0x94: {  	[bflag:$0x0] =	sbarrier.arrive $0xFFFF  }
0x95: {  	[sflag:s4] =	ssyncpa.u1 $0x1  }
0x96: {  	[sflag:s3] =	ssyncpa.u1 $0x1  }
0x97: {  	_ =	sfence.stream.spmem  }
0x98: {  	s31 =	simm.s32 $0x3D;
	[bflag:$0x0] =	sbarrier.arrive $0xFFFF  }
0x99: {  	s3 =	simm.s32 @p0 $0x3D;
	[sflag:s31] =	ssyncpa.u1 $0x0  }
0x9a: {  	[sflag:s3] =	ssyncpa.u1 @p0 $0x1  }
0x9b: {  	[bflag:$0x0] =	sbarrier.arrive @p0 $0xFFFF  }
0x9c: {  	_ =	strace @p0 $0x90000050  }
0x9d: {  	s3 =	simm.s32 @!p0 $0x1C3D;
	[bflag:$0x2] =	sbarrier.arrive @p0 $0xFFFF  }
0x9e: {  	[hbm:s1], [sflag:s3] =	dma.local @!p0 [spmem:s2], $0x10  }
0x9f: {  	s1 =	simm.s32 @!p0 $0x3D  }
0xa0: {  	_ =	swait.ge @!p0 [sflag:s1], $0x10  }
0xa1: {  	[sflag:s1] =	ssyncset.done @!p0 $0x0  }
0xa2: {  	[sflag:s1] =	ssyncadd.s32 @!p0 $0xFFFFFFF0  }
0xa3: {  	[sflag:s1] =	ssyncpa.u1 @!p0 $0x1  }
0xa4: {  	[bflag:$0x0] =	sbarrier.arrive @!p0 $0xFFFF  }
0xa5: {  	_ =	strace @!p0 $0x90000050  }
0xa6: {  	s0 =	sadd.s32 @!p0 $0x100000, s0;
	[bflag:$0x2] =	sbarrier.arrive @!p0 $0xFFFF  }
0xa7: {  	[sflag:s0] =	ssyncadd.tile.s32 @!p0 $0x1;
	_ =	shalt  }
.LBB3_1:
.Ltmp7:
0xa8: {  	(pc) =	sbr.rel .LBB3_6-.Ltmp7, $2  }
0xa9: {  	_ =	sdelay $0x2  }
0xaa: {  	_ = 	snop  }
.LBB3_3:
.Ltmp8:
0xab: {  	(pc) =	sbr.rel .LBB3_6-.Ltmp8, $2  }
0xac: {  	_ =	sdelay $0x2  }
0xad: {  	s5 =	smov.u32 s14  }
.Lfunc_end3:
_tile_overlayer_lowered:
.L_overlay_start_3:
0xae: {  	(tag) =	ssettag $0x3  }
0xaf: {  	s0 =	rddreg [dreg:$0x0];
	s2 =	stileid.u32  }
0xb0: {  	s1 =	rddreg [dreg:$0x1];
	p0 =	sne.s32 s2, $0x0  }
0xb1: {  	s3 =	rddreg [dreg:$0x2];
	[bflag:$0x3] =	sbarrier.arrive $0xFFFF;
	s2 =	simm.s32 @!p0 $0x1C01  }
0xb2: {  	[timem:s3], [sflag:s2] =	dma.local @!p0 [hbm:s0], s1  }
0xb3: {  	s0 =	simm.s32 @!p0 $0x1  }
0xb4: {  	_ =	swait.ge @!p0 [sflag:s0], s1  }
0xb5: {  	s1 =	ssub.s32 @!p0 $0x0, s1;
	[sflag:s0] =	ssyncset.done @!p0 $0x0  }
0xb6: {  	[sflag:s0] =	ssyncadd.s32 @!p0 s1  }
0xb7: {  	[bflag:$0x3] =	sbarrier.arrive $0xFFFF  }
0xb8: {  	_ =	shalt  }

// kernel: sparse-core-data-format-call.cloned.1.call-start
scs
called_computation.2_lowered:
.L_overlay_start_0:
0x0: {  	s1 =	sld [smem:$0x3FD9]  }
0x1: {  	s2 =	sld [smem:$0x3FFE];
	_ =	sdelay $0x1  }
0x2: {  	s3 =	srdreg.scid  }
0x3: {  	s0 =	sand.u32 $0x1, s3  }
0x4: {  	s17 =	sshll.u32 s0, $0xA;
	s1 =	sadd.s32 s2, s1  }
0x5: {  	s1 =	sadd.s32 s1, s17  }
0x6: {  	[smem:$0x3FC6] =	sst s1  }
0x7: {  	_ = 	snop  }
0x8: {  	(tm) =	ssettm $0x1  }
0x9: {  	s18 =	sld [smem:$0x3FFB];
	_ =	sdelay $0x3  }
0xa: {  	_ =	strace s18  }
0xb: {  	s1 =	sld [smem:$0x3FFC];
	_ =	sdelay $0x3  }
0xc: {  	_ =	strace s1  }
0xd: {  	s1 =	sld [smem:$0x3FFD];
	_ =	sdelay $0x3  }
0xe: {  	_ =	strace s1  }
0xf: {  	_ =	strace $0x8FFFFFFF  }
0x10: {  	s19 =	sld [smem:$0x3FDB];
	_ =	sdelay $0x1  }
0x11: {  	s20 =	simm.s32 $_scs_section_size  }
0x12: {  	s4 =	simm.s32 $_size__tile_overlayer_lowered;
	s5 =	simm.s32 $_tile_overlayer_lowered  }
0x13: {  	s23 =	simm.s32 $0x1BFF;
	s22 =	sshll.u32 s5, $0x1;
	s1 =	sadd.s32 s20, s19  }
0x14: {  	s6 =	simm.s32 $0x0;
	s21 =	sshll.u32 s4, $0x1;
	s4 =	sadd.s32 s22, s1  }
0x15: {  	[timem:s6], [sflag:s23] =	dma.local [hbm:s4], s21  }
0x16: {  	_ =	swait.ge [sflag:s23], s21  }
0x17: {  	s2 =	ssub.s32 $0x0, s21;
	[sflag:s23] =	ssyncset.done $0x0  }
0x18: {  	[sflag:s23] =	ssyncadd.s32 s2;
	_ =	sdelay $0x1  }
0x19: {  	s24 =	simm.s32 $0x1B8B  }
0x1a: {  	_ =	swait.ge [sflag:s24], $0x1  }
0x1b: {  	[sflag:s24] =	ssyncset.done $0x0  }
0x1c: {  	s26 =	simm.s32 $0x1B8E;
	s25 =	sld [smem:$0x3FFE];
	[sflag:s24] =	ssyncadd.s32 $0xFFFFFFFF  }
0x1d: {  	s27 =	simm.s32 $execute0_lowered;
	[smem:$0x3FD2] =	sst s26  }
0x1e: {  	s4 =	sshll.u32 s27, $0x1;
	_ =	strace $0x80000046;
	[dreg:$0x1] =	wrdreg $0xFFFFFFFF  }
0x1f: {  	s28 =	simm.s32 $_size_execute0_lowered;
	s1 =	sadd.s32 s1, s4;
	[dreg:$0x0] =	wrdreg $0x0  }
0x20: {  	s4 =	sshll.u32 s28, $0x1;
	[dreg:$0x2] =	wrdreg s1  }
0x21: {  	[dreg:$0x3] =	wrdreg s4  }
0x22: {  	[dreg:$0x4] =	wrdreg $0xC0  }
0x23: {  	_ =	task [dreg:s6], $0x5FFFF  }
0x24: {  	[dreg:$0x1] =	wrdreg $0xFFFFFFFF  }
0x25: {  	[dreg:$0x0] =	wrdreg $0x60  }
0x26: {  	[dreg:$0x2] =	wrdreg s25  }
0x27: {  	[dreg:$0x3] =	wrdreg $0x9  }
0x28: {  	_ =	task.clear_ibuf [dreg:s6], $0x4FFFF;
	_ =	strace $0x90000046  }
0x29: {  	s29 =	simm.s32 $0x9;
	_ =	strace $0x80000048  }
0x2a: {  	_ =	swait.ge [sflag:s29], $0x1  }
0x2b: {  	[sflag:s29] =	ssyncadd.s32 $0xFFFFFFFF  }
0x2c: {  	_ =	strace $0x90000048  }
0x2d: {  	_ =	sfence  }
0x2e: {  	s30 =	sld [smem:$0x0];
	_ =	sdelay $0x2  }
0x2f: {  	s31 =	sshll.u32 s3, $0xD;
	s3 =	sshrl.u32 s3, $0x2  }
0x30: {  	s2 =	sand.u32 $0x4000, s31;
	s1 =	sadd.s32 s3, s30  }
0x31: {  	s0 =	sor.u32 s2, s0;
	s1 =	sshll.u32 s1, $0x11  }
0x32: {  	s0 =	sor.u32 s1, s0  }
0x33: {  	s0 =	sadd.s32 $0x8F2B, s0  }
0x34: {  	[sflag:s0] =	ssyncadd.remote.s32 $0x1  }
0x35: {  	_ =	sfence.sel $0xFFFF  }
0x36: {  	[dreg:$0x0] =	wrdreg $0xFFFFFFFF;
	(pc) =	sbr.abs _section_cstart, $3  }
0x37: {  	[dreg:$0x1] =	wrdreg $0xFFFFFFFF  }
0x38: {  	_ =	task.clear_ibuf [dreg:s6], $0x2FFFF;
	_ =	strace $0x9FFFFFFF  }
0x39: {  	(tm) =	ssettm $0x7FFFFFFF  }
tec
execute0_lowered:
.L_overlay_start_1:
0x0: {  	(tag) =	ssettag $0x1  }
0x1: {  	s0 =	srdreg.scid;
	s3 =	rddreg [dreg:$0x0]  }
0x2: {  	s6 =	simm.s32 $0x2;
	s17 =	simm.s32 $0x0;
	s8 =	simm.s32 $0x1FE400  }
0x3: {  	s9 =	simm.s32 $0x0;
	s19 =	simm.s32 $0x0;
	s1 =	sshll.u32 s0, $0x4  }
0x4: {  	s18 =	simm.s32 $0x0;
	s0 =	stileid.u32;
	s1 =	sand.u32 $0x10, s1  }
0x5: {  	s10 =	simm.s32 $0x0;
	s11 =	simm.s32 $0x0;
	s1 =	sor.u32 s0, s1  }
0x6: {  	s12 =	simm.s32 $0x0;
	s14 =	simm.s32 $0x0;
	s2 =	sshll.u32 s1, $0x7  }
.Ltmp0:
0x7: {  	s15 =	simm.s32 $0x0;
	s4 =	ssub.s32 $0x4E00, s2;
	(pc) =	sbr.rel .LBB1_1-.Ltmp0, $4  }
0x8: {  	s16 =	simm.s32 $0x0;
	s1 =	rddreg [dreg:$0x1];
	s5 =	sshrl.u32 s4, $0xC  }
0x9: {  	_ =	strace $0x80000047;
	s4 =	simm.s32 $0x1;
	s7 =	smul.u32 $0x19, s5  }
0xa: {  	s13 =	smov.u32 s2;
	[sflag:s4] =	ssyncpa.u1 $0x0;
	s5 =	sadd.s32 $0x7AA800, s3  }
0xb: {  	[sflag:s6] =	ssyncpa.u1 $0x0;
	s6 =	sadd.s32 $0x19, s7;
	s7 =	sadd.s32 $0x1A, s7  }
.LBB1_7:
0xc: {  	p0 =	slt.u32 s16, $0x2  }
0xd: {  	s20 =	smov.u32 s19;
	p1 =	sgt.s32 @!p0 s19, $0xFFFFFFF9  }
0xe: {  	s21 =	sshra.s32 @!p0 s19, $0x1F;
	s22 =	sshra.s32 @!p0 s18, $0x1F;
	p1 =	por !p1, p0  }
0xf: {  	s19 =	sand.u32 @!p0 s21, s19;
	s20 =	simm.s32 @p1 $0xFFFFFFF9;
	p1 =	sgt.s32 @!p0 s18, $0x64  }
0x10: {  	s21 =	smov.u32 s18;
	p1 =	por !p1, p0;
	s19 =	ssub.s32 @!p0 s20, s19  }
0x11: {  	s18 =	sand.u32 @!p0 s22, s18;
	s21 =	simm.s32 @p1 $0x64;
	s20 =	sadd.s32 @!p0 $0x7, s19  }
0x12: {  	p1 =	sgt.s32 @!p0 s17, $0x4E00;
	s18 =	ssub.s32 @!p0 s21, s18;
	p2 =	sgt.s32 @!p0 s20, $0x1F  }
0x13: {  	p1 =	por !p1, p0;
	s21 =	smov.u32 s17;
	s20 =	sadd.s32 @!p0 $0xFFFFFF9C, s18  }
0x14: {  	s21 =	simm.s32 @p1 $0x4E00;
	p1 =	sgt.s32 @!p0 s20, $0x3;
	s20 =	sshra.s32 @!p0 s17, $0x1F  }
0x15: {  	s19 =	ssub.s32 @!p0 $0x19, s19;
	p2 =	por !p2, p0;
	s17 =	sand.u32 @!p0 s20, s17  }
0x16: {  	s18 =	ssub.s32 @!p0 $0x68, s18;
	p1 =	por !p1, p0;
	s17 =	ssub.s32 @!p0 s21, s17  }
0x17: {  	s19 =	simm.s32 @!p2 $0x0;
	s18 =	simm.s32 @!p1 $0x0;
	s20 =	sadd.s32 @!p0 $0xFFFFB200, s17  }
0x18: {  	s21 =	smov.u32 s14;
	s18 =	smul.u32 @!p0 s18, s19;
	p1 =	sgt.s32 @!p0 s20, $0x7F  }
0x19: {  	s17 =	ssub.s32 @!p0 $0x4E80, s17;
	s20 =	sadd.s32 $0x1000, s13;
	p1 =	por !p1, p0  }
0x1a: {  	s19 =	sadd.s32 $0x20, s14;
	s17 =	simm.s32 @!p1 $0x0;
	p1 =	sgt.s32 s20, $0x4E1F  }
0x1b: {  	s22 =	smov.u32 s15;
	s21 =	smov.u32 @p1 s19  }
0x1c: {  	s17 =	smul.u32 @!p0 s17, s18;
	s18 =	sadd.s32 $0x4, s15;
	p2 =	sgt.s32 s21, $0x18  }
0x1d: {  	s9 =	sadd.s32 $0x4000, s9;
	s23 =	simm.s32 @!p0 $0x2;
	s22 =	smov.u32 @p2 s18  }
0x1e: {  	s20 =	smov.u32 @p1 s2;
	s19 =	smov.u32 s11;
	p1 =	sgt.s32 s22, $0x63  }
0x1f: {  	s11 =	smov.u32 s14;
	s22 =	simm.s32 @p1 $0x0;
	p1 =	sne.s32 s16, s7  }
.Ltmp1:
0x20: {  	s17 =	sand.u32 @!p0 $0x3FFFFFFF, s17;
	s21 =	simm.s32 @p2 $0x0;
	(pc) =	sbr.rel @!p1 .LBB1_8-.Ltmp1, $4  }
0x21: {  	s18 =	smov.u32 s12;
	s12 =	smov.u32 s15;
	_ =	swait.ge @!p0 [sflag:s23], s17  }
0x22: {  	s24 =	ssub.s32 @!p0 $0x0, s17;
	s17 =	smov.u32 s10;
	s10 =	smov.u32 s13  }
0x23: {  	s13 =	smov.u32 s20;
	s14 =	smov.u32 s21;
	[sflag:s23] =	ssyncset.done @!p0 $0x0  }
0x24: {  	s16 =	sadd.s32 $0x1, s16;
	[sflag:s23] =	ssyncadd.s32 @!p0 s24;
	s15 =	smov.u32 s22  }
.LBB1_1:
0x25: {  	p0 =	sge.u32 s16, s6  }
0x26: {  	s20 =	sshrl.u32 @!p0 s14, $0x3  }
0x27: {  	s21 =	sshll.u32 @!p0 s13, $0x3;
	s20 =	smul.u32 @!p0 $0x27400, s20  }
0x28: {  	s22 =	sshll.u32 @!p0 s14, $0x7;
	s21 =	sand.u32 @!p0 $0xFFFFFC00, s21  }
0x29: {  	s20 =	sadd.s32 @!p0 s20, s21;
	s21 =	sand.u32 @!p0 $0x380, s22  }
0x2a: {  	s22 =	sand.u32 @!p0 $0x7F, s13;
	s20 =	sor.u32 @!p0 s21, s20  }
0x2b: {  	s21 =	sor.u32 @!p0 s22, s20  }
0x2c: {  	s22 =	smulhi.u32 @!p0 $0x342DA7F3, s21  }
0x2d: {  	s20 =	smulhi.u32 @!p0 $0x342DA7F3, s20  }
0x2e: {  	s22 =	sshrl.u32 @!p0 s22, $0xC  }
0x2f: {  	s20 =	sshrl.u32 @!p0 s20, $0xC;
	s22 =	smul.u32 @!p0 $0x4E80, s22  }
0x30: {  	s23 =	sxor.u32 @!p0 $0xFFFFFFFF, s16;
	s24 =	smul.u32 @!p0 $0x13A00, s15;
	s20 =	sand.u32 @!p0 $0x1F, s20  }
0x31: {  	s23 =	sshll.u32 @!p0 s23, $0xE;
	s20 =	smul.u32 @!p0 $0x9D0, s20;
	s21 =	ssub.s32 @!p0 s21, s22  }
0x32: {  	s22 =	sand.u32 @!p0 $0x4000, s23;
	s23 =	sadd.s32 @!p0 s3, s24;
	s24 =	sand.u32 @!p0 $0x7, s21  }
0x33: {  	s21 =	sshrl.u32 @!p0 s21, $0x3;
	s20 =	sadd.s32 @!p0 s20, s23;
	s23 =	sshll.u32 @!p0 s24, $0x12  }
0x34: {  	s20 =	sadd.s32 @!p0 s21, s20;
	s21 =	sor.u32 @!p0 $0x400, s23;
	s23 =	simm.s32 @!p0 $0x27400  }
0x35: {  	[tilespmem:s22], [sflag:$0x1] =	stream.strided.gather @!p0 [hbm4b:s20+s21], $0x4000, s23, s21, $0x38;
	[tilespmem:$0x10000] =	vst v63  }
0x36: {  	p0 =	seq.s32 s16, $0x0  }
0x37: {  	p1 =	sge.u32 @!p0 s16, s7  }
0x38: {  	p0 =	por p0, p1  }
.Ltmp2:
0x39: {  	_ = 	snop;
	(pc) =	sbr.rel @p0 .LBB1_7-.Ltmp2, $1  }
0x3a: {  	_ =	sdelay $0x3  }
0x3b: {  	s20 =	sand.u32 $0x4000, s9  }
0x3c: {  	_ =	swait.ge [sflag:s4], $0x4000;
	s23 =	sshll.u32 s16, $0xE;
	s21 =	sor.u32 $0x8040, s20  }
0x3d: {  	s22 =	sor.u32 $0x40, s20;
	[sflag:s4] =	ssyncset.done $0x0;
	s31 =	sand.u32 $0x4000, s23  }
0x3e: {  	s23 =	simm.s32 $0x0;
	[sflag:s4] =	ssyncadd.s32 $0xFFFFC000;
	s20 =	sor.u32 $0x8000, s31  }
.LBB1_3:
0x3f: {  	v0 =	vmov s22;
	_ =	sdelay $0x3  }
0x40: {  	s25 =	simm.s32 $0x0  }
0x41: {  	v6 =	vld.idx.msk [tilespmem:v0+s25+$0x30 ss:$0x1], $0xffff  }
0x42: {  	v7 =	vld.idx.msk [tilespmem:v0+s25+$0xFFFFFFC0 ss:$0x1], $0xffff  }
0x43: {  	v5 =	vld.idx.msk [tilespmem:v0+s25+$0xFFFFFFD0 ss:$0x1], $0xffff  }
0x44: {  	v4 =	vld.idx.msk [tilespmem:v0+s25+$0xFFFFFFE0 ss:$0x1], $0xffff  }
0x45: {  	v3 =	vld.idx.msk [tilespmem:v0+s25+$0xFFFFFFF0 ss:$0x1], $0xffff  }
0x46: {  	v1 =	vld.idx.msk [tilespmem:v0+s25+$0x0 ss:$0x1], $0xffff  }
0x47: {  	v2 =	vld.idx.msk [tilespmem:v0+s25+$0x10 ss:$0x1], $0xffff;
	[tilespmem:s21+$0x30] =	vst v6  }
0x48: {  	s24 =	simm.s32 $0x80;
	s26 =	simm.s32 $0x400;
	[tilespmem:s21+$0xFFFFFFC0] =	vst v7;
	v6 =	vld.idx.msk [tilespmem:v0+s25+$0x20 ss:$0x1], $0xffff;
	s25 =	smov.u32 s21  }
.LBB1_4:
0x49: {  	p0 =	sne.s32 s26, $0x3E00;
	v7 =	vld.idx.msk [tilespmem:v0+s24+$0x30 ss:$0x1], $0xffff;
	[tilespmem:s25+$0xFFFFFFD0] =	vst v5  }
0x4a: {  	v8 =	vld.idx.msk [tilespmem:v0+s24+$0xFFFFFFC0 ss:$0x1], $0xffff;
	[tilespmem:s25+$0xFFFFFFE0] =	vst v4  }
0x4b: {  	v5 =	vld.idx.msk [tilespmem:v0+s24+$0xFFFFFFD0 ss:$0x1], $0xffff;
	[tilespmem:s25+$0xFFFFFFF0] =	vst v3  }
.Ltmp3:
0x4c: {  	v4 =	vld.idx.msk [tilespmem:v0+s24+$0xFFFFFFE0 ss:$0x1], $0xffff;
	[tilespmem:s25+$0x0] =	vst v1;
	(pc) =	sbr.rel @p0 .LBB1_4-.Ltmp3, $4  }
0x4d: {  	v3 =	vld.idx.msk [tilespmem:v0+s24+$0xFFFFFFF0 ss:$0x1], $0xffff;
	[tilespmem:s25+$0x10] =	vst v2  }
0x4e: {  	v1 =	vld.idx.msk [tilespmem:v0+s24+$0x0 ss:$0x1], $0xffff;
	[tilespmem:s25+$0x20] =	vst v6;
	s25 =	sadd.s32 $0x200, s25  }
0x4f: {  	v2 =	vld.idx.msk [tilespmem:v0+s24+$0x10 ss:$0x1], $0xffff;
	[tilespmem:s25+$0x30] =	vst v7  }
0x50: {  	[tilespmem:s25+$0xFFFFFFC0] =	vst v8;
	v6 =	vld.idx.msk [tilespmem:v0+s24+$0x20 ss:$0x1], $0xffff;
	s24 =	sshra.s32 s26, $0x2;
	s26 =	sadd.s32 $0x200, s26  }
0x51: {  	_ =	sdelay $0x2  }
0x52: {  	[tilespmem:s25+$0xFFFFFFD0] =	vst v5  }
0x53: {  	v56 =	vld.idx.msk [tilespmem:v0+s24+$0x30 ss:$0x1], $0xffff;
	[tilespmem:s25+$0xFFFFFFE0] =	vst v4  }
0x54: {  	v57 =	vld.idx.msk [tilespmem:v0+s24+$0xFFFFFFC0 ss:$0x1], $0xffff;
	[tilespmem:s25+$0xFFFFFFF0] =	vst v3  }
0x55: {  	v58 =	vld.idx.msk [tilespmem:v0+s24+$0xFFFFFFD0 ss:$0x1], $0xffff;
	[tilespmem:s25+$0x0] =	vst v1  }
0x56: {  	v59 =	vld.idx.msk [tilespmem:v0+s24+$0xFFFFFFE0 ss:$0x1], $0xffff;
	[tilespmem:s25+$0x10] =	vst v2  }
0x57: {  	v60 =	vld.idx.msk [tilespmem:v0+s24+$0xFFFFFFF0 ss:$0x1], $0xffff;
	s31 =	sadd.s32 $0x200, s25;
	[tilespmem:s25+$0x20] =	vst v6  }
0x58: {  	v61 =	vld.idx.msk [tilespmem:v0+s24+$0x0 ss:$0x1], $0xffff;
	[tilespmem:s31+$0x30] =	vst v56  }
0x59: {  	v62 =	vld.idx.msk [tilespmem:v0+s24+$0x10 ss:$0x1], $0xffff;
	s23 =	sadd.s32 $0x1, s23;
	[tilespmem:s31+$0xFFFFFFC0] =	vst v57  }
0x5a: {  	v63 =	vld.idx.msk [tilespmem:v0+s24+$0x20 ss:$0x1], $0xffff;
	p0 =	sne.s32 s23, $0x4;
	[tilespmem:s31+$0xFFFFFFD0] =	vst v58  }
.Ltmp4:
0x5b: {  	[tilespmem:s31+$0xFFFFFFE0] =	vst v59;
	(pc) =	sbr.rel @p0 .LBB1_3-.Ltmp4, $4  }
0x5c: {  	[tilespmem:s31+$0xFFFFFFF0] =	vst v60  }
0x5d: {  	[tilespmem:s31+$0x0] =	vst v61  }
0x5e: {  	[tilespmem:s31+$0x10] =	vst v62  }
0x5f: {  	s21 =	sadd.s32 $0x80, s21;
	s22 =	sadd.s32 $0x1000, s22;
	[tilespmem:s31+$0x20] =	vst v63  }
0x60: {  	s21 =	sshrl.u32 s12, $0x3;
	s22 =	sshll.u32 s10, $0x3  }
0x61: {  	s23 =	sshll.u32 s12, $0x7;
	s28 =	sand.u32 $0x7F, s10;
	p0 =	sgt.s32 s11, $0xFFFFFFF9  }
0x62: {  	s24 =	smov.u32 s11;
	s25 =	sshra.s32 s11, $0x1F;
	s29 =	sshra.s32 s10, $0x1F  }
0x63: {  	s21 =	smul.u32 $0x27400, s21;
	s22 =	sand.u32 $0xFFFFFC00, s22;
	s27 =	sand.u32 $0x380, s23  }
0x64: {  	s24 =	simm.s32 @!p0 $0xFFFFFFF9;
	s25 =	sand.u32 s25, s11;
	p0 =	sgt.s32 s12, $0x64  }
0x65: {  	s24 =	ssub.s32 s24, s25;
	s25 =	smov.u32 s12;
	s21 =	sadd.s32 s21, s22  }
0x66: {  	s31 =	smul.u32 $0x3FC80, s11;
	s25 =	simm.s32 @!p0 $0x64;
	s21 =	sor.u32 s27, s21  }
0x67: {  	s27 =	sshra.s32 s12, $0x1F;
	s22 =	sor.u32 s28, s21;
	s21 =	smulhi.u32 $0x342DA7F3, s21  }
0x68: {  	s28 =	sadd.s32 $0x7, s24;
	s27 =	sand.u32 s27, s12;
	s24 =	ssub.s32 $0x19, s24  }
0x69: {  	s23 =	smulhi.u32 $0x342DA7F3, s22;
	p0 =	sgt.s32 s28, $0x1F;
	s25 =	ssub.s32 s25, s27  }
0x6a: {  	s28 =	smov.u32 s10;
	s21 =	sshrl.u32 s21, $0xC;
	s24 =	simm.s32 @p0 $0x0  }
0x6b: {  	s27 =	sadd.s32 $0xFFFFFF9C, s25;
	p0 =	sgt.s32 s10, $0x4E00;
	s26 =	smulhi.u32 $0x2762763, s21  }
0x6c: {  	s25 =	ssub.s32 $0x68, s25;
	s23 =	sshrl.u32 s23, $0xC;
	s28 =	simm.s32 @!p0 $0x4E00  }
0x6d: {  	p0 =	sgt.s32 s27, $0x3;
	s27 =	sand.u32 s29, s10;
	s26 =	smul.u32 $0x68, s26  }
0x6e: {  	s27 =	ssub.s32 s28, s27;
	s23 =	smul.u32 $0x4E80, s23;
	s25 =	simm.s32 @p0 $0x0  }
0x6f: {  	s24 =	smul.u32 s25, s24;
	s30 =	sadd.s32 $0xFFFFB200, s27;
	s21 =	ssub.s32 s21, s26  }
0x70: {  	s25 =	ssub.s32 $0x4E80, s27;
	p0 =	sgt.s32 s30, $0x7F;
	s21 =	smul.u32 $0x9D0, s21  }
.Ltmp5:
0x71: {  	s22 =	ssub.s32 s22, s23;
	s25 =	simm.s32 @p0 $0x0;
	(pc) =	sbr.rel .LBB1_7-.Ltmp5, $4  }
0x72: {  	s28 =	sadd.s32 s5, s31;
	s29 =	sand.u32 $0x7, s22;
	s27 =	smul.u32 s25, s24  }
0x73: {  	s22 =	sshrl.u32 s22, $0x3;
	s30 =	sshll.u32 s29, $0x12;
	s21 =	sadd.s32 s21, s28  }
0x74: {  	s31 =	sor.u32 $0x200, s30;
	s23 =	sand.u32 $0x3FFFFFFF, s27;
	s21 =	sadd.s32 s22, s21  }
0x75: {  	[hbm4b:s21+s31] =	stream.strided.scatter [tilespmem:s20], [sflag:$0x2], s23, s8, s31, $0x38;
	[tilespmem:$0x10000] =	vst v63  }
.LBB1_8:
0x76: {  	_ =	sfence.sel $0x180000  }
0x77: {  	s2 =	simm.s32 $0x1;
	[bflag:$0x0] =	sbarrier.arrive $0xFFFF  }
0x78: {  	s31 =	simm.s32 $0x2;
	[sflag:s2] =	ssyncpa.u1 $0x1  }
0x79: {  	[sflag:s31] =	ssyncpa.u1 $0x1  }
0x7a: {  	p0 =	sne.s32 s0, $0x0;
	_ =	strace $0x90000047  }
0x7b: {  	s0 =	sadd.s32 @!p0 $0x100000, s1;
	[bflag:$0x2] =	sbarrier.arrive $0xFFFF  }
0x7c: {  	[sflag:s0] =	ssyncadd.tile.s32 @!p0 $0x1;
	_ =	shalt  }
.Lfunc_end1:
_tile_overlayer_lowered:
.L_overlay_start_2:
0x7d: {  	(tag) =	ssettag $0x2  }
0x7e: {  	s0 =	rddreg [dreg:$0x0];
	s2 =	stileid.u32  }
0x7f: {  	s1 =	rddreg [dreg:$0x1];
	p0 =	sne.s32 s2, $0x0  }
0x80: {  	s3 =	rddreg [dreg:$0x2];
	[bflag:$0x3] =	sbarrier.arrive $0xFFFF;
	s2 =	simm.s32 @!p0 $0x1C01  }
0x81: {  	[timem:s3], [sflag:s2] =	dma.local @!p0 [hbm:s0], s1  }
0x82: {  	s0 =	simm.s32 @!p0 $0x1  }
0x83: {  	_ =	swait.ge @!p0 [sflag:s0], s1  }
0x84: {  	s1 =	ssub.s32 @!p0 $0x0, s1;
	[sflag:s0] =	ssyncset.done @!p0 $0x0  }
0x85: {  	[sflag:s0] =	ssyncadd.s32 @!p0 s1  }
0x86: {  	[bflag:$0x3] =	sbarrier.arrive $0xFFFF  }
0x87: {  	_ =	shalt  }

</sc_bundles>
